<compile_context>
chip_gen: v7x
topology: tpu7x:2x2x1
jax: 0.10.2.dev20260603
libtpu: 0.0.44.dev20260713+nightly
codegen_flags: <defaults>
</compile_context>

<pallas_src>
import functools

import jax
import jax.numpy as jnp
from jax import lax
from jax.experimental import pallas as pl
from jax.experimental.pallas import tpu as pltpu
from jax.experimental.pallas import tpu_sc as plsc

N = 10000
NP = 10240
E = 320000
D = 128

NC = 2
NS = 16
NW = NC * NS
DUMP = NP - 1
EPT = E // NW

CHD = 128
NCH_DEG = 80
DEG_LAG = 8

CH = 80
NCHUNK = EPT // CH
RPT = NP // NS

_mesh = plsc.VectorSubcoreMesh(core_axis_name="c", subcore_axis_name="s")


@functools.partial(
    pl.kernel,
    mesh=_mesh,
    out_type=jax.ShapeDtypeStruct((NC, NP), jnp.float32),
    scratch_types=[
        pltpu.VMEM((NCH_DEG, CHD), jnp.int32),
        pltpu.VMEM((CHD,), jnp.float32),
        pltpu.VMEM_SHARED((NP,), jnp.float32),
        pltpu.SemaphoreType.DMA,
    ],
)
def _sc_degree(dst_hbm, zero_hbm, out_hbm, didx, ones, acc, sem):
    c = lax.axis_index("c")
    s = lax.axis_index("s")
    wid = s * NC + c
    r0 = s * RPT
    pltpu.sync_copy(zero_hbm.at[pl.ds(r0, RPT)], acc.at[pl.ds(r0, RPT)])
    pltpu.sync_copy(dst_hbm.at[wid], didx)
    for i in range(CHD // 16):
        ones[pl.ds(i * 16, 16)] = jnp.full((16,), 1.0, jnp.float32)
    plsc.subcore_barrier()

    for i in range(DEG_LAG):
        pltpu.async_copy(ones, acc.at[didx.at[i]], sem, add=True)

    def body(i, carry):
        pltpu.async_copy(ones, acc.at[didx.at[i + DEG_LAG]], sem, add=True)
        pltpu.make_async_copy(ones, acc.at[didx.at[0]], sem).wait()
        return carry

    lax.fori_loop(0, NCH_DEG - DEG_LAG, body, 0)
    for _ in range(DEG_LAG):
        pltpu.make_async_copy(ones, acc.at[didx.at[0]], sem).wait()
    plsc.subcore_barrier()
    pltpu.sync_copy(acc.at[pl.ds(r0, RPT)], out_hbm.at[c, pl.ds(r0, RPT)])


@functools.partial(
    pl.kernel,
    mesh=_mesh,
    out_type=jax.ShapeDtypeStruct((NC, NP, D), jnp.float32),
    scratch_types=[
        [pltpu.VMEM((CH,), jnp.int32)] * 4,
        [pltpu.VMEM((CH,), jnp.int32)] * 4,
        [pltpu.VMEM((CH, D), jnp.float32)] * 4,
        pltpu.VMEM_SHARED((NP, D), jnp.float32),
        [pltpu.SemaphoreType.DMA] * 4,
        [pltpu.SemaphoreType.DMA] * 4,
        [pltpu.SemaphoreType.DMA] * 4,
    ],
)
def _sc_scatter(hp_hbm, src_hbm, dst_hbm, zero_hbm, out_hbm,
                sidx, didx, rows, acc, isems, gsems, ssems):
    c = lax.axis_index("c")
    s = lax.axis_index("s")
    wid = s * NC + c
    r0 = s * RPT
    pltpu.sync_copy(zero_hbm.at[pl.ds(r0, RPT)], acc.at[pl.ds(r0, RPT)])
    plsc.subcore_barrier()
    base = wid * EPT

    def group(e0, w):
        ic, gc, sc = [], [], []
        for k in range(w):
            eb = e0 + k * CH
            ic.append(pltpu.async_copy(
                src_hbm.at[pl.ds(eb, CH)], sidx[k], isems[k]))
            ic.append(pltpu.async_copy(
                dst_hbm.at[pl.ds(eb, CH)], didx[k], isems[k]))
        for k in range(w):
            ic[2 * k].wait()
            ic[2 * k + 1].wait()
            gc.append(pltpu.async_copy(
                hp_hbm.at[sidx[k]], rows[k], gsems[k]))
        for k in range(w):
            gc[k].wait()
            sc.append(pltpu.async_copy(
                rows[k], acc.at[didx[k]], ssems[k], add=True))
        for k in range(w):
            sc[k].wait()

    def body(t, carry):
        group(base + (4 * t) * CH, 4)
        return carry

    lax.fori_loop(0, NCHUNK // 4, body, 0)
    group(base + (NCHUNK - NCHUNK % 4) * CH, NCHUNK % 4)

    plsc.subcore_barrier()
    pltpu.sync_copy(acc.at[pl.ds(r0, RPT)], out_hbm.at[c, pl.ds(r0, RPT)])


R = 1024
GRID = NP // R


def _tc_first_body(x_ref, w_ref, dp_ref, hp_ref, dinv_ref):
    dp = dp_ref[...]
    dinv = lax.rsqrt(dp[:, 0:1] + dp[:, 1:2] + 1.0)
    h = jnp.dot(x_ref[...], w_ref[...], preferred_element_type=jnp.float32)
    hp_ref[...] = h * dinv
    dinv_ref[...] = dinv


_tc_first = pl.pallas_call(
    _tc_first_body,
    grid=(GRID,),
    in_specs=[
        pl.BlockSpec((R, D), lambda i: (i, 0)),
        pl.BlockSpec((D, D), lambda i: (0, 0)),
        pl.BlockSpec((R, 2), lambda i: (i, 0)),
    ],
    out_specs=[
        pl.BlockSpec((R, D), lambda i: (i, 0)),
        pl.BlockSpec((R, 1), lambda i: (i, 0)),
    ],
    out_shape=[
        jax.ShapeDtypeStruct((NP, D), jnp.float32),
        jax.ShapeDtypeStruct((NP, 1), jnp.float32),
    ],
)


def _tc_mid_body(p_ref, hp_ref, dinv_ref, b_ref, w_ref, out_ref):
    dinv = dinv_ref[...]
    pp = p_ref[...]
    z = jnp.maximum(dinv * (pp[0] + pp[1] + hp_ref[...]) + b_ref[...], 0.0)
    out_ref[...] = jnp.dot(
        z, w_ref[...], preferred_element_type=jnp.float32) * dinv


_tc_mid = pl.pallas_call(
    _tc_mid_body,
    grid=(GRID,),
    in_specs=[
        pl.BlockSpec((NC, R, D), lambda i: (0, i, 0)),
        pl.BlockSpec((R, D), lambda i: (i, 0)),
        pl.BlockSpec((R, 1), lambda i: (i, 0)),
        pl.BlockSpec((1, D), lambda i: (0, 0)),
        pl.BlockSpec((D, D), lambda i: (0, 0)),
    ],
    out_specs=pl.BlockSpec((R, D), lambda i: (i, 0)),
    out_shape=jax.ShapeDtypeStruct((NP, D), jnp.float32),
)


def _tc_last_body(p_ref, hp_ref, dinv_ref, b_ref, out_ref):
    pp = p_ref[...]
    out_ref[...] = dinv_ref[...] * (pp[0] + pp[1] + hp_ref[...]) + b_ref[...]


_tc_last = pl.pallas_call(
    _tc_last_body,
    grid=(GRID,),
    in_specs=[
        pl.BlockSpec((NC, R, D), lambda i: (0, i, 0)),
        pl.BlockSpec((R, D), lambda i: (i, 0)),
        pl.BlockSpec((R, 1), lambda i: (i, 0)),
        pl.BlockSpec((1, D), lambda i: (0, 0)),
    ],
    out_specs=pl.BlockSpec((R, D), lambda i: (i, 0)),
    out_shape=jax.ShapeDtypeStruct((NP, D), jnp.float32),
)


def kernel(x, edge_index, edge_attr, W1, b1, W2, b2, W3, b3):
    del edge_attr
    src = edge_index[0].astype(jnp.int32)
    dst = edge_index[1].astype(jnp.int32)

    pad_deg = ((0, 0), (0, NCH_DEG * CHD - EPT))
    dst_deg = jnp.pad(dst.reshape(NW, EPT), pad_deg,
                      constant_values=DUMP).reshape(NW, NCH_DEG, CHD)

    xp = jnp.concatenate([x, jnp.zeros((NP - N, D), x.dtype)], axis=0)
    zeros1 = jnp.zeros((NP,), jnp.float32)
    zeros2 = jnp.zeros((NP, D), jnp.float32)

    degp = _sc_degree(dst_deg, zeros1)
    degpT = degp.T

    hp1, dinv = _tc_first(xp, W1, degpT)
    p1 = _sc_scatter(hp1, src, dst, zeros2)
    hp2 = _tc_mid(p1, hp1, dinv, b1.reshape(1, D), W2)
    p2 = _sc_scatter(hp2, src, dst, zeros2)
    hp3 = _tc_mid(p2, hp2, dinv, b2.reshape(1, D), W3)
    p3 = _sc_scatter(hp3, src, dst, zeros2)
    out = _tc_last(p3, hp3, dinv, b3.reshape(1, D))
    return out[:N]

# --- scband reference (transcript-rebuilt; emitter-appended) ---
"""Pipeline reference for scband-gcn-17231408791577 (READ-ONLY COPY).

The authoritative reference and input builder live on the scoring server;
editing this copy changes nothing except your own understanding.
"""

import jax, jax.numpy as jnp
import numpy as np

N = 10000
E = 320000
D = 128


def setup_inputs(seed: int = 0) -> dict:
    key = jax.random.key(seed)
    ks = jax.random.split(key, 10)
    x = jax.random.normal(ks[0], (N, D), dtype=jnp.float32)
    edge_index = jax.random.randint(ks[1], (2, E), 0, N).astype(jnp.int64)
    edge_attr = jax.random.normal(ks[2], (E, 4), dtype=jnp.float32)
    s = 1.0 / np.sqrt(D)
    W1 = jax.random.uniform(ks[3], (D, D), minval=-s, maxval=s, dtype=jnp.float32)
    b1 = jnp.zeros((D,), dtype=jnp.float32)
    W2 = jax.random.uniform(ks[4], (D, D), minval=-s, maxval=s, dtype=jnp.float32)
    b2 = jnp.zeros((D,), dtype=jnp.float32)
    W3 = jax.random.uniform(ks[5], (D, D), minval=-s, maxval=s, dtype=jnp.float32)
    b3 = jnp.zeros((D,), dtype=jnp.float32)
    return {"x": x, "edge_index": edge_index, "edge_attr": edge_attr,
            "W1": W1, "b1": b1, "W2": W2, "b2": b2, "W3": W3, "b3": b3}


def _gcn_conv(x, src, dst, W, b):
    # PyG GCNConv: h = X W; add self-loops; symmetric deg normalization; scatter-add.
    n = x.shape[0]
    h = x @ W
    loop = jnp.arange(n, dtype=src.dtype)
    s = jnp.concatenate([src, loop])
    d = jnp.concatenate([dst, loop])
    deg = jnp.zeros((n,), dtype=h.dtype).at[d].add(1.0)
    dinv = jnp.where(deg > 0, jax.lax.rsqrt(jnp.maximum(deg, 1e-12)), 0.0)
    norm = dinv[s] * dinv[d]
    msg = h[s] * norm[:, None]
    out = jnp.zeros_like(h).at[d].add(msg)
    return out + b


def reference(x, edge_index, edge_attr, W1, b1, W2, b2, W3, b3):
    # edge_attr is accepted by the original forward but unused by GCNConv layers.
    src = edge_index[0]
    dst = edge_index[1]
    h = _gcn_conv(x, src, dst, W1, b1)
    h = jax.nn.relu(h)
    # dropout is identity in eval mode
    h = _gcn_conv(h, src, dst, W2, b2)
    h = jax.nn.relu(h)
    h = _gcn_conv(h, src, dst, W3, b3)
    return h

if __name__ == "__main__":
    import jax
    _d = setup_inputs()
    print(jax.jit(kernel)(*tuple(_d.values())))

</pallas_src>

<mosaic_0001>
#map = affine_map<(d0, d1) -> (0, 0)>
#map1 = affine_map<(d0, d1) -> (0)>
#map2 = affine_map<(d0, d1) -> (0, 0, 0)>
module attributes {stable_mosaic.version = 14 : i64} {
  func.func @_sc_scatter(%arg0: i32, %arg1: i32, %arg2: memref<10240x128xf32, #tpu.memory_space<hbm>>, %arg3: memref<320000xi32, #tpu.memory_space<hbm>>, %arg4: memref<320000xi32, #tpu.memory_space<hbm>>, %arg5: memref<10240x128xf32, #tpu.memory_space<hbm>>, %arg6: memref<2x10240x128xf32, #tpu.memory_space<hbm>>, %arg7: memref<80xi32, #tpu.memory_space<vmem>>, %arg8: memref<80xi32, #tpu.memory_space<vmem>>, %arg9: memref<80xi32, #tpu.memory_space<vmem>>, %arg10: memref<80xi32, #tpu.memory_space<vmem>>, %arg11: memref<80xi32, #tpu.memory_space<vmem>>, %arg12: memref<80xi32, #tpu.memory_space<vmem>>, %arg13: memref<80xi32, #tpu.memory_space<vmem>>, %arg14: memref<80xi32, #tpu.memory_space<vmem>>, %arg15: memref<80x128xf32, #tpu.memory_space<vmem>>, %arg16: memref<80x128xf32, #tpu.memory_space<vmem>>, %arg17: memref<80x128xf32, #tpu.memory_space<vmem>>, %arg18: memref<80x128xf32, #tpu.memory_space<vmem>>, %arg19: memref<10240x128xf32, #tpu.memory_space<vmem_shared>>, %arg20: memref<!tpu.dma_semaphore, #tpu.memory_space<semaphore_mem>>, %arg21: memref<!tpu.dma_semaphore, #tpu.memory_space<semaphore_mem>>, %arg22: memref<!tpu.dma_semaphore, #tpu.memory_space<semaphore_mem>>, %arg23: memref<!tpu.dma_semaphore, #tpu.memory_space<semaphore_mem>>, %arg24: memref<!tpu.dma_semaphore, #tpu.memory_space<semaphore_mem>>, %arg25: memref<!tpu.dma_semaphore, #tpu.memory_space<semaphore_mem>>, %arg26: memref<!tpu.dma_semaphore, #tpu.memory_space<semaphore_mem>>, %arg27: memref<!tpu.dma_semaphore, #tpu.memory_space<semaphore_mem>>, %arg28: memref<!tpu.dma_semaphore, #tpu.memory_space<semaphore_mem>>, %arg29: memref<!tpu.dma_semaphore, #tpu.memory_space<semaphore_mem>>, %arg30: memref<!tpu.dma_semaphore, #tpu.memory_space<semaphore_mem>>, %arg31: memref<!tpu.dma_semaphore, #tpu.memory_space<semaphore_mem>>) attributes {dimension_semantics = [#tpu.dimension_semantics<core_parallel>, #tpu.dimension_semantics<subcore_parallel>], iteration_bounds = array<i64: 2, 16>, scalar_prefetch = 0 : i64, scratch_operands = 25 : i64, tpu.core_type = #tpu.core_type<sc_vector_subcore>, window_params = [{transform_indices = #map}, {transform_indices = #map1}, {transform_indices = #map1}, {transform_indices = #map}, {transform_indices = #map2}]} {
    %mul3A = arith.constant 2 : i32
    %mul3A_0 = arith.muli %arg1, %mul3A : i32
    %add3A = arith.addi %mul3A_0, %arg0 : i32
    %mul3A_1 = arith.constant 640 : i32
    %mul3A_2 = arith.muli %arg1, %mul3A_1 : i32
    "tpu.region"() ({
      %run_scoped3A = tpu.sem_alloc : memref<!tpu.dma_semaphore, #tpu.memory_space<semaphore_mem>>
      %dma_start3A_33 = arith.constant 0 : i32
      %dma_start3A_34 = tpu.memref_slice %arg19[%mul3A_2, %dma_start3A_33] : memref<10240x128xf32, #tpu.memory_space<vmem_shared>> -> memref<640x128xf32, #tpu.memory_space<vmem_shared>>
      %dma_start3A_35 = arith.constant 0 : i32
      %dma_start3A_36 = tpu.memref_slice %arg5[%mul3A_2, %dma_start3A_35] : memref<10240x128xf32, #tpu.memory_space<hbm>> -> memref<640x128xf32, #tpu.memory_space<hbm>>
      tpu.enqueue_dma source(%dma_start3A_36 : memref<640x128xf32, #tpu.memory_space<hbm>>) target(%dma_start3A_34 : memref<640x128xf32, #tpu.memory_space<vmem_shared>>) target_semaphore(%run_scoped3A : memref<!tpu.dma_semaphore, #tpu.memory_space<semaphore_mem>>)
      %dma_wait3A_37 = arith.constant 0 : i32
      %dma_wait3A_38 = tpu.memref_slice %arg19[%mul3A_2, %dma_wait3A_37] : memref<10240x128xf32, #tpu.memory_space<vmem_shared>> -> memref<640x128xf32, #tpu.memory_space<vmem_shared>>
      %dma_wait3A_39 = arith.constant 0 : i32
      %dma_wait3A_40 = tpu.memref_slice %arg5[%mul3A_2, %dma_wait3A_39] : memref<10240x128xf32, #tpu.memory_space<hbm>> -> memref<640x128xf32, #tpu.memory_space<hbm>>
      tpu.wait_dma2 semaphore(%run_scoped3A : memref<!tpu.dma_semaphore, #tpu.memory_space<semaphore_mem>>) src(%dma_wait3A_40 : memref<640x128xf32, #tpu.memory_space<hbm>>) dst(%dma_wait3A_38 : memref<640x128xf32, #tpu.memory_space<vmem_shared>>)
      tpu.yield
    }) : () -> ()
    %barrier3A = arith.constant 0 : index
    tpu.barrier barrier_id(%barrier3A)
    %mul3A_3 = arith.constant 10000 : i32
    %mul3A_4 = arith.muli %add3A, %mul3A_3 : i32
    %scan3A = arith.constant 0 : i32
    %scan3A_5 = arith.constant 0 : i32
    %scan3A_6 = arith.constant 31 : i32
    %scan3A_7 = arith.addi %scan3A_5, %scan3A_6 : i32
    %scan3A_8 = arith.constant 1 : i32
    scf.for %scan3A_33 = %scan3A_5 to %scan3A_7 step %scan3A_8  : i32 {
      %mul3A_34 = arith.constant 4 : i32
      %mul3A_35 = arith.muli %mul3A_34, %scan3A_33 : i32
      %mul3A_36 = arith.constant 80 : i32
      %mul3A_37 = arith.muli %mul3A_35, %mul3A_36 : i32
      %add3A_38 = arith.addi %mul3A_4, %mul3A_37 : i32
      %add3A_39 = arith.constant 0 : i32
      %add3A_40 = arith.addi %add3A_38, %add3A_39 : i32
      %dma_start3A_41 = tpu.memref_slice %arg3[%add3A_40] : memref<320000xi32, #tpu.memory_space<hbm>> -> memref<80xi32, #tpu.memory_space<hbm>>
      %dma_start3A_42 = tpu.memref_slice %arg3[%add3A_40] : memref<320000xi32, #tpu.memory_space<hbm>> -> memref<80xi32, #tpu.memory_space<hbm>>
      tpu.enqueue_dma source(%dma_start3A_42 : memref<80xi32, #tpu.memory_space<hbm>>) target(%arg7 : memref<80xi32, #tpu.memory_space<vmem>>) target_semaphore(%arg20 : memref<!tpu.dma_semaphore, #tpu.memory_space<semaphore_mem>>)
      %dma_start3A_43 = tpu.memref_slice %arg4[%add3A_40] : memref<320000xi32, #tpu.memory_space<hbm>> -> memref<80xi32, #tpu.memory_space<hbm>>
      %dma_start3A_44 = tpu.memref_slice %arg4[%add3A_40] : memref<320000xi32, #tpu.memory_space<hbm>> -> memref<80xi32, #tpu.memory_space<hbm>>
      tpu.enqueue_dma source(%dma_start3A_44 : memref<80xi32, #tpu.memory_space<hbm>>) target(%arg11 : memref<80xi32, #tpu.memory_space<vmem>>) target_semaphore(%arg20 : memref<!tpu.dma_semaphore, #tpu.memory_space<semaphore_mem>>)
      %add3A_45 = arith.constant 80 : i32
      %add3A_46 = arith.addi %add3A_38, %add3A_45 : i32
      %dma_start3A_47 = tpu.memref_slice %arg3[%add3A_46] : memref<320000xi32, #tpu.memory_space<hbm>> -> memref<80xi32, #tpu.memory_space<hbm>>
      %dma_start3A_48 = tpu.memref_slice %arg3[%add3A_46] : memref<320000xi32, #tpu.memory_space<hbm>> -> memref<80xi32, #tpu.memory_space<hbm>>
      tpu.enqueue_dma source(%dma_start3A_48 : memref<80xi32, #tpu.memory_space<hbm>>) target(%arg8 : memref<80xi32, #tpu.memory_space<vmem>>) target_semaphore(%arg21 : memref<!tpu.dma_semaphore, #tpu.memory_space<semaphore_mem>>)
      %dma_start3A_49 = tpu.memref_slice %arg4[%add3A_46] : memref<320000xi32, #tpu.memory_space<hbm>> -> memref<80xi32, #tpu.memory_space<hbm>>
      %dma_start3A_50 = tpu.memref_slice %arg4[%add3A_46] : memref<320000xi32, #tpu.memory_space<hbm>> -> memref<80xi32, #tpu.memory_space<hbm>>
      tpu.enqueue_dma source(%dma_start3A_50 : memref<80xi32, #tpu.memory_space<hbm>>) target(%arg12 : memref<80xi32, #tpu.memory_space<vmem>>) target_semaphore(%arg21 : memref<!tpu.dma_semaphore, #tpu.memory_space<semaphore_mem>>)
      %add3A_51 = arith.constant 160 : i32
      %add3A_52 = arith.addi %add3A_38, %add3A_51 : i32
      %dma_start3A_53 = tpu.memref_slice %arg3[%add3A_52] : memref<320000xi32, #tpu.memory_space<hbm>> -> memref<80xi32, #tpu.memory_space<hbm>>
      %dma_start3A_54 = tpu.memref_slice %arg3[%add3A_52] : memref<320000xi32, #tpu.memory_space<hbm>> -> memref<80xi32, #tpu.memory_space<hbm>>
      tpu.enqueue_dma source(%dma_start3A_54 : memref<80xi32, #tpu.memory_space<hbm>>) target(%arg9 : memref<80xi32, #tpu.memory_space<vmem>>) target_semaphore(%arg22 : memref<!tpu.dma_semaphore, #tpu.memory_space<semaphore_mem>>)
      %dma_start3A_55 = tpu.memref_slice %arg4[%add3A_52] : memref<320000xi32, #tpu.memory_space<hbm>> -> memref<80xi32, #tpu.memory_space<hbm>>
      %dma_start3A_56 = tpu.memref_slice %arg4[%add3A_52] : memref<320000xi32, #tpu.memory_space<hbm>> -> memref<80xi32, #tpu.memory_space<hbm>>
      tpu.enqueue_dma source(%dma_start3A_56 : memref<80xi32, #tpu.memory_space<hbm>>) target(%arg13 : memref<80xi32, #tpu.memory_space<vmem>>) target_semaphore(%arg22 : memref<!tpu.dma_semaphore, #tpu.memory_space<semaphore_mem>>)
      %add3A_57 = arith.constant 240 : i32
      %add3A_58 = arith.addi %add3A_38, %add3A_57 : i32
      %dma_start3A_59 = tpu.memref_slice %arg3[%add3A_58] : memref<320000xi32, #tpu.memory_space<hbm>> -> memref<80xi32, #tpu.memory_space<hbm>>
      %dma_start3A_60 = tpu.memref_slice %arg3[%add3A_58] : memref<320000xi32, #tpu.memory_space<hbm>> -> memref<80xi32, #tpu.memory_space<hbm>>
      tpu.enqueue_dma source(%dma_start3A_60 : memref<80xi32, #tpu.memory_space<hbm>>) target(%arg10 : memref<80xi32, #tpu.memory_space<vmem>>) target_semaphore(%arg23 : memref<!tpu.dma_semaphore, #tpu.memory_space<semaphore_mem>>)
      %dma_start3A_61 = tpu.memref_slice %arg4[%add3A_58] : memref<320000xi32, #tpu.memory_space<hbm>> -> memref<80xi32, #tpu.memory_space<hbm>>
      %dma_start3A_62 = tpu.memref_slice %arg4[%add3A_58] : memref<320000xi32, #tpu.memory_space<hbm>> -> memref<80xi32, #tpu.memory_space<hbm>>
      tpu.enqueue_dma source(%dma_start3A_62 : memref<80xi32, #tpu.memory_space<hbm>>) target(%arg14 : memref<80xi32, #tpu.memory_space<vmem>>) target_semaphore(%arg23 : memref<!tpu.dma_semaphore, #tpu.memory_space<semaphore_mem>>)
      %dma_wait3A_63 = tpu.memref_slice %arg3[%add3A_40] : memref<320000xi32, #tpu.memory_space<hbm>> -> memref<80xi32, #tpu.memory_space<hbm>>
      %dma_wait3A_64 = tpu.memref_slice %arg3[%add3A_40] : memref<320000xi32, #tpu.memory_space<hbm>> -> memref<80xi32, #tpu.memory_space<hbm>>
      tpu.wait_dma2 semaphore(%arg20 : memref<!tpu.dma_semaphore, #tpu.memory_space<semaphore_mem>>) src(%dma_wait3A_64 : memref<80xi32, #tpu.memory_space<hbm>>) dst(%arg7 : memref<80xi32, #tpu.memory_space<vmem>>)
      %dma_wait3A_65 = tpu.memref_slice %arg4[%add3A_40] : memref<320000xi32, #tpu.memory_space<hbm>> -> memref<80xi32, #tpu.memory_space<hbm>>
      %dma_wait3A_66 = tpu.memref_slice %arg4[%add3A_40] : memref<320000xi32, #tpu.memory_space<hbm>> -> memref<80xi32, #tpu.memory_space<hbm>>
      tpu.wait_dma2 semaphore(%arg20 : memref<!tpu.dma_semaphore, #tpu.memory_space<semaphore_mem>>) src(%dma_wait3A_66 : memref<80xi32, #tpu.memory_space<hbm>>) dst(%arg11 : memref<80xi32, #tpu.memory_space<vmem>>)
      %dma_start3A_67 = arith.constant 0 : i32
      %dma_start3A_68 = arith.constant 0 : i32
      %dma_start3A_69 = tpu.memref_slice %arg2[%dma_start3A_67, %dma_start3A_68] : memref<10240x128xf32, #tpu.memory_space<hbm>> -> memref<10240x128xf32, #tpu.memory_space<hbm>>
      tpu.enqueue_indirect_dma source(%dma_start3A_69 : memref<10240x128xf32, #tpu.memory_space<hbm>>) target(%arg15 : memref<80x128xf32, #tpu.memory_space<vmem>>) offsets(%arg7 : memref<80xi32, #tpu.memory_space<vmem>>) semaphore(%arg24 : memref<!tpu.dma_semaphore, #tpu.memory_space<semaphore_mem>>)
      %dma_wait3A_70 = tpu.memref_slice %arg3[%add3A_46] : memref<320000xi32, #tpu.memory_space<hbm>> -> memref<80xi32, #tpu.memory_space<hbm>>
      %dma_wait3A_71 = tpu.memref_slice %arg3[%add3A_46] : memref<320000xi32, #tpu.memory_space<hbm>> -> memref<80xi32, #tpu.memory_space<hbm>>
      tpu.wait_dma2 semaphore(%arg21 : memref<!tpu.dma_semaphore, #tpu.memory_space<semaphore_mem>>) src(%dma_wait3A_71 : memref<80xi32, #tpu.memory_space<hbm>>) dst(%arg8 : memref<80xi32, #tpu.memory_space<vmem>>)
      %dma_wait3A_72 = tpu.memref_slice %arg4[%add3A_46] : memref<320000xi32, #tpu.memory_space<hbm>> -> memref<80xi32, #tpu.memory_space<hbm>>
      %dma_wait3A_73 = tpu.memref_slice %arg4[%add3A_46] : memref<320000xi32, #tpu.memory_space<hbm>> -> memref<80xi32, #tpu.memory_space<hbm>>
      tpu.wait_dma2 semaphore(%arg21 : memref<!tpu.dma_semaphore, #tpu.memory_space<semaphore_mem>>) src(%dma_wait3A_73 : memref<80xi32, #tpu.memory_space<hbm>>) dst(%arg12 : memref<80xi32, #tpu.memory_space<vmem>>)
      %dma_start3A_74 = arith.constant 0 : i32
      %dma_start3A_75 = arith.constant 0 : i32
      %dma_start3A_76 = tpu.memref_slice %arg2[%dma_start3A_74, %dma_start3A_75] : memref<10240x128xf32, #tpu.memory_space<hbm>> -> memref<10240x128xf32, #tpu.memory_space<hbm>>
      tpu.enqueue_indirect_dma source(%dma_start3A_76 : memref<10240x128xf32, #tpu.memory_space<hbm>>) target(%arg16 : memref<80x128xf32, #tpu.memory_space<vmem>>) offsets(%arg8 : memref<80xi32, #tpu.memory_space<vmem>>) semaphore(%arg25 : memref<!tpu.dma_semaphore, #tpu.memory_space<semaphore_mem>>)
      %dma_wait3A_77 = tpu.memref_slice %arg3[%add3A_52] : memref<320000xi32, #tpu.memory_space<hbm>> -> memref<80xi32, #tpu.memory_space<hbm>>
      %dma_wait3A_78 = tpu.memref_slice %arg3[%add3A_52] : memref<320000xi32, #tpu.memory_space<hbm>> -> memref<80xi32, #tpu.memory_space<hbm>>
      tpu.wait_dma2 semaphore(%arg22 : memref<!tpu.dma_semaphore, #tpu.memory_space<semaphore_mem>>) src(%dma_wait3A_78 : memref<80xi32, #tpu.memory_space<hbm>>) dst(%arg9 : memref<80xi32, #tpu.memory_space<vmem>>)
      %dma_wait3A_79 = tpu.memref_slice %arg4[%add3A_52] : memref<320000xi32, #tpu.memory_space<hbm>> -> memref<80xi32, #tpu.memory_space<hbm>>
      %dma_wait3A_80 = tpu.memref_slice %arg4[%add3A_52] : memref<320000xi32, #tpu.memory_space<hbm>> -> memref<80xi32, #tpu.memory_space<hbm>>
      tpu.wait_dma2 semaphore(%arg22 : memref<!tpu.dma_semaphore, #tpu.memory_space<semaphore_mem>>) src(%dma_wait3A_80 : memref<80xi32, #tpu.memory_space<hbm>>) dst(%arg13 : memref<80xi32, #tpu.memory_space<vmem>>)
      %dma_start3A_81 = arith.constant 0 : i32
      %dma_start3A_82 = arith.constant 0 : i32
      %dma_start3A_83 = tpu.memref_slice %arg2[%dma_start3A_81, %dma_start3A_82] : memref<10240x128xf32, #tpu.memory_space<hbm>> -> memref<10240x128xf32, #tpu.memory_space<hbm>>
      tpu.enqueue_indirect_dma source(%dma_start3A_83 : memref<10240x128xf32, #tpu.memory_space<hbm>>) target(%arg17 : memref<80x128xf32, #tpu.memory_space<vmem>>) offsets(%arg9 : memref<80xi32, #tpu.memory_space<vmem>>) semaphore(%arg26 : memref<!tpu.dma_semaphore, #tpu.memory_space<semaphore_mem>>)
      %dma_wait3A_84 = tpu.memref_slice %arg3[%add3A_58] : memref<320000xi32, #tpu.memory_space<hbm>> -> memref<80xi32, #tpu.memory_space<hbm>>
      %dma_wait3A_85 = tpu.memref_slice %arg3[%add3A_58] : memref<320000xi32, #tpu.memory_space<hbm>> -> memref<80xi32, #tpu.memory_space<hbm>>
      tpu.wait_dma2 semaphore(%arg23 : memref<!tpu.dma_semaphore, #tpu.memory_space<semaphore_mem>>) src(%dma_wait3A_85 : memref<80xi32, #tpu.memory_space<hbm>>) dst(%arg10 : memref<80xi32, #tpu.memory_space<vmem>>)
      %dma_wait3A_86 = tpu.memref_slice %arg4[%add3A_58] : memref<320000xi32, #tpu.memory_space<hbm>> -> memref<80xi32, #tpu.memory_space<hbm>>
      %dma_wait3A_87 = tpu.memref_slice %arg4[%add3A_58] : memref<320000xi32, #tpu.memory_space<hbm>> -> memref<80xi32, #tpu.memory_space<hbm>>
      tpu.wait_dma2 semaphore(%arg23 : memref<!tpu.dma_semaphore, #tpu.memory_space<semaphore_mem>>) src(%dma_wait3A_87 : memref<80xi32, #tpu.memory_space<hbm>>) dst(%arg14 : memref<80xi32, #tpu.memory_space<vmem>>)
      %dma_start3A_88 = arith.constant 0 : i32
      %dma_start3A_89 = arith.constant 0 : i32
      %dma_start3A_90 = tpu.memref_slice %arg2[%dma_start3A_88, %dma_start3A_89] : memref<10240x128xf32, #tpu.memory_space<hbm>> -> memref<10240x128xf32, #tpu.memory_space<hbm>>
      tpu.enqueue_indirect_dma source(%dma_start3A_90 : memref<10240x128xf32, #tpu.memory_space<hbm>>) target(%arg18 : memref<80x128xf32, #tpu.memory_space<vmem>>) offsets(%arg10 : memref<80xi32, #tpu.memory_space<vmem>>) semaphore(%arg27 : memref<!tpu.dma_semaphore, #tpu.memory_space<semaphore_mem>>)
      %dma_wait3A_91 = arith.constant 0 : i32
      %dma_wait3A_92 = arith.constant 0 : i32
      %dma_wait3A_93 = tpu.memref_slice %arg2[%dma_wait3A_91, %dma_wait3A_92] : memref<10240x128xf32, #tpu.memory_space<hbm>> -> memref<10240x128xf32, #tpu.memory_space<hbm>>
      tpu.wait_indirect_dma semaphore(%arg24 : memref<!tpu.dma_semaphore, #tpu.memory_space<semaphore_mem>>) src(%dma_wait3A_93 : memref<10240x128xf32, #tpu.memory_space<hbm>>) dst(%arg15 : memref<80x128xf32, #tpu.memory_space<vmem>>)
      %dma_start3A_94 = arith.constant 0 : i32
      %dma_start3A_95 = arith.constant 0 : i32
      %dma_start3A_96 = tpu.memref_slice %arg19[%dma_start3A_94, %dma_start3A_95] : memref<10240x128xf32, #tpu.memory_space<vmem_shared>> -> memref<10240x128xf32, #tpu.memory_space<vmem_shared>>
      tpu.enqueue_indirect_dma source(%arg15 : memref<80x128xf32, #tpu.memory_space<vmem>>) target(%dma_start3A_96 : memref<10240x128xf32, #tpu.memory_space<vmem_shared>>) offsets(%arg11 : memref<80xi32, #tpu.memory_space<vmem>>) semaphore(%arg28 : memref<!tpu.dma_semaphore, #tpu.memory_space<semaphore_mem>>) {add = true}
      %dma_wait3A_97 = arith.constant 0 : i32
      %dma_wait3A_98 = arith.constant 0 : i32
      %dma_wait3A_99 = tpu.memref_slice %arg2[%dma_wait3A_97, %dma_wait3A_98] : memref<10240x128xf32, #tpu.memory_space<hbm>> -> memref<10240x128xf32, #tpu.memory_space<hbm>>
      tpu.wait_indirect_dma semaphore(%arg25 : memref<!tpu.dma_semaphore, #tpu.memory_space<semaphore_mem>>) src(%dma_wait3A_99 : memref<10240x128xf32, #tpu.memory_space<hbm>>) dst(%arg16 : memref<80x128xf32, #tpu.memory_space<vmem>>)
      %dma_start3A_100 = arith.constant 0 : i32
      %dma_start3A_101 = arith.constant 0 : i32
      %dma_start3A_102 = tpu.memref_slice %arg19[%dma_start3A_100, %dma_start3A_101] : memref<10240x128xf32, #tpu.memory_space<vmem_shared>> -> memref<10240x128xf32, #tpu.memory_space<vmem_shared>>
      tpu.enqueue_indirect_dma source(%arg16 : memref<80x128xf32, #tpu.memory_space<vmem>>) target(%dma_start3A_102 : memref<10240x128xf32, #tpu.memory_space<vmem_shared>>) offsets(%arg12 : memref<80xi32, #tpu.memory_space<vmem>>) semaphore(%arg29 : memref<!tpu.dma_semaphore, #tpu.memory_space<semaphore_mem>>) {add = true}
      %dma_wait3A_103 = arith.constant 0 : i32
      %dma_wait3A_104 = arith.constant 0 : i32
      %dma_wait3A_105 = tpu.memref_slice %arg2[%dma_wait3A_103, %dma_wait3A_104] : memref<10240x128xf32, #tpu.memory_space<hbm>> -> memref<10240x128xf32, #tpu.memory_space<hbm>>
      tpu.wait_indirect_dma semaphore(%arg26 : memref<!tpu.dma_semaphore, #tpu.memory_space<semaphore_mem>>) src(%dma_wait3A_105 : memref<10240x128xf32, #tpu.memory_space<hbm>>) dst(%arg17 : memref<80x128xf32, #tpu.memory_space<vmem>>)
      %dma_start3A_106 = arith.constant 0 : i32
      %dma_start3A_107 = arith.constant 0 : i32
      %dma_start3A_108 = tpu.memref_slice %arg19[%dma_start3A_106, %dma_start3A_107] : memref<10240x128xf32, #tpu.memory_space<vmem_shared>> -> memref<10240x128xf32, #tpu.memory_space<vmem_shared>>
      tpu.enqueue_indirect_dma source(%arg17 : memref<80x128xf32, #tpu.memory_space<vmem>>) target(%dma_start3A_108 : memref<10240x128xf32, #tpu.memory_space<vmem_shared>>) offsets(%arg13 : memref<80xi32, #tpu.memory_space<vmem>>) semaphore(%arg30 : memref<!tpu.dma_semaphore, #tpu.memory_space<semaphore_mem>>) {add = true}
      %dma_wait3A_109 = arith.constant 0 : i32
      %dma_wait3A_110 = arith.constant 0 : i32
      %dma_wait3A_111 = tpu.memref_slice %arg2[%dma_wait3A_109, %dma_wait3A_110] : memref<10240x128xf32, #tpu.memory_space<hbm>> -> memref<10240x128xf32, #tpu.memory_space<hbm>>
      tpu.wait_indirect_dma semaphore(%arg27 : memref<!tpu.dma_semaphore, #tpu.memory_space<semaphore_mem>>) src(%dma_wait3A_111 : memref<10240x128xf32, #tpu.memory_space<hbm>>) dst(%arg18 : memref<80x128xf32, #tpu.memory_space<vmem>>)
      %dma_start3A_112 = arith.constant 0 : i32
      %dma_start3A_113 = arith.constant 0 : i32
      %dma_start3A_114 = tpu.memref_slice %arg19[%dma_start3A_112, %dma_start3A_113] : memref<10240x128xf32, #tpu.memory_space<vmem_shared>> -> memref<10240x128xf32, #tpu.memory_space<vmem_shared>>
      tpu.enqueue_indirect_dma source(%arg18 : memref<80x128xf32, #tpu.memory_space<vmem>>) target(%dma_start3A_114 : memref<10240x128xf32, #tpu.memory_space<vmem_shared>>) offsets(%arg14 : memref<80xi32, #tpu.memory_space<vmem>>) semaphore(%arg31 : memref<!tpu.dma_semaphore, #tpu.memory_space<semaphore_mem>>) {add = true}
      %dma_wait3A_115 = arith.constant 0 : i32
      %dma_wait3A_116 = arith.constant 0 : i32
      %dma_wait3A_117 = tpu.memref_slice %arg19[%dma_wait3A_115, %dma_wait3A_116] : memref<10240x128xf32, #tpu.memory_space<vmem_shared>> -> memref<10240x128xf32, #tpu.memory_space<vmem_shared>>
      tpu.wait_indirect_dma semaphore(%arg28 : memref<!tpu.dma_semaphore, #tpu.memory_space<semaphore_mem>>) src(%arg15 : memref<80x128xf32, #tpu.memory_space<vmem>>) dst(%dma_wait3A_117 : memref<10240x128xf32, #tpu.memory_space<vmem_shared>>)
      %dma_wait3A_118 = arith.constant 0 : i32
      %dma_wait3A_119 = arith.constant 0 : i32
      %dma_wait3A_120 = tpu.memref_slice %arg19[%dma_wait3A_118, %dma_wait3A_119] : memref<10240x128xf32, #tpu.memory_space<vmem_shared>> -> memref<10240x128xf32, #tpu.memory_space<vmem_shared>>
      tpu.wait_indirect_dma semaphore(%arg29 : memref<!tpu.dma_semaphore, #tpu.memory_space<semaphore_mem>>) src(%arg16 : memref<80x128xf32, #tpu.memory_space<vmem>>) dst(%dma_wait3A_120 : memref<10240x128xf32, #tpu.memory_space<vmem_shared>>)
      %dma_wait3A_121 = arith.constant 0 : i32
      %dma_wait3A_122 = arith.constant 0 : i32
      %dma_wait3A_123 = tpu.memref_slice %arg19[%dma_wait3A_121, %dma_wait3A_122] : memref<10240x128xf32, #tpu.memory_space<vmem_shared>> -> memref<10240x128xf32, #tpu.memory_space<vmem_shared>>
      tpu.wait_indirect_dma semaphore(%arg30 : memref<!tpu.dma_semaphore, #tpu.memory_space<semaphore_mem>>) src(%arg17 : memref<80x128xf32, #tpu.memory_space<vmem>>) dst(%dma_wait3A_123 : memref<10240x128xf32, #tpu.memory_space<vmem_shared>>)
      %dma_wait3A_124 = arith.constant 0 : i32
      %dma_wait3A_125 = arith.constant 0 : i32
      %dma_wait3A_126 = tpu.memref_slice %arg19[%dma_wait3A_124, %dma_wait3A_125] : memref<10240x128xf32, #tpu.memory_space<vmem_shared>> -> memref<10240x128xf32, #tpu.memory_space<vmem_shared>>
      tpu.wait_indirect_dma semaphore(%arg31 : memref<!tpu.dma_semaphore, #tpu.memory_space<semaphore_mem>>) src(%arg18 : memref<80x128xf32, #tpu.memory_space<vmem>>) dst(%dma_wait3A_126 : memref<10240x128xf32, #tpu.memory_space<vmem_shared>>)
    }
    %scan3A_9 = arith.constant 31 : i32
    %add3A_10 = arith.constant 9920 : i32
    %add3A_11 = arith.addi %mul3A_4, %add3A_10 : i32
    %add3A_12 = arith.constant 0 : i32
    %add3A_13 = arith.addi %add3A_11, %add3A_12 : i32
    %dma_start3A = tpu.memref_slice %arg3[%add3A_13] : memref<320000xi32, #tpu.memory_space<hbm>> -> memref<80xi32, #tpu.memory_space<hbm>>
    %dma_start3A_14 = tpu.memref_slice %arg3[%add3A_13] : memref<320000xi32, #tpu.memory_space<hbm>> -> memref<80xi32, #tpu.memory_space<hbm>>
    tpu.enqueue_dma source(%dma_start3A_14 : memref<80xi32, #tpu.memory_space<hbm>>) target(%arg7 : memref<80xi32, #tpu.memory_space<vmem>>) target_semaphore(%arg20 : memref<!tpu.dma_semaphore, #tpu.memory_space<semaphore_mem>>)
    %dma_start3A_15 = tpu.memref_slice %arg4[%add3A_13] : memref<320000xi32, #tpu.memory_space<hbm>> -> memref<80xi32, #tpu.memory_space<hbm>>
    %dma_start3A_16 = tpu.memref_slice %arg4[%add3A_13] : memref<320000xi32, #tpu.memory_space<hbm>> -> memref<80xi32, #tpu.memory_space<hbm>>
    tpu.enqueue_dma source(%dma_start3A_16 : memref<80xi32, #tpu.memory_space<hbm>>) target(%arg11 : memref<80xi32, #tpu.memory_space<vmem>>) target_semaphore(%arg20 : memref<!tpu.dma_semaphore, #tpu.memory_space<semaphore_mem>>)
    %dma_wait3A = tpu.memref_slice %arg3[%add3A_13] : memref<320000xi32, #tpu.memory_space<hbm>> -> memref<80xi32, #tpu.memory_space<hbm>>
    %dma_wait3A_17 = tpu.memref_slice %arg3[%add3A_13] : memref<320000xi32, #tpu.memory_space<hbm>> -> memref<80xi32, #tpu.memory_space<hbm>>
    tpu.wait_dma2 semaphore(%arg20 : memref<!tpu.dma_semaphore, #tpu.memory_space<semaphore_mem>>) src(%dma_wait3A_17 : memref<80xi32, #tpu.memory_space<hbm>>) dst(%arg7 : memref<80xi32, #tpu.memory_space<vmem>>)
    %dma_wait3A_18 = tpu.memref_slice %arg4[%add3A_13] : memref<320000xi32, #tpu.memory_space<hbm>> -> memref<80xi32, #tpu.memory_space<hbm>>
    %dma_wait3A_19 = tpu.memref_slice %arg4[%add3A_13] : memref<320000xi32, #tpu.memory_space<hbm>> -> memref<80xi32, #tpu.memory_space<hbm>>
    tpu.wait_dma2 semaphore(%arg20 : memref<!tpu.dma_semaphore, #tpu.memory_space<semaphore_mem>>) src(%dma_wait3A_19 : memref<80xi32, #tpu.memory_space<hbm>>) dst(%arg11 : memref<80xi32, #tpu.memory_space<vmem>>)
    %dma_start3A_20 = arith.constant 0 : i32
    %dma_start3A_21 = arith.constant 0 : i32
    %dma_start3A_22 = tpu.memref_slice %arg2[%dma_start3A_20, %dma_start3A_21] : memref<10240x128xf32, #tpu.memory_space<hbm>> -> memref<10240x128xf32, #tpu.memory_space<hbm>>
    tpu.enqueue_indirect_dma source(%dma_start3A_22 : memref<10240x128xf32, #tpu.memory_space<hbm>>) target(%arg15 : memref<80x128xf32, #tpu.memory_space<vmem>>) offsets(%arg7 : memref<80xi32, #tpu.memory_space<vmem>>) semaphore(%arg24 : memref<!tpu.dma_semaphore, #tpu.memory_space<semaphore_mem>>)
    %dma_wait3A_23 = arith.constant 0 : i32
    %dma_wait3A_24 = arith.constant 0 : i32
    %dma_wait3A_25 = tpu.memref_slice %arg2[%dma_wait3A_23, %dma_wait3A_24] : memref<10240x128xf32, #tpu.memory_space<hbm>> -> memref<10240x128xf32, #tpu.memory_space<hbm>>
    tpu.wait_indirect_dma semaphore(%arg24 : memref<!tpu.dma_semaphore, #tpu.memory_space<semaphore_mem>>) src(%dma_wait3A_25 : memref<10240x128xf32, #tpu.memory_space<hbm>>) dst(%arg15 : memref<80x128xf32, #tpu.memory_space<vmem>>)
    %dma_start3A_26 = arith.constant 0 : i32
    %dma_start3A_27 = arith.constant 0 : i32
    %dma_start3A_28 = tpu.memref_slice %arg19[%dma_start3A_26, %dma_start3A_27] : memref<10240x128xf32, #tpu.memory_space<vmem_shared>> -> memref<10240x128xf32, #tpu.memory_space<vmem_shared>>
    tpu.enqueue_indirect_dma source(%arg15 : memref<80x128xf32, #tpu.memory_space<vmem>>) target(%dma_start3A_28 : memref<10240x128xf32, #tpu.memory_space<vmem_shared>>) offsets(%arg11 : memref<80xi32, #tpu.memory_space<vmem>>) semaphore(%arg28 : memref<!tpu.dma_semaphore, #tpu.memory_space<semaphore_mem>>) {add = true}
    %dma_wait3A_29 = arith.constant 0 : i32
    %dma_wait3A_30 = arith.constant 0 : i32
    %dma_wait3A_31 = tpu.memref_slice %arg19[%dma_wait3A_29, %dma_wait3A_30] : memref<10240x128xf32, #tpu.memory_space<vmem_shared>> -> memref<10240x128xf32, #tpu.memory_space<vmem_shared>>
    tpu.wait_indirect_dma semaphore(%arg28 : memref<!tpu.dma_semaphore, #tpu.memory_space<semaphore_mem>>) src(%arg15 : memref<80x128xf32, #tpu.memory_space<vmem>>) dst(%dma_wait3A_31 : memref<10240x128xf32, #tpu.memory_space<vmem_shared>>)
    %barrier3A_32 = arith.constant 0 : index
    tpu.barrier barrier_id(%barrier3A_32)
    "tpu.region"() ({
      %run_scoped3A = tpu.sem_alloc : memref<!tpu.dma_semaphore, #tpu.memory_space<semaphore_mem>>
      %dma_start3A_33 = arith.constant 0 : i32
      %dma_start3A_34 = tpu.memref_slice %arg6[%arg0, %mul3A_2, %dma_start3A_33] : memref<2x10240x128xf32, #tpu.memory_space<hbm>> -> memref<1x640x128xf32, #tpu.memory_space<hbm>>
      %dma_start3A_35 = tpu.memref_squeeze %dma_start3A_34 : memref<1x640x128xf32, #tpu.memory_space<hbm>> -> memref<640x128xf32, #tpu.memory_space<hbm>>
      %dma_start3A_36 = arith.constant 0 : i32
      %dma_start3A_37 = tpu.memref_slice %arg19[%mul3A_2, %dma_start3A_36] : memref<10240x128xf32, #tpu.memory_space<vmem_shared>> -> memref<640x128xf32, #tpu.memory_space<vmem_shared>>
      tpu.enqueue_dma source(%dma_start3A_37 : memref<640x128xf32, #tpu.memory_space<vmem_shared>>) target(%dma_start3A_35 : memref<640x128xf32, #tpu.memory_space<hbm>>) target_semaphore(%run_scoped3A : memref<!tpu.dma_semaphore, #tpu.memory_space<semaphore_mem>>)
      %dma_wait3A_38 = arith.constant 0 : i32
      %dma_wait3A_39 = tpu.memref_slice %arg6[%arg0, %mul3A_2, %dma_wait3A_38] : memref<2x10240x128xf32, #tpu.memory_space<hbm>> -> memref<1x640x128xf32, #tpu.memory_space<hbm>>
      %dma_wait3A_40 = tpu.memref_squeeze %dma_wait3A_39 : memref<1x640x128xf32, #tpu.memory_space<hbm>> -> memref<640x128xf32, #tpu.memory_space<hbm>>
      %dma_wait3A_41 = arith.constant 0 : i32
      %dma_wait3A_42 = tpu.memref_slice %arg19[%mul3A_2, %dma_wait3A_41] : memref<10240x128xf32, #tpu.memory_space<vmem_shared>> -> memref<640x128xf32, #tpu.memory_space<vmem_shared>>
      tpu.wait_dma2 semaphore(%run_scoped3A : memref<!tpu.dma_semaphore, #tpu.memory_space<semaphore_mem>>) src(%dma_wait3A_42 : memref<640x128xf32, #tpu.memory_space<vmem_shared>>) dst(%dma_wait3A_40 : memref<640x128xf32, #tpu.memory_space<hbm>>)
      tpu.yield
    }) : () -> ()
    return
  }
}

#map = affine_map<(d0, d1) -> (0, 0, 0)>
#map1 = affine_map<(d0, d1) -> (0)>
#map2 = affine_map<(d0, d1) -> (0, 0)>
module attributes {stable_mosaic.version = 14 : i64} {
  func.func @_sc_degree(%arg0: i32, %arg1: i32, %arg2: memref<32x80x128xi32, #tpu.memory_space<hbm>>, %arg3: memref<10240xf32, #tpu.memory_space<hbm>>, %arg4: memref<2x10240xf32, #tpu.memory_space<hbm>>, %arg5: memref<80x128xi32, #tpu.memory_space<vmem>>, %arg6: memref<128xf32, #tpu.memory_space<vmem>>, %arg7: memref<10240xf32, #tpu.memory_space<vmem_shared>>, %arg8: memref<!tpu.dma_semaphore, #tpu.memory_space<semaphore_mem>>) attributes {dimension_semantics = [#tpu.dimension_semantics<core_parallel>, #tpu.dimension_semantics<subcore_parallel>], iteration_bounds = array<i64: 2, 16>, scalar_prefetch = 0 : i64, scratch_operands = 4 : i64, tpu.core_type = #tpu.core_type<sc_vector_subcore>, window_params = [{transform_indices = #map}, {transform_indices = #map1}, {transform_indices = #map2}]} {
    %mul3A = arith.constant 2 : i32
    %mul3A_0 = arith.muli %arg1, %mul3A : i32
    %add3A = arith.addi %mul3A_0, %arg0 : i32
    %mul3A_1 = arith.constant 640 : i32
    %mul3A_2 = arith.muli %arg1, %mul3A_1 : i32
    "tpu.region"() ({
      %run_scoped3A = tpu.sem_alloc : memref<!tpu.dma_semaphore, #tpu.memory_space<semaphore_mem>>
      %dma_start3A_149 = tpu.memref_slice %arg7[%mul3A_2] : memref<10240xf32, #tpu.memory_space<vmem_shared>> -> memref<640xf32, #tpu.memory_space<vmem_shared>>
      %dma_start3A_150 = tpu.memref_slice %arg3[%mul3A_2] : memref<10240xf32, #tpu.memory_space<hbm>> -> memref<640xf32, #tpu.memory_space<hbm>>
      tpu.enqueue_dma source(%dma_start3A_150 : memref<640xf32, #tpu.memory_space<hbm>>) target(%dma_start3A_149 : memref<640xf32, #tpu.memory_space<vmem_shared>>) target_semaphore(%run_scoped3A : memref<!tpu.dma_semaphore, #tpu.memory_space<semaphore_mem>>)
      %dma_wait3A_151 = tpu.memref_slice %arg7[%mul3A_2] : memref<10240xf32, #tpu.memory_space<vmem_shared>> -> memref<640xf32, #tpu.memory_space<vmem_shared>>
      %dma_wait3A_152 = tpu.memref_slice %arg3[%mul3A_2] : memref<10240xf32, #tpu.memory_space<hbm>> -> memref<640xf32, #tpu.memory_space<hbm>>
      tpu.wait_dma2 semaphore(%run_scoped3A : memref<!tpu.dma_semaphore, #tpu.memory_space<semaphore_mem>>) src(%dma_wait3A_152 : memref<640xf32, #tpu.memory_space<hbm>>) dst(%dma_wait3A_151 : memref<640xf32, #tpu.memory_space<vmem_shared>>)
      tpu.yield
    }) : () -> ()
    "tpu.region"() ({
      %run_scoped3A = tpu.sem_alloc : memref<!tpu.dma_semaphore, #tpu.memory_space<semaphore_mem>>
      %dma_start3A_149 = arith.constant 0 : i32
      %dma_start3A_150 = arith.constant 0 : i32
      %dma_start3A_151 = tpu.memref_slice %arg2[%add3A, %dma_start3A_149, %dma_start3A_150] : memref<32x80x128xi32, #tpu.memory_space<hbm>> -> memref<1x80x128xi32, #tpu.memory_space<hbm>>
      %dma_start3A_152 = tpu.memref_squeeze %dma_start3A_151 : memref<1x80x128xi32, #tpu.memory_space<hbm>> -> memref<80x128xi32, #tpu.memory_space<hbm>>
      %dma_start3A_153 = arith.constant 0 : i32
      %dma_start3A_154 = arith.constant 0 : i32
      %dma_start3A_155 = tpu.memref_slice %arg2[%add3A, %dma_start3A_153, %dma_start3A_154] : memref<32x80x128xi32, #tpu.memory_space<hbm>> -> memref<1x80x128xi32, #tpu.memory_space<hbm>>
      %dma_start3A_156 = tpu.memref_squeeze %dma_start3A_155 : memref<1x80x128xi32, #tpu.memory_space<hbm>> -> memref<80x128xi32, #tpu.memory_space<hbm>>
      tpu.enqueue_dma source(%dma_start3A_156 : memref<80x128xi32, #tpu.memory_space<hbm>>) target(%arg5 : memref<80x128xi32, #tpu.memory_space<vmem>>) target_semaphore(%run_scoped3A : memref<!tpu.dma_semaphore, #tpu.memory_space<semaphore_mem>>)
      %dma_wait3A_157 = arith.constant 0 : i32
      %dma_wait3A_158 = arith.constant 0 : i32
      %dma_wait3A_159 = tpu.memref_slice %arg2[%add3A, %dma_wait3A_157, %dma_wait3A_158] : memref<32x80x128xi32, #tpu.memory_space<hbm>> -> memref<1x80x128xi32, #tpu.memory_space<hbm>>
      %dma_wait3A_160 = tpu.memref_squeeze %dma_wait3A_159 : memref<1x80x128xi32, #tpu.memory_space<hbm>> -> memref<80x128xi32, #tpu.memory_space<hbm>>
      %dma_wait3A_161 = arith.constant 0 : i32
      %dma_wait3A_162 = arith.constant 0 : i32
      %dma_wait3A_163 = tpu.memref_slice %arg2[%add3A, %dma_wait3A_161, %dma_wait3A_162] : memref<32x80x128xi32, #tpu.memory_space<hbm>> -> memref<1x80x128xi32, #tpu.memory_space<hbm>>
      %dma_wait3A_164 = tpu.memref_squeeze %dma_wait3A_163 : memref<1x80x128xi32, #tpu.memory_space<hbm>> -> memref<80x128xi32, #tpu.memory_space<hbm>>
      tpu.wait_dma2 semaphore(%run_scoped3A : memref<!tpu.dma_semaphore, #tpu.memory_space<semaphore_mem>>) src(%dma_wait3A_164 : memref<80x128xi32, #tpu.memory_space<hbm>>) dst(%arg5 : memref<80x128xi32, #tpu.memory_space<vmem>>)
      tpu.yield
    }) : () -> ()
    %broadcast_in_dim3A = arith.constant 1.000000e+00 : f32
    %broadcast_in_dim3A_3 = vector.broadcast %broadcast_in_dim3A : f32 to vector<16xf32>
    %swap3A = arith.constant 0 : index
    %swap3A_4 = tpu.vector_load %arg6[%swap3A] {strides = array<i32>} : memref<128xf32, #tpu.memory_space<vmem>>, vector<16xf32>,
    %swap3A_5 = vector.shape_cast %swap3A_4 : vector<16xf32> to vector<16xf32>
    %swap3A_6 = vector.shape_cast %broadcast_in_dim3A_3 : vector<16xf32> to vector<16xf32>
    tpu.vector_store %arg6[%swap3A], %swap3A_6 {strides = array<i32>} : memref<128xf32, #tpu.memory_space<vmem>>, vector<16xf32>,
    %broadcast_in_dim3A_7 = arith.constant 1.000000e+00 : f32
    %broadcast_in_dim3A_8 = vector.broadcast %broadcast_in_dim3A_7 : f32 to vector<16xf32>
    %swap3A_9 = arith.constant 16 : index
    %swap3A_10 = tpu.vector_load %arg6[%swap3A_9] {strides = array<i32>} : memref<128xf32, #tpu.memory_space<vmem>>, vector<16xf32>,
    %swap3A_11 = vector.shape_cast %swap3A_10 : vector<16xf32> to vector<16xf32>
    %swap3A_12 = vector.shape_cast %broadcast_in_dim3A_8 : vector<16xf32> to vector<16xf32>
    tpu.vector_store %arg6[%swap3A_9], %swap3A_12 {strides = array<i32>} : memref<128xf32, #tpu.memory_space<vmem>>, vector<16xf32>,
    %broadcast_in_dim3A_13 = arith.constant 1.000000e+00 : f32
    %broadcast_in_dim3A_14 = vector.broadcast %broadcast_in_dim3A_13 : f32 to vector<16xf32>
    %swap3A_15 = arith.constant 32 : index
    %swap3A_16 = tpu.vector_load %arg6[%swap3A_15] {strides = array<i32>} : memref<128xf32, #tpu.memory_space<vmem>>, vector<16xf32>,
    %swap3A_17 = vector.shape_cast %swap3A_16 : vector<16xf32> to vector<16xf32>
    %swap3A_18 = vector.shape_cast %broadcast_in_dim3A_14 : vector<16xf32> to vector<16xf32>
    tpu.vector_store %arg6[%swap3A_15], %swap3A_18 {strides = array<i32>} : memref<128xf32, #tpu.memory_space<vmem>>, vector<16xf32>,
    %broadcast_in_dim3A_19 = arith.constant 1.000000e+00 : f32
    %broadcast_in_dim3A_20 = vector.broadcast %broadcast_in_dim3A_19 : f32 to vector<16xf32>
    %swap3A_21 = arith.constant 48 : index
    %swap3A_22 = tpu.vector_load %arg6[%swap3A_21] {strides = array<i32>} : memref<128xf32, #tpu.memory_space<vmem>>, vector<16xf32>,
    %swap3A_23 = vector.shape_cast %swap3A_22 : vector<16xf32> to vector<16xf32>
    %swap3A_24 = vector.shape_cast %broadcast_in_dim3A_20 : vector<16xf32> to vector<16xf32>
    tpu.vector_store %arg6[%swap3A_21], %swap3A_24 {strides = array<i32>} : memref<128xf32, #tpu.memory_space<vmem>>, vector<16xf32>,
    %broadcast_in_dim3A_25 = arith.constant 1.000000e+00 : f32
    %broadcast_in_dim3A_26 = vector.broadcast %broadcast_in_dim3A_25 : f32 to vector<16xf32>
    %swap3A_27 = arith.constant 64 : index
    %swap3A_28 = tpu.vector_load %arg6[%swap3A_27] {strides = array<i32>} : memref<128xf32, #tpu.memory_space<vmem>>, vector<16xf32>,
    %swap3A_29 = vector.shape_cast %swap3A_28 : vector<16xf32> to vector<16xf32>
    %swap3A_30 = vector.shape_cast %broadcast_in_dim3A_26 : vector<16xf32> to vector<16xf32>
    tpu.vector_store %arg6[%swap3A_27], %swap3A_30 {strides = array<i32>} : memref<128xf32, #tpu.memory_space<vmem>>, vector<16xf32>,
    %broadcast_in_dim3A_31 = arith.constant 1.000000e+00 : f32
    %broadcast_in_dim3A_32 = vector.broadcast %broadcast_in_dim3A_31 : f32 to vector<16xf32>
    %swap3A_33 = arith.constant 80 : index
    %swap3A_34 = tpu.vector_load %arg6[%swap3A_33] {strides = array<i32>} : memref<128xf32, #tpu.memory_space<vmem>>, vector<16xf32>,
    %swap3A_35 = vector.shape_cast %swap3A_34 : vector<16xf32> to vector<16xf32>
    %swap3A_36 = vector.shape_cast %broadcast_in_dim3A_32 : vector<16xf32> to vector<16xf32>
    tpu.vector_store %arg6[%swap3A_33], %swap3A_36 {strides = array<i32>} : memref<128xf32, #tpu.memory_space<vmem>>, vector<16xf32>,
    %broadcast_in_dim3A_37 = arith.constant 1.000000e+00 : f32
    %broadcast_in_dim3A_38 = vector.broadcast %broadcast_in_dim3A_37 : f32 to vector<16xf32>
    %swap3A_39 = arith.constant 96 : index
    %swap3A_40 = tpu.vector_load %arg6[%swap3A_39] {strides = array<i32>} : memref<128xf32, #tpu.memory_space<vmem>>, vector<16xf32>,
    %swap3A_41 = vector.shape_cast %swap3A_40 : vector<16xf32> to vector<16xf32>
    %swap3A_42 = vector.shape_cast %broadcast_in_dim3A_38 : vector<16xf32> to vector<16xf32>
    tpu.vector_store %arg6[%swap3A_39], %swap3A_42 {strides = array<i32>} : memref<128xf32, #tpu.memory_space<vmem>>, vector<16xf32>,
    %broadcast_in_dim3A_43 = arith.constant 1.000000e+00 : f32
    %broadcast_in_dim3A_44 = vector.broadcast %broadcast_in_dim3A_43 : f32 to vector<16xf32>
    %swap3A_45 = arith.constant 112 : index
    %swap3A_46 = tpu.vector_load %arg6[%swap3A_45] {strides = array<i32>} : memref<128xf32, #tpu.memory_space<vmem>>, vector<16xf32>,
    %swap3A_47 = vector.shape_cast %swap3A_46 : vector<16xf32> to vector<16xf32>
    %swap3A_48 = vector.shape_cast %broadcast_in_dim3A_44 : vector<16xf32> to vector<16xf32>
    tpu.vector_store %arg6[%swap3A_45], %swap3A_48 {strides = array<i32>} : memref<128xf32, #tpu.memory_space<vmem>>, vector<16xf32>,
    %barrier3A = arith.constant 0 : index
    tpu.barrier barrier_id(%barrier3A)
    %dma_start3A = arith.constant 0 : i32
    %dma_start3A_49 = arith.constant 0 : i32
    %dma_start3A_50 = tpu.memref_slice %arg5[%dma_start3A, %dma_start3A_49] : memref<80x128xi32, #tpu.memory_space<vmem>> -> memref<1x128xi32, #tpu.memory_space<vmem>>
    %dma_start3A_51 = tpu.memref_squeeze %dma_start3A_50 : memref<1x128xi32, #tpu.memory_space<vmem>> -> memref<128xi32, #tpu.memory_space<vmem>>
    %dma_start3A_52 = arith.constant 0 : i32
    %dma_start3A_53 = tpu.memref_slice %arg7[%dma_start3A_52] : memref<10240xf32, #tpu.memory_space<vmem_shared>> -> memref<10240xf32, #tpu.memory_space<vmem_shared>>
    tpu.enqueue_indirect_dma source(%arg6 : memref<128xf32, #tpu.memory_space<vmem>>) target(%dma_start3A_53 : memref<10240xf32, #tpu.memory_space<vmem_shared>>) offsets(%dma_start3A_51 : memref<128xi32, #tpu.memory_space<vmem>>) semaphore(%arg8 : memref<!tpu.dma_semaphore, #tpu.memory_space<semaphore_mem>>) {add = true}
    %dma_start3A_54 = arith.constant 1 : i32
    %dma_start3A_55 = arith.constant 0 : i32
    %dma_start3A_56 = tpu.memref_slice %arg5[%dma_start3A_54, %dma_start3A_55] : memref<80x128xi32, #tpu.memory_space<vmem>> -> memref<1x128xi32, #tpu.memory_space<vmem>>
    %dma_start3A_57 = tpu.memref_squeeze %dma_start3A_56 : memref<1x128xi32, #tpu.memory_space<vmem>> -> memref<128xi32, #tpu.memory_space<vmem>>
    %dma_start3A_58 = arith.constant 0 : i32
    %dma_start3A_59 = tpu.memref_slice %arg7[%dma_start3A_58] : memref<10240xf32, #tpu.memory_space<vmem_shared>> -> memref<10240xf32, #tpu.memory_space<vmem_shared>>
    tpu.enqueue_indirect_dma source(%arg6 : memref<128xf32, #tpu.memory_space<vmem>>) target(%dma_start3A_59 : memref<10240xf32, #tpu.memory_space<vmem_shared>>) offsets(%dma_start3A_57 : memref<128xi32, #tpu.memory_space<vmem>>) semaphore(%arg8 : memref<!tpu.dma_semaphore, #tpu.memory_space<semaphore_mem>>) {add = true}
    %dma_start3A_60 = arith.constant 2 : i32
    %dma_start3A_61 = arith.constant 0 : i32
    %dma_start3A_62 = tpu.memref_slice %arg5[%dma_start3A_60, %dma_start3A_61] : memref<80x128xi32, #tpu.memory_space<vmem>> -> memref<1x128xi32, #tpu.memory_space<vmem>>
    %dma_start3A_63 = tpu.memref_squeeze %dma_start3A_62 : memref<1x128xi32, #tpu.memory_space<vmem>> -> memref<128xi32, #tpu.memory_space<vmem>>
    %dma_start3A_64 = arith.constant 0 : i32
    %dma_start3A_65 = tpu.memref_slice %arg7[%dma_start3A_64] : memref<10240xf32, #tpu.memory_space<vmem_shared>> -> memref<10240xf32, #tpu.memory_space<vmem_shared>>
    tpu.enqueue_indirect_dma source(%arg6 : memref<128xf32, #tpu.memory_space<vmem>>) target(%dma_start3A_65 : memref<10240xf32, #tpu.memory_space<vmem_shared>>) offsets(%dma_start3A_63 : memref<128xi32, #tpu.memory_space<vmem>>) semaphore(%arg8 : memref<!tpu.dma_semaphore, #tpu.memory_space<semaphore_mem>>) {add = true}
    %dma_start3A_66 = arith.constant 3 : i32
    %dma_start3A_67 = arith.constant 0 : i32
    %dma_start3A_68 = tpu.memref_slice %arg5[%dma_start3A_66, %dma_start3A_67] : memref<80x128xi32, #tpu.memory_space<vmem>> -> memref<1x128xi32, #tpu.memory_space<vmem>>
    %dma_start3A_69 = tpu.memref_squeeze %dma_start3A_68 : memref<1x128xi32, #tpu.memory_space<vmem>> -> memref<128xi32, #tpu.memory_space<vmem>>
    %dma_start3A_70 = arith.constant 0 : i32
    %dma_start3A_71 = tpu.memref_slice %arg7[%dma_start3A_70] : memref<10240xf32, #tpu.memory_space<vmem_shared>> -> memref<10240xf32, #tpu.memory_space<vmem_shared>>
    tpu.enqueue_indirect_dma source(%arg6 : memref<128xf32, #tpu.memory_space<vmem>>) target(%dma_start3A_71 : memref<10240xf32, #tpu.memory_space<vmem_shared>>) offsets(%dma_start3A_69 : memref<128xi32, #tpu.memory_space<vmem>>) semaphore(%arg8 : memref<!tpu.dma_semaphore, #tpu.memory_space<semaphore_mem>>) {add = true}
    %dma_start3A_72 = arith.constant 4 : i32
    %dma_start3A_73 = arith.constant 0 : i32
    %dma_start3A_74 = tpu.memref_slice %arg5[%dma_start3A_72, %dma_start3A_73] : memref<80x128xi32, #tpu.memory_space<vmem>> -> memref<1x128xi32, #tpu.memory_space<vmem>>
    %dma_start3A_75 = tpu.memref_squeeze %dma_start3A_74 : memref<1x128xi32, #tpu.memory_space<vmem>> -> memref<128xi32, #tpu.memory_space<vmem>>
    %dma_start3A_76 = arith.constant 0 : i32
    %dma_start3A_77 = tpu.memref_slice %arg7[%dma_start3A_76] : memref<10240xf32, #tpu.memory_space<vmem_shared>> -> memref<10240xf32, #tpu.memory_space<vmem_shared>>
    tpu.enqueue_indirect_dma source(%arg6 : memref<128xf32, #tpu.memory_space<vmem>>) target(%dma_start3A_77 : memref<10240xf32, #tpu.memory_space<vmem_shared>>) offsets(%dma_start3A_75 : memref<128xi32, #tpu.memory_space<vmem>>) semaphore(%arg8 : memref<!tpu.dma_semaphore, #tpu.memory_space<semaphore_mem>>) {add = true}
    %dma_start3A_78 = arith.constant 5 : i32
    %dma_start3A_79 = arith.constant 0 : i32
    %dma_start3A_80 = tpu.memref_slice %arg5[%dma_start3A_78, %dma_start3A_79] : memref<80x128xi32, #tpu.memory_space<vmem>> -> memref<1x128xi32, #tpu.memory_space<vmem>>
    %dma_start3A_81 = tpu.memref_squeeze %dma_start3A_80 : memref<1x128xi32, #tpu.memory_space<vmem>> -> memref<128xi32, #tpu.memory_space<vmem>>
    %dma_start3A_82 = arith.constant 0 : i32
    %dma_start3A_83 = tpu.memref_slice %arg7[%dma_start3A_82] : memref<10240xf32, #tpu.memory_space<vmem_shared>> -> memref<10240xf32, #tpu.memory_space<vmem_shared>>
    tpu.enqueue_indirect_dma source(%arg6 : memref<128xf32, #tpu.memory_space<vmem>>) target(%dma_start3A_83 : memref<10240xf32, #tpu.memory_space<vmem_shared>>) offsets(%dma_start3A_81 : memref<128xi32, #tpu.memory_space<vmem>>) semaphore(%arg8 : memref<!tpu.dma_semaphore, #tpu.memory_space<semaphore_mem>>) {add = true}
    %dma_start3A_84 = arith.constant 6 : i32
    %dma_start3A_85 = arith.constant 0 : i32
    %dma_start3A_86 = tpu.memref_slice %arg5[%dma_start3A_84, %dma_start3A_85] : memref<80x128xi32, #tpu.memory_space<vmem>> -> memref<1x128xi32, #tpu.memory_space<vmem>>
    %dma_start3A_87 = tpu.memref_squeeze %dma_start3A_86 : memref<1x128xi32, #tpu.memory_space<vmem>> -> memref<128xi32, #tpu.memory_space<vmem>>
    %dma_start3A_88 = arith.constant 0 : i32
    %dma_start3A_89 = tpu.memref_slice %arg7[%dma_start3A_88] : memref<10240xf32, #tpu.memory_space<vmem_shared>> -> memref<10240xf32, #tpu.memory_space<vmem_shared>>
    tpu.enqueue_indirect_dma source(%arg6 : memref<128xf32, #tpu.memory_space<vmem>>) target(%dma_start3A_89 : memref<10240xf32, #tpu.memory_space<vmem_shared>>) offsets(%dma_start3A_87 : memref<128xi32, #tpu.memory_space<vmem>>) semaphore(%arg8 : memref<!tpu.dma_semaphore, #tpu.memory_space<semaphore_mem>>) {add = true}
    %dma_start3A_90 = arith.constant 7 : i32
    %dma_start3A_91 = arith.constant 0 : i32
    %dma_start3A_92 = tpu.memref_slice %arg5[%dma_start3A_90, %dma_start3A_91] : memref<80x128xi32, #tpu.memory_space<vmem>> -> memref<1x128xi32, #tpu.memory_space<vmem>>
    %dma_start3A_93 = tpu.memref_squeeze %dma_start3A_92 : memref<1x128xi32, #tpu.memory_space<vmem>> -> memref<128xi32, #tpu.memory_space<vmem>>
    %dma_start3A_94 = arith.constant 0 : i32
    %dma_start3A_95 = tpu.memref_slice %arg7[%dma_start3A_94] : memref<10240xf32, #tpu.memory_space<vmem_shared>> -> memref<10240xf32, #tpu.memory_space<vmem_shared>>
    tpu.enqueue_indirect_dma source(%arg6 : memref<128xf32, #tpu.memory_space<vmem>>) target(%dma_start3A_95 : memref<10240xf32, #tpu.memory_space<vmem_shared>>) offsets(%dma_start3A_93 : memref<128xi32, #tpu.memory_space<vmem>>) semaphore(%arg8 : memref<!tpu.dma_semaphore, #tpu.memory_space<semaphore_mem>>) {add = true}
    %scan3A = arith.constant 0 : i32
    %scan3A_96 = arith.constant 0 : i32
    %scan3A_97 = arith.constant 72 : i32
    %scan3A_98 = arith.addi %scan3A_96, %scan3A_97 : i32
    %scan3A_99 = arith.constant 1 : i32
    scf.for %scan3A_149 = %scan3A_96 to %scan3A_98 step %scan3A_99  : i32 {
      %add3A_150 = arith.constant 8 : i32
      %add3A_151 = arith.addi %scan3A_149, %add3A_150 : i32
      %dma_start3A_152 = arith.constant 0 : i32
      %dma_start3A_153 = tpu.memref_slice %arg5[%add3A_151, %dma_start3A_152] : memref<80x128xi32, #tpu.memory_space<vmem>> -> memref<1x128xi32, #tpu.memory_space<vmem>>
      %dma_start3A_154 = tpu.memref_squeeze %dma_start3A_153 : memref<1x128xi32, #tpu.memory_space<vmem>> -> memref<128xi32, #tpu.memory_space<vmem>>
      %dma_start3A_155 = arith.constant 0 : i32
      %dma_start3A_156 = tpu.memref_slice %arg7[%dma_start3A_155] : memref<10240xf32, #tpu.memory_space<vmem_shared>> -> memref<10240xf32, #tpu.memory_space<vmem_shared>>
      tpu.enqueue_indirect_dma source(%arg6 : memref<128xf32, #tpu.memory_space<vmem>>) target(%dma_start3A_156 : memref<10240xf32, #tpu.memory_space<vmem_shared>>) offsets(%dma_start3A_154 : memref<128xi32, #tpu.memory_space<vmem>>) semaphore(%arg8 : memref<!tpu.dma_semaphore, #tpu.memory_space<semaphore_mem>>) {add = true}
      %dma_wait3A_157 = arith.constant 0 : i32
      %dma_wait3A_158 = arith.constant 0 : i32
      %dma_wait3A_159 = tpu.memref_slice %arg5[%dma_wait3A_157, %dma_wait3A_158] : memref<80x128xi32, #tpu.memory_space<vmem>> -> memref<1x128xi32, #tpu.memory_space<vmem>>
      %dma_wait3A_160 = tpu.memref_squeeze %dma_wait3A_159 : memref<1x128xi32, #tpu.memory_space<vmem>> -> memref<128xi32, #tpu.memory_space<vmem>>
      %dma_wait3A_161 = arith.constant 0 : i32
      %dma_wait3A_162 = tpu.memref_slice %arg7[%dma_wait3A_161] : memref<10240xf32, #tpu.memory_space<vmem_shared>> -> memref<10240xf32, #tpu.memory_space<vmem_shared>>
      tpu.wait_indirect_dma semaphore(%arg8 : memref<!tpu.dma_semaphore, #tpu.memory_space<semaphore_mem>>) src(%arg6 : memref<128xf32, #tpu.memory_space<vmem>>) dst(%dma_wait3A_162 : memref<10240xf32, #tpu.memory_space<vmem_shared>>)
    }
    %scan3A_100 = arith.constant 72 : i32
    %dma_wait3A = arith.constant 0 : i32
    %dma_wait3A_101 = arith.constant 0 : i32
    %dma_wait3A_102 = tpu.memref_slice %arg5[%dma_wait3A, %dma_wait3A_101] : memref<80x128xi32, #tpu.memory_space<vmem>> -> memref<1x128xi32, #tpu.memory_space<vmem>>
    %dma_wait3A_103 = tpu.memref_squeeze %dma_wait3A_102 : memref<1x128xi32, #tpu.memory_space<vmem>> -> memref<128xi32, #tpu.memory_space<vmem>>
    %dma_wait3A_104 = arith.constant 0 : i32
    %dma_wait3A_105 = tpu.memref_slice %arg7[%dma_wait3A_104] : memref<10240xf32, #tpu.memory_space<vmem_shared>> -> memref<10240xf32, #tpu.memory_space<vmem_shared>>
    tpu.wait_indirect_dma semaphore(%arg8 : memref<!tpu.dma_semaphore, #tpu.memory_space<semaphore_mem>>) src(%arg6 : memref<128xf32, #tpu.memory_space<vmem>>) dst(%dma_wait3A_105 : memref<10240xf32, #tpu.memory_space<vmem_shared>>)
    %dma_wait3A_106 = arith.constant 0 : i32
    %dma_wait3A_107 = arith.constant 0 : i32
    %dma_wait3A_108 = tpu.memref_slice %arg5[%dma_wait3A_106, %dma_wait3A_107] : memref<80x128xi32, #tpu.memory_space<vmem>> -> memref<1x128xi32, #tpu.memory_space<vmem>>
    %dma_wait3A_109 = tpu.memref_squeeze %dma_wait3A_108 : memref<1x128xi32, #tpu.memory_space<vmem>> -> memref<128xi32, #tpu.memory_space<vmem>>
    %dma_wait3A_110 = arith.constant 0 : i32
    %dma_wait3A_111 = tpu.memref_slice %arg7[%dma_wait3A_110] : memref<10240xf32, #tpu.memory_space<vmem_shared>> -> memref<10240xf32, #tpu.memory_space<vmem_shared>>
    tpu.wait_indirect_dma semaphore(%arg8 : memref<!tpu.dma_semaphore, #tpu.memory_space<semaphore_mem>>) src(%arg6 : memref<128xf32, #tpu.memory_space<vmem>>) dst(%dma_wait3A_111 : memref<10240xf32, #tpu.memory_space<vmem_shared>>)
    %dma_wait3A_112 = arith.constant 0 : i32
    %dma_wait3A_113 = arith.constant 0 : i32
    %dma_wait3A_114 = tpu.memref_slice %arg5[%dma_wait3A_112, %dma_wait3A_113] : memref<80x128xi32, #tpu.memory_space<vmem>> -> memref<1x128xi32, #tpu.memory_space<vmem>>
    %dma_wait3A_115 = tpu.memref_squeeze %dma_wait3A_114 : memref<1x128xi32, #tpu.memory_space<vmem>> -> memref<128xi32, #tpu.memory_space<vmem>>
    %dma_wait3A_116 = arith.constant 0 : i32
    %dma_wait3A_117 = tpu.memref_slice %arg7[%dma_wait3A_116] : memref<10240xf32, #tpu.memory_space<vmem_shared>> -> memref<10240xf32, #tpu.memory_space<vmem_shared>>
    tpu.wait_indirect_dma semaphore(%arg8 : memref<!tpu.dma_semaphore, #tpu.memory_space<semaphore_mem>>) src(%arg6 : memref<128xf32, #tpu.memory_space<vmem>>) dst(%dma_wait3A_117 : memref<10240xf32, #tpu.memory_space<vmem_shared>>)
    %dma_wait3A_118 = arith.constant 0 : i32
    %dma_wait3A_119 = arith.constant 0 : i32
    %dma_wait3A_120 = tpu.memref_slice %arg5[%dma_wait3A_118, %dma_wait3A_119] : memref<80x128xi32, #tpu.memory_space<vmem>> -> memref<1x128xi32, #tpu.memory_space<vmem>>
    %dma_wait3A_121 = tpu.memref_squeeze %dma_wait3A_120 : memref<1x128xi32, #tpu.memory_space<vmem>> -> memref<128xi32, #tpu.memory_space<vmem>>
    %dma_wait3A_122 = arith.constant 0 : i32
    %dma_wait3A_123 = tpu.memref_slice %arg7[%dma_wait3A_122] : memref<10240xf32, #tpu.memory_space<vmem_shared>> -> memref<10240xf32, #tpu.memory_space<vmem_shared>>
    tpu.wait_indirect_dma semaphore(%arg8 : memref<!tpu.dma_semaphore, #tpu.memory_space<semaphore_mem>>) src(%arg6 : memref<128xf32, #tpu.memory_space<vmem>>) dst(%dma_wait3A_123 : memref<10240xf32, #tpu.memory_space<vmem_shared>>)
    %dma_wait3A_124 = arith.constant 0 : i32
    %dma_wait3A_125 = arith.constant 0 : i32
    %dma_wait3A_126 = tpu.memref_slice %arg5[%dma_wait3A_124, %dma_wait3A_125] : memref<80x128xi32, #tpu.memory_space<vmem>> -> memref<1x128xi32, #tpu.memory_space<vmem>>
    %dma_wait3A_127 = tpu.memref_squeeze %dma_wait3A_126 : memref<1x128xi32, #tpu.memory_space<vmem>> -> memref<128xi32, #tpu.memory_space<vmem>>
    %dma_wait3A_128 = arith.constant 0 : i32
    %dma_wait3A_129 = tpu.memref_slice %arg7[%dma_wait3A_128] : memref<10240xf32, #tpu.memory_space<vmem_shared>> -> memref<10240xf32, #tpu.memory_space<vmem_shared>>
    tpu.wait_indirect_dma semaphore(%arg8 : memref<!tpu.dma_semaphore, #tpu.memory_space<semaphore_mem>>) src(%arg6 : memref<128xf32, #tpu.memory_space<vmem>>) dst(%dma_wait3A_129 : memref<10240xf32, #tpu.memory_space<vmem_shared>>)
    %dma_wait3A_130 = arith.constant 0 : i32
    %dma_wait3A_131 = arith.constant 0 : i32
    %dma_wait3A_132 = tpu.memref_slice %arg5[%dma_wait3A_130, %dma_wait3A_131] : memref<80x128xi32, #tpu.memory_space<vmem>> -> memref<1x128xi32, #tpu.memory_space<vmem>>
    %dma_wait3A_133 = tpu.memref_squeeze %dma_wait3A_132 : memref<1x128xi32, #tpu.memory_space<vmem>> -> memref<128xi32, #tpu.memory_space<vmem>>
    %dma_wait3A_134 = arith.constant 0 : i32
    %dma_wait3A_135 = tpu.memref_slice %arg7[%dma_wait3A_134] : memref<10240xf32, #tpu.memory_space<vmem_shared>> -> memref<10240xf32, #tpu.memory_space<vmem_shared>>
    tpu.wait_indirect_dma semaphore(%arg8 : memref<!tpu.dma_semaphore, #tpu.memory_space<semaphore_mem>>) src(%arg6 : memref<128xf32, #tpu.memory_space<vmem>>) dst(%dma_wait3A_135 : memref<10240xf32, #tpu.memory_space<vmem_shared>>)
    %dma_wait3A_136 = arith.constant 0 : i32
    %dma_wait3A_137 = arith.constant 0 : i32
    %dma_wait3A_138 = tpu.memref_slice %arg5[%dma_wait3A_136, %dma_wait3A_137] : memref<80x128xi32, #tpu.memory_space<vmem>> -> memref<1x128xi32, #tpu.memory_space<vmem>>
    %dma_wait3A_139 = tpu.memref_squeeze %dma_wait3A_138 : memref<1x128xi32, #tpu.memory_space<vmem>> -> memref<128xi32, #tpu.memory_space<vmem>>
    %dma_wait3A_140 = arith.constant 0 : i32
    %dma_wait3A_141 = tpu.memref_slice %arg7[%dma_wait3A_140] : memref<10240xf32, #tpu.memory_space<vmem_shared>> -> memref<10240xf32, #tpu.memory_space<vmem_shared>>
    tpu.wait_indirect_dma semaphore(%arg8 : memref<!tpu.dma_semaphore, #tpu.memory_space<semaphore_mem>>) src(%arg6 : memref<128xf32, #tpu.memory_space<vmem>>) dst(%dma_wait3A_141 : memref<10240xf32, #tpu.memory_space<vmem_shared>>)
    %dma_wait3A_142 = arith.constant 0 : i32
    %dma_wait3A_143 = arith.constant 0 : i32
    %dma_wait3A_144 = tpu.memref_slice %arg5[%dma_wait3A_142, %dma_wait3A_143] : memref<80x128xi32, #tpu.memory_space<vmem>> -> memref<1x128xi32, #tpu.memory_space<vmem>>
    %dma_wait3A_145 = tpu.memref_squeeze %dma_wait3A_144 : memref<1x128xi32, #tpu.memory_space<vmem>> -> memref<128xi32, #tpu.memory_space<vmem>>
    %dma_wait3A_146 = arith.constant 0 : i32
    %dma_wait3A_147 = tpu.memref_slice %arg7[%dma_wait3A_146] : memref<10240xf32, #tpu.memory_space<vmem_shared>> -> memref<10240xf32, #tpu.memory_space<vmem_shared>>
    tpu.wait_indirect_dma semaphore(%arg8 : memref<!tpu.dma_semaphore, #tpu.memory_space<semaphore_mem>>) src(%arg6 : memref<128xf32, #tpu.memory_space<vmem>>) dst(%dma_wait3A_147 : memref<10240xf32, #tpu.memory_space<vmem_shared>>)
    %barrier3A_148 = arith.constant 0 : index
    tpu.barrier barrier_id(%barrier3A_148)
    "tpu.region"() ({
      %run_scoped3A = tpu.sem_alloc : memref<!tpu.dma_semaphore, #tpu.memory_space<semaphore_mem>>
      %dma_start3A_149 = tpu.memref_slice %arg4[%arg0, %mul3A_2] : memref<2x10240xf32, #tpu.memory_space<hbm>> -> memref<1x640xf32, #tpu.memory_space<hbm>>
      %dma_start3A_150 = tpu.memref_squeeze %dma_start3A_149 : memref<1x640xf32, #tpu.memory_space<hbm>> -> memref<640xf32, #tpu.memory_space<hbm>>
      %dma_start3A_151 = tpu.memref_slice %arg7[%mul3A_2] : memref<10240xf32, #tpu.memory_space<vmem_shared>> -> memref<640xf32, #tpu.memory_space<vmem_shared>>
      tpu.enqueue_dma source(%dma_start3A_151 : memref<640xf32, #tpu.memory_space<vmem_shared>>) target(%dma_start3A_150 : memref<640xf32, #tpu.memory_space<hbm>>) target_semaphore(%run_scoped3A : memref<!tpu.dma_semaphore, #tpu.memory_space<semaphore_mem>>)
      %dma_wait3A_152 = tpu.memref_slice %arg4[%arg0, %mul3A_2] : memref<2x10240xf32, #tpu.memory_space<hbm>> -> memref<1x640xf32, #tpu.memory_space<hbm>>
      %dma_wait3A_153 = tpu.memref_squeeze %dma_wait3A_152 : memref<1x640xf32, #tpu.memory_space<hbm>> -> memref<640xf32, #tpu.memory_space<hbm>>
      %dma_wait3A_154 = tpu.memref_slice %arg7[%mul3A_2] : memref<10240xf32, #tpu.memory_space<vmem_shared>> -> memref<640xf32, #tpu.memory_space<vmem_shared>>
      tpu.wait_dma2 semaphore(%run_scoped3A : memref<!tpu.dma_semaphore, #tpu.memory_space<semaphore_mem>>) src(%dma_wait3A_154 : memref<640xf32, #tpu.memory_space<vmem_shared>>) dst(%dma_wait3A_153 : memref<640xf32, #tpu.memory_space<hbm>>)
      tpu.yield
    }) : () -> ()
    return
  }
}

#map = affine_map<(d0, d1) -> (0, 0)>
#map1 = affine_map<(d0, d1) -> (0)>
#map2 = affine_map<(d0, d1) -> (0, 0, 0)>
module attributes {stable_mosaic.version = 14 : i64} {
  func.func @_sc_scatter(%arg0: i32, %arg1: i32, %arg2: memref<10240x128xf32, #tpu.memory_space<hbm>>, %arg3: memref<320000xi32, #tpu.memory_space<hbm>>, %arg4: memref<320000xi32, #tpu.memory_space<hbm>>, %arg5: memref<10240x128xf32, #tpu.memory_space<hbm>>, %arg6: memref<2x10240x128xf32, #tpu.memory_space<hbm>>, %arg7: memref<80xi32, #tpu.memory_space<vmem>>, %arg8: memref<80xi32, #tpu.memory_space<vmem>>, %arg9: memref<80xi32, #tpu.memory_space<vmem>>, %arg10: memref<80xi32, #tpu.memory_space<vmem>>, %arg11: memref<80xi32, #tpu.memory_space<vmem>>, %arg12: memref<80xi32, #tpu.memory_space<vmem>>, %arg13: memref<80xi32, #tpu.memory_space<vmem>>, %arg14: memref<80xi32, #tpu.memory_space<vmem>>, %arg15: memref<80x128xf32, #tpu.memory_space<vmem>>, %arg16: memref<80x128xf32, #tpu.memory_space<vmem>>, %arg17: memref<80x128xf32, #tpu.memory_space<vmem>>, %arg18: memref<80x128xf32, #tpu.memory_space<vmem>>, %arg19: memref<10240x128xf32, #tpu.memory_space<vmem_shared>>, %arg20: memref<!tpu.dma_semaphore, #tpu.memory_space<semaphore_mem>>, %arg21: memref<!tpu.dma_semaphore, #tpu.memory_space<semaphore_mem>>, %arg22: memref<!tpu.dma_semaphore, #tpu.memory_space<semaphore_mem>>, %arg23: memref<!tpu.dma_semaphore, #tpu.memory_space<semaphore_mem>>, %arg24: memref<!tpu.dma_semaphore, #tpu.memory_space<semaphore_mem>>, %arg25: memref<!tpu.dma_semaphore, #tpu.memory_space<semaphore_mem>>, %arg26: memref<!tpu.dma_semaphore, #tpu.memory_space<semaphore_mem>>, %arg27: memref<!tpu.dma_semaphore, #tpu.memory_space<semaphore_mem>>, %arg28: memref<!tpu.dma_semaphore, #tpu.memory_space<semaphore_mem>>, %arg29: memref<!tpu.dma_semaphore, #tpu.memory_space<semaphore_mem>>, %arg30: memref<!tpu.dma_semaphore, #tpu.memory_space<semaphore_mem>>, %arg31: memref<!tpu.dma_semaphore, #tpu.memory_space<semaphore_mem>>) attributes {dimension_semantics = [#tpu.dimension_semantics<core_parallel>, #tpu.dimension_semantics<subcore_parallel>], iteration_bounds = array<i64: 2, 16>, scalar_prefetch = 0 : i64, scratch_operands = 25 : i64, tpu.core_type = #tpu.core_type<sc_vector_subcore>, window_params = [{transform_indices = #map}, {transform_indices = #map1}, {transform_indices = #map1}, {transform_indices = #map}, {transform_indices = #map2}]} {
    %mul3A = arith.constant 2 : i32
    %mul3A_0 = arith.muli %arg1, %mul3A : i32
    %add3A = arith.addi %mul3A_0, %arg0 : i32
    %mul3A_1 = arith.constant 640 : i32
    %mul3A_2 = arith.muli %arg1, %mul3A_1 : i32
    "tpu.region"() ({
      %run_scoped3A = tpu.sem_alloc : memref<!tpu.dma_semaphore, #tpu.memory_space<semaphore_mem>>
      %dma_start3A_33 = arith.constant 0 : i32
      %dma_start3A_34 = tpu.memref_slice %arg19[%mul3A_2, %dma_start3A_33] : memref<10240x128xf32, #tpu.memory_space<vmem_shared>> -> memref<640x128xf32, #tpu.memory_space<vmem_shared>>
      %dma_start3A_35 = arith.constant 0 : i32
      %dma_start3A_36 = tpu.memref_slice %arg5[%mul3A_2, %dma_start3A_35] : memref<10240x128xf32, #tpu.memory_space<hbm>> -> memref<640x128xf32, #tpu.memory_space<hbm>>
      tpu.enqueue_dma source(%dma_start3A_36 : memref<640x128xf32, #tpu.memory_space<hbm>>) target(%dma_start3A_34 : memref<640x128xf32, #tpu.memory_space<vmem_shared>>) target_semaphore(%run_scoped3A : memref<!tpu.dma_semaphore, #tpu.memory_space<semaphore_mem>>)
      %dma_wait3A_37 = arith.constant 0 : i32
      %dma_wait3A_38 = tpu.memref_slice %arg19[%mul3A_2, %dma_wait3A_37] : memref<10240x128xf32, #tpu.memory_space<vmem_shared>> -> memref<640x128xf32, #tpu.memory_space<vmem_shared>>
      %dma_wait3A_39 = arith.constant 0 : i32
      %dma_wait3A_40 = tpu.memref_slice %arg5[%mul3A_2, %dma_wait3A_39] : memref<10240x128xf32, #tpu.memory_space<hbm>> -> memref<640x128xf32, #tpu.memory_space<hbm>>
      tpu.wait_dma2 semaphore(%run_scoped3A : memref<!tpu.dma_semaphore, #tpu.memory_space<semaphore_mem>>) src(%dma_wait3A_40 : memref<640x128xf32, #tpu.memory_space<hbm>>) dst(%dma_wait3A_38 : memref<640x128xf32, #tpu.memory_space<vmem_shared>>)
      tpu.yield
    }) : () -> ()
    %barrier3A = arith.constant 0 : index
    tpu.barrier barrier_id(%barrier3A)
    %mul3A_3 = arith.constant 10000 : i32
    %mul3A_4 = arith.muli %add3A, %mul3A_3 : i32
    %scan3A = arith.constant 0 : i32
    %scan3A_5 = arith.constant 0 : i32
    %scan3A_6 = arith.constant 31 : i32
    %scan3A_7 = arith.addi %scan3A_5, %scan3A_6 : i32
    %scan3A_8 = arith.constant 1 : i32
    scf.for %scan3A_33 = %scan3A_5 to %scan3A_7 step %scan3A_8  : i32 {
      %mul3A_34 = arith.constant 4 : i32
      %mul3A_35 = arith.muli %mul3A_34, %scan3A_33 : i32
      %mul3A_36 = arith.constant 80 : i32
      %mul3A_37 = arith.muli %mul3A_35, %mul3A_36 : i32
      %add3A_38 = arith.addi %mul3A_4, %mul3A_37 : i32
      %add3A_39 = arith.constant 0 : i32
      %add3A_40 = arith.addi %add3A_38, %add3A_39 : i32
      %dma_start3A_41 = tpu.memref_slice %arg3[%add3A_40] : memref<320000xi32, #tpu.memory_space<hbm>> -> memref<80xi32, #tpu.memory_space<hbm>>
      %dma_start3A_42 = tpu.memref_slice %arg3[%add3A_40] : memref<320000xi32, #tpu.memory_space<hbm>> -> memref<80xi32, #tpu.memory_space<hbm>>
      tpu.enqueue_dma source(%dma_start3A_42 : memref<80xi32, #tpu.memory_space<hbm>>) target(%arg7 : memref<80xi32, #tpu.memory_space<vmem>>) target_semaphore(%arg20 : memref<!tpu.dma_semaphore, #tpu.memory_space<semaphore_mem>>)
      %dma_start3A_43 = tpu.memref_slice %arg4[%add3A_40] : memref<320000xi32, #tpu.memory_space<hbm>> -> memref<80xi32, #tpu.memory_space<hbm>>
      %dma_start3A_44 = tpu.memref_slice %arg4[%add3A_40] : memref<320000xi32, #tpu.memory_space<hbm>> -> memref<80xi32, #tpu.memory_space<hbm>>
      tpu.enqueue_dma source(%dma_start3A_44 : memref<80xi32, #tpu.memory_space<hbm>>) target(%arg11 : memref<80xi32, #tpu.memory_space<vmem>>) target_semaphore(%arg20 : memref<!tpu.dma_semaphore, #tpu.memory_space<semaphore_mem>>)
      %add3A_45 = arith.constant 80 : i32
      %add3A_46 = arith.addi %add3A_38, %add3A_45 : i32
      %dma_start3A_47 = tpu.memref_slice %arg3[%add3A_46] : memref<320000xi32, #tpu.memory_space<hbm>> -> memref<80xi32, #tpu.memory_space<hbm>>
      %dma_start3A_48 = tpu.memref_slice %arg3[%add3A_46] : memref<320000xi32, #tpu.memory_space<hbm>> -> memref<80xi32, #tpu.memory_space<hbm>>
      tpu.enqueue_dma source(%dma_start3A_48 : memref<80xi32, #tpu.memory_space<hbm>>) target(%arg8 : memref<80xi32, #tpu.memory_space<vmem>>) target_semaphore(%arg21 : memref<!tpu.dma_semaphore, #tpu.memory_space<semaphore_mem>>)
      %dma_start3A_49 = tpu.memref_slice %arg4[%add3A_46] : memref<320000xi32, #tpu.memory_space<hbm>> -> memref<80xi32, #tpu.memory_space<hbm>>
      %dma_start3A_50 = tpu.memref_slice %arg4[%add3A_46] : memref<320000xi32, #tpu.memory_space<hbm>> -> memref<80xi32, #tpu.memory_space<hbm>>
      tpu.enqueue_dma source(%dma_start3A_50 : memref<80xi32, #tpu.memory_space<hbm>>) target(%arg12 : memref<80xi32, #tpu.memory_space<vmem>>) target_semaphore(%arg21 : memref<!tpu.dma_semaphore, #tpu.memory_space<semaphore_mem>>)
      %add3A_51 = arith.constant 160 : i32
      %add3A_52 = arith.addi %add3A_38, %add3A_51 : i32
      %dma_start3A_53 = tpu.memref_slice %arg3[%add3A_52] : memref<320000xi32, #tpu.memory_space<hbm>> -> memref<80xi32, #tpu.memory_space<hbm>>
      %dma_start3A_54 = tpu.memref_slice %arg3[%add3A_52] : memref<320000xi32, #tpu.memory_space<hbm>> -> memref<80xi32, #tpu.memory_space<hbm>>
      tpu.enqueue_dma source(%dma_start3A_54 : memref<80xi32, #tpu.memory_space<hbm>>) target(%arg9 : memref<80xi32, #tpu.memory_space<vmem>>) target_semaphore(%arg22 : memref<!tpu.dma_semaphore, #tpu.memory_space<semaphore_mem>>)
      %dma_start3A_55 = tpu.memref_slice %arg4[%add3A_52] : memref<320000xi32, #tpu.memory_space<hbm>> -> memref<80xi32, #tpu.memory_space<hbm>>
      %dma_start3A_56 = tpu.memref_slice %arg4[%add3A_52] : memref<320000xi32, #tpu.memory_space<hbm>> -> memref<80xi32, #tpu.memory_space<hbm>>
      tpu.enqueue_dma source(%dma_start3A_56 : memref<80xi32, #tpu.memory_space<hbm>>) target(%arg13 : memref<80xi32, #tpu.memory_space<vmem>>) target_semaphore(%arg22 : memref<!tpu.dma_semaphore, #tpu.memory_space<semaphore_mem>>)
      %add3A_57 = arith.constant 240 : i32
      %add3A_58 = arith.addi %add3A_38, %add3A_57 : i32
      %dma_start3A_59 = tpu.memref_slice %arg3[%add3A_58] : memref<320000xi32, #tpu.memory_space<hbm>> -> memref<80xi32, #tpu.memory_space<hbm>>
      %dma_start3A_60 = tpu.memref_slice %arg3[%add3A_58] : memref<320000xi32, #tpu.memory_space<hbm>> -> memref<80xi32, #tpu.memory_space<hbm>>
      tpu.enqueue_dma source(%dma_start3A_60 : memref<80xi32, #tpu.memory_space<hbm>>) target(%arg10 : memref<80xi32, #tpu.memory_space<vmem>>) target_semaphore(%arg23 : memref<!tpu.dma_semaphore, #tpu.memory_space<semaphore_mem>>)
      %dma_start3A_61 = tpu.memref_slice %arg4[%add3A_58] : memref<320000xi32, #tpu.memory_space<hbm>> -> memref<80xi32, #tpu.memory_space<hbm>>
      %dma_start3A_62 = tpu.memref_slice %arg4[%add3A_58] : memref<320000xi32, #tpu.memory_space<hbm>> -> memref<80xi32, #tpu.memory_space<hbm>>
      tpu.enqueue_dma source(%dma_start3A_62 : memref<80xi32, #tpu.memory_space<hbm>>) target(%arg14 : memref<80xi32, #tpu.memory_space<vmem>>) target_semaphore(%arg23 : memref<!tpu.dma_semaphore, #tpu.memory_space<semaphore_mem>>)
      %dma_wait3A_63 = tpu.memref_slice %arg3[%add3A_40] : memref<320000xi32, #tpu.memory_space<hbm>> -> memref<80xi32, #tpu.memory_space<hbm>>
      %dma_wait3A_64 = tpu.memref_slice %arg3[%add3A_40] : memref<320000xi32, #tpu.memory_space<hbm>> -> memref<80xi32, #tpu.memory_space<hbm>>
      tpu.wait_dma2 semaphore(%arg20 : memref<!tpu.dma_semaphore, #tpu.memory_space<semaphore_mem>>) src(%dma_wait3A_64 : memref<80xi32, #tpu.memory_space<hbm>>) dst(%arg7 : memref<80xi32, #tpu.memory_space<vmem>>)
      %dma_wait3A_65 = tpu.memref_slice %arg4[%add3A_40] : memref<320000xi32, #tpu.memory_space<hbm>> -> memref<80xi32, #tpu.memory_space<hbm>>
      %dma_wait3A_66 = tpu.memref_slice %arg4[%add3A_40] : memref<320000xi32, #tpu.memory_space<hbm>> -> memref<80xi32, #tpu.memory_space<hbm>>
      tpu.wait_dma2 semaphore(%arg20 : memref<!tpu.dma_semaphore, #tpu.memory_space<semaphore_mem>>) src(%dma_wait3A_66 : memref<80xi32, #tpu.memory_space<hbm>>) dst(%arg11 : memref<80xi32, #tpu.memory_space<vmem>>)
      %dma_start3A_67 = arith.constant 0 : i32
      %dma_start3A_68 = arith.constant 0 : i32
      %dma_start3A_69 = tpu.memref_slice %arg2[%dma_start3A_67, %dma_start3A_68] : memref<10240x128xf32, #tpu.memory_space<hbm>> -> memref<10240x128xf32, #tpu.memory_space<hbm>>
      tpu.enqueue_indirect_dma source(%dma_start3A_69 : memref<10240x128xf32, #tpu.memory_space<hbm>>) target(%arg15 : memref<80x128xf32, #tpu.memory_space<vmem>>) offsets(%arg7 : memref<80xi32, #tpu.memory_space<vmem>>) semaphore(%arg24 : memref<!tpu.dma_semaphore, #tpu.memory_space<semaphore_mem>>)
      %dma_wait3A_70 = tpu.memref_slice %arg3[%add3A_46] : memref<320000xi32, #tpu.memory_space<hbm>> -> memref<80xi32, #tpu.memory_space<hbm>>
      %dma_wait3A_71 = tpu.memref_slice %arg3[%add3A_46] : memref<320000xi32, #tpu.memory_space<hbm>> -> memref<80xi32, #tpu.memory_space<hbm>>
      tpu.wait_dma2 semaphore(%arg21 : memref<!tpu.dma_semaphore, #tpu.memory_space<semaphore_mem>>) src(%dma_wait3A_71 : memref<80xi32, #tpu.memory_space<hbm>>) dst(%arg8 : memref<80xi32, #tpu.memory_space<vmem>>)
      %dma_wait3A_72 = tpu.memref_slice %arg4[%add3A_46] : memref<320000xi32, #tpu.memory_space<hbm>> -> memref<80xi32, #tpu.memory_space<hbm>>
      %dma_wait3A_73 = tpu.memref_slice %arg4[%add3A_46] : memref<320000xi32, #tpu.memory_space<hbm>> -> memref<80xi32, #tpu.memory_space<hbm>>
      tpu.wait_dma2 semaphore(%arg21 : memref<!tpu.dma_semaphore, #tpu.memory_space<semaphore_mem>>) src(%dma_wait3A_73 : memref<80xi32, #tpu.memory_space<hbm>>) dst(%arg12 : memref<80xi32, #tpu.memory_space<vmem>>)
      %dma_start3A_74 = arith.constant 0 : i32
      %dma_start3A_75 = arith.constant 0 : i32
      %dma_start3A_76 = tpu.memref_slice %arg2[%dma_start3A_74, %dma_start3A_75] : memref<10240x128xf32, #tpu.memory_space<hbm>> -> memref<10240x128xf32, #tpu.memory_space<hbm>>
      tpu.enqueue_indirect_dma source(%dma_start3A_76 : memref<10240x128xf32, #tpu.memory_space<hbm>>) target(%arg16 : memref<80x128xf32, #tpu.memory_space<vmem>>) offsets(%arg8 : memref<80xi32, #tpu.memory_space<vmem>>) semaphore(%arg25 : memref<!tpu.dma_semaphore, #tpu.memory_space<semaphore_mem>>)
      %dma_wait3A_77 = tpu.memref_slice %arg3[%add3A_52] : memref<320000xi32, #tpu.memory_space<hbm>> -> memref<80xi32, #tpu.memory_space<hbm>>
      %dma_wait3A_78 = tpu.memref_slice %arg3[%add3A_52] : memref<320000xi32, #tpu.memory_space<hbm>> -> memref<80xi32, #tpu.memory_space<hbm>>
      tpu.wait_dma2 semaphore(%arg22 : memref<!tpu.dma_semaphore, #tpu.memory_space<semaphore_mem>>) src(%dma_wait3A_78 : memref<80xi32, #tpu.memory_space<hbm>>) dst(%arg9 : memref<80xi32, #tpu.memory_space<vmem>>)
      %dma_wait3A_79 = tpu.memref_slice %arg4[%add3A_52] : memref<320000xi32, #tpu.memory_space<hbm>> -> memref<80xi32, #tpu.memory_space<hbm>>
      %dma_wait3A_80 = tpu.memref_slice %arg4[%add3A_52] : memref<320000xi32, #tpu.memory_space<hbm>> -> memref<80xi32, #tpu.memory_space<hbm>>
      tpu.wait_dma2 semaphore(%arg22 : memref<!tpu.dma_semaphore, #tpu.memory_space<semaphore_mem>>) src(%dma_wait3A_80 : memref<80xi32, #tpu.memory_space<hbm>>) dst(%arg13 : memref<80xi32, #tpu.memory_space<vmem>>)
      %dma_start3A_81 = arith.constant 0 : i32
      %dma_start3A_82 = arith.constant 0 : i32
      %dma_start3A_83 = tpu.memref_slice %arg2[%dma_start3A_81, %dma_start3A_82] : memref<10240x128xf32, #tpu.memory_space<hbm>> -> memref<10240x128xf32, #tpu.memory_space<hbm>>
      tpu.enqueue_indirect_dma source(%dma_start3A_83 : memref<10240x128xf32, #tpu.memory_space<hbm>>) target(%arg17 : memref<80x128xf32, #tpu.memory_space<vmem>>) offsets(%arg9 : memref<80xi32, #tpu.memory_space<vmem>>) semaphore(%arg26 : memref<!tpu.dma_semaphore, #tpu.memory_space<semaphore_mem>>)
      %dma_wait3A_84 = tpu.memref_slice %arg3[%add3A_58] : memref<320000xi32, #tpu.memory_space<hbm>> -> memref<80xi32, #tpu.memory_space<hbm>>
      %dma_wait3A_85 = tpu.memref_slice %arg3[%add3A_58] : memref<320000xi32, #tpu.memory_space<hbm>> -> memref<80xi32, #tpu.memory_space<hbm>>
      tpu.wait_dma2 semaphore(%arg23 : memref<!tpu.dma_semaphore, #tpu.memory_space<semaphore_mem>>) src(%dma_wait3A_85 : memref<80xi32, #tpu.memory_space<hbm>>) dst(%arg10 : memref<80xi32, #tpu.memory_space<vmem>>)
      %dma_wait3A_86 = tpu.memref_slice %arg4[%add3A_58] : memref<320000xi32, #tpu.memory_space<hbm>> -> memref<80xi32, #tpu.memory_space<hbm>>
      %dma_wait3A_87 = tpu.memref_slice %arg4[%add3A_58] : memref<320000xi32, #tpu.memory_space<hbm>> -> memref<80xi32, #tpu.memory_space<hbm>>
      tpu.wait_dma2 semaphore(%arg23 : memref<!tpu.dma_semaphore, #tpu.memory_space<semaphore_mem>>) src(%dma_wait3A_87 : memref<80xi32, #tpu.memory_space<hbm>>) dst(%arg14 : memref<80xi32, #tpu.memory_space<vmem>>)
      %dma_start3A_88 = arith.constant 0 : i32
      %dma_start3A_89 = arith.constant 0 : i32
      %dma_start3A_90 = tpu.memref_slice %arg2[%dma_start3A_88, %dma_start3A_89] : memref<10240x128xf32, #tpu.memory_space<hbm>> -> memref<10240x128xf32, #tpu.memory_space<hbm>>
      tpu.enqueue_indirect_dma source(%dma_start3A_90 : memref<10240x128xf32, #tpu.memory_space<hbm>>) target(%arg18 : memref<80x128xf32, #tpu.memory_space<vmem>>) offsets(%arg10 : memref<80xi32, #tpu.memory_space<vmem>>) semaphore(%arg27 : memref<!tpu.dma_semaphore, #tpu.memory_space<semaphore_mem>>)
      %dma_wait3A_91 = arith.constant 0 : i32
      %dma_wait3A_92 = arith.constant 0 : i32
      %dma_wait3A_93 = tpu.memref_slice %arg2[%dma_wait3A_91, %dma_wait3A_92] : memref<10240x128xf32, #tpu.memory_space<hbm>> -> memref<10240x128xf32, #tpu.memory_space<hbm>>
      tpu.wait_indirect_dma semaphore(%arg24 : memref<!tpu.dma_semaphore, #tpu.memory_space<semaphore_mem>>) src(%dma_wait3A_93 : memref<10240x128xf32, #tpu.memory_space<hbm>>) dst(%arg15 : memref<80x128xf32, #tpu.memory_space<vmem>>)
      %dma_start3A_94 = arith.constant 0 : i32
      %dma_start3A_95 = arith.constant 0 : i32
      %dma_start3A_96 = tpu.memref_slice %arg19[%dma_start3A_94, %dma_start3A_95] : memref<10240x128xf32, #tpu.memory_space<vmem_shared>> -> memref<10240x128xf32, #tpu.memory_space<vmem_shared>>
      tpu.enqueue_indirect_dma source(%arg15 : memref<80x128xf32, #tpu.memory_space<vmem>>) target(%dma_start3A_96 : memref<10240x128xf32, #tpu.memory_space<vmem_shared>>) offsets(%arg11 : memref<80xi32, #tpu.memory_space<vmem>>) semaphore(%arg28 : memref<!tpu.dma_semaphore, #tpu.memory_space<semaphore_mem>>) {add = true}
      %dma_wait3A_97 = arith.constant 0 : i32
      %dma_wait3A_98 = arith.constant 0 : i32
      %dma_wait3A_99 = tpu.memref_slice %arg2[%dma_wait3A_97, %dma_wait3A_98] : memref<10240x128xf32, #tpu.memory_space<hbm>> -> memref<10240x128xf32, #tpu.memory_space<hbm>>
      tpu.wait_indirect_dma semaphore(%arg25 : memref<!tpu.dma_semaphore, #tpu.memory_space<semaphore_mem>>) src(%dma_wait3A_99 : memref<10240x128xf32, #tpu.memory_space<hbm>>) dst(%arg16 : memref<80x128xf32, #tpu.memory_space<vmem>>)
      %dma_start3A_100 = arith.constant 0 : i32
      %dma_start3A_101 = arith.constant 0 : i32
      %dma_start3A_102 = tpu.memref_slice %arg19[%dma_start3A_100, %dma_start3A_101] : memref<10240x128xf32, #tpu.memory_space<vmem_shared>> -> memref<10240x128xf32, #tpu.memory_space<vmem_shared>>
      tpu.enqueue_indirect_dma source(%arg16 : memref<80x128xf32, #tpu.memory_space<vmem>>) target(%dma_start3A_102 : memref<10240x128xf32, #tpu.memory_space<vmem_shared>>) offsets(%arg12 : memref<80xi32, #tpu.memory_space<vmem>>) semaphore(%arg29 : memref<!tpu.dma_semaphore, #tpu.memory_space<semaphore_mem>>) {add = true}
      %dma_wait3A_103 = arith.constant 0 : i32
      %dma_wait3A_104 = arith.constant 0 : i32
      %dma_wait3A_105 = tpu.memref_slice %arg2[%dma_wait3A_103, %dma_wait3A_104] : memref<10240x128xf32, #tpu.memory_space<hbm>> -> memref<10240x128xf32, #tpu.memory_space<hbm>>
      tpu.wait_indirect_dma semaphore(%arg26 : memref<!tpu.dma_semaphore, #tpu.memory_space<semaphore_mem>>) src(%dma_wait3A_105 : memref<10240x128xf32, #tpu.memory_space<hbm>>) dst(%arg17 : memref<80x128xf32, #tpu.memory_space<vmem>>)
      %dma_start3A_106 = arith.constant 0 : i32
      %dma_start3A_107 = arith.constant 0 : i32
      %dma_start3A_108 = tpu.memref_slice %arg19[%dma_start3A_106, %dma_start3A_107] : memref<10240x128xf32, #tpu.memory_space<vmem_shared>> -> memref<10240x128xf32, #tpu.memory_space<vmem_shared>>
      tpu.enqueue_indirect_dma source(%arg17 : memref<80x128xf32, #tpu.memory_space<vmem>>) target(%dma_start3A_108 : memref<10240x128xf32, #tpu.memory_space<vmem_shared>>) offsets(%arg13 : memref<80xi32, #tpu.memory_space<vmem>>) semaphore(%arg30 : memref<!tpu.dma_semaphore, #tpu.memory_space<semaphore_mem>>) {add = true}
      %dma_wait3A_109 = arith.constant 0 : i32
      %dma_wait3A_110 = arith.constant 0 : i32
      %dma_wait3A_111 = tpu.memref_slice %arg2[%dma_wait3A_109, %dma_wait3A_110] : memref<10240x128xf32, #tpu.memory_space<hbm>> -> memref<10240x128xf32, #tpu.memory_space<hbm>>
      tpu.wait_indirect_dma semaphore(%arg27 : memref<!tpu.dma_semaphore, #tpu.memory_space<semaphore_mem>>) src(%dma_wait3A_111 : memref<10240x128xf32, #tpu.memory_space<hbm>>) dst(%arg18 : memref<80x128xf32, #tpu.memory_space<vmem>>)
      %dma_start3A_112 = arith.constant 0 : i32
      %dma_start3A_113 = arith.constant 0 : i32
      %dma_start3A_114 = tpu.memref_slice %arg19[%dma_start3A_112, %dma_start3A_113] : memref<10240x128xf32, #tpu.memory_space<vmem_shared>> -> memref<10240x128xf32, #tpu.memory_space<vmem_shared>>
      tpu.enqueue_indirect_dma source(%arg18 : memref<80x128xf32, #tpu.memory_space<vmem>>) target(%dma_start3A_114 : memref<10240x128xf32, #tpu.memory_space<vmem_shared>>) offsets(%arg14 : memref<80xi32, #tpu.memory_space<vmem>>) semaphore(%arg31 : memref<!tpu.dma_semaphore, #tpu.memory_space<semaphore_mem>>) {add = true}
      %dma_wait3A_115 = arith.constant 0 : i32
      %dma_wait3A_116 = arith.constant 0 : i32
      %dma_wait3A_117 = tpu.memref_slice %arg19[%dma_wait3A_115, %dma_wait3A_116] : memref<10240x128xf32, #tpu.memory_space<vmem_shared>> -> memref<10240x128xf32, #tpu.memory_space<vmem_shared>>
      tpu.wait_indirect_dma semaphore(%arg28 : memref<!tpu.dma_semaphore, #tpu.memory_space<semaphore_mem>>) src(%arg15 : memref<80x128xf32, #tpu.memory_space<vmem>>) dst(%dma_wait3A_117 : memref<10240x128xf32, #tpu.memory_space<vmem_shared>>)
      %dma_wait3A_118 = arith.constant 0 : i32
      %dma_wait3A_119 = arith.constant 0 : i32
      %dma_wait3A_120 = tpu.memref_slice %arg19[%dma_wait3A_118, %dma_wait3A_119] : memref<10240x128xf32, #tpu.memory_space<vmem_shared>> -> memref<10240x128xf32, #tpu.memory_space<vmem_shared>>
      tpu.wait_indirect_dma semaphore(%arg29 : memref<!tpu.dma_semaphore, #tpu.memory_space<semaphore_mem>>) src(%arg16 : memref<80x128xf32, #tpu.memory_space<vmem>>) dst(%dma_wait3A_120 : memref<10240x128xf32, #tpu.memory_space<vmem_shared>>)
      %dma_wait3A_121 = arith.constant 0 : i32
      %dma_wait3A_122 = arith.constant 0 : i32
      %dma_wait3A_123 = tpu.memref_slice %arg19[%dma_wait3A_121, %dma_wait3A_122] : memref<10240x128xf32, #tpu.memory_space<vmem_shared>> -> memref<10240x128xf32, #tpu.memory_space<vmem_shared>>
      tpu.wait_indirect_dma semaphore(%arg30 : memref<!tpu.dma_semaphore, #tpu.memory_space<semaphore_mem>>) src(%arg17 : memref<80x128xf32, #tpu.memory_space<vmem>>) dst(%dma_wait3A_123 : memref<10240x128xf32, #tpu.memory_space<vmem_shared>>)
      %dma_wait3A_124 = arith.constant 0 : i32
      %dma_wait3A_125 = arith.constant 0 : i32
      %dma_wait3A_126 = tpu.memref_slice %arg19[%dma_wait3A_124, %dma_wait3A_125] : memref<10240x128xf32, #tpu.memory_space<vmem_shared>> -> memref<10240x128xf32, #tpu.memory_space<vmem_shared>>
      tpu.wait_indirect_dma semaphore(%arg31 : memref<!tpu.dma_semaphore, #tpu.memory_space<semaphore_mem>>) src(%arg18 : memref<80x128xf32, #tpu.memory_space<vmem>>) dst(%dma_wait3A_126 : memref<10240x128xf32, #tpu.memory_space<vmem_shared>>)
    }
    %scan3A_9 = arith.constant 31 : i32
    %add3A_10 = arith.constant 9920 : i32
    %add3A_11 = arith.addi %mul3A_4, %add3A_10 : i32
    %add3A_12 = arith.constant 0 : i32
    %add3A_13 = arith.addi %add3A_11, %add3A_12 : i32
    %dma_start3A = tpu.memref_slice %arg3[%add3A_13] : memref<320000xi32, #tpu.memory_space<hbm>> -> memref<80xi32, #tpu.memory_space<hbm>>
    %dma_start3A_14 = tpu.memref_slice %arg3[%add3A_13] : memref<320000xi32, #tpu.memory_space<hbm>> -> memref<80xi32, #tpu.memory_space<hbm>>
    tpu.enqueue_dma source(%dma_start3A_14 : memref<80xi32, #tpu.memory_space<hbm>>) target(%arg7 : memref<80xi32, #tpu.memory_space<vmem>>) target_semaphore(%arg20 : memref<!tpu.dma_semaphore, #tpu.memory_space<semaphore_mem>>)
    %dma_start3A_15 = tpu.memref_slice %arg4[%add3A_13] : memref<320000xi32, #tpu.memory_space<hbm>> -> memref<80xi32, #tpu.memory_space<hbm>>
    %dma_start3A_16 = tpu.memref_slice %arg4[%add3A_13] : memref<320000xi32, #tpu.memory_space<hbm>> -> memref<80xi32, #tpu.memory_space<hbm>>
    tpu.enqueue_dma source(%dma_start3A_16 : memref<80xi32, #tpu.memory_space<hbm>>) target(%arg11 : memref<80xi32, #tpu.memory_space<vmem>>) target_semaphore(%arg20 : memref<!tpu.dma_semaphore, #tpu.memory_space<semaphore_mem>>)
    %dma_wait3A = tpu.memref_slice %arg3[%add3A_13] : memref<320000xi32, #tpu.memory_space<hbm>> -> memref<80xi32, #tpu.memory_space<hbm>>
    %dma_wait3A_17 = tpu.memref_slice %arg3[%add3A_13] : memref<320000xi32, #tpu.memory_space<hbm>> -> memref<80xi32, #tpu.memory_space<hbm>>
    tpu.wait_dma2 semaphore(%arg20 : memref<!tpu.dma_semaphore, #tpu.memory_space<semaphore_mem>>) src(%dma_wait3A_17 : memref<80xi32, #tpu.memory_space<hbm>>) dst(%arg7 : memref<80xi32, #tpu.memory_space<vmem>>)
    %dma_wait3A_18 = tpu.memref_slice %arg4[%add3A_13] : memref<320000xi32, #tpu.memory_space<hbm>> -> memref<80xi32, #tpu.memory_space<hbm>>
    %dma_wait3A_19 = tpu.memref_slice %arg4[%add3A_13] : memref<320000xi32, #tpu.memory_space<hbm>> -> memref<80xi32, #tpu.memory_space<hbm>>
    tpu.wait_dma2 semaphore(%arg20 : memref<!tpu.dma_semaphore, #tpu.memory_space<semaphore_mem>>) src(%dma_wait3A_19 : memref<80xi32, #tpu.memory_space<hbm>>) dst(%arg11 : memref<80xi32, #tpu.memory_space<vmem>>)
    %dma_start3A_20 = arith.constant 0 : i32
    %dma_start3A_21 = arith.constant 0 : i32
    %dma_start3A_22 = tpu.memref_slice %arg2[%dma_start3A_20, %dma_start3A_21] : memref<10240x128xf32, #tpu.memory_space<hbm>> -> memref<10240x128xf32, #tpu.memory_space<hbm>>
    tpu.enqueue_indirect_dma source(%dma_start3A_22 : memref<10240x128xf32, #tpu.memory_space<hbm>>) target(%arg15 : memref<80x128xf32, #tpu.memory_space<vmem>>) offsets(%arg7 : memref<80xi32, #tpu.memory_space<vmem>>) semaphore(%arg24 : memref<!tpu.dma_semaphore, #tpu.memory_space<semaphore_mem>>)
    %dma_wait3A_23 = arith.constant 0 : i32
    %dma_wait3A_24 = arith.constant 0 : i32
    %dma_wait3A_25 = tpu.memref_slice %arg2[%dma_wait3A_23, %dma_wait3A_24] : memref<10240x128xf32, #tpu.memory_space<hbm>> -> memref<10240x128xf32, #tpu.memory_space<hbm>>
    tpu.wait_indirect_dma semaphore(%arg24 : memref<!tpu.dma_semaphore, #tpu.memory_space<semaphore_mem>>) src(%dma_wait3A_25 : memref<10240x128xf32, #tpu.memory_space<hbm>>) dst(%arg15 : memref<80x128xf32, #tpu.memory_space<vmem>>)
    %dma_start3A_26 = arith.constant 0 : i32
    %dma_start3A_27 = arith.constant 0 : i32
    %dma_start3A_28 = tpu.memref_slice %arg19[%dma_start3A_26, %dma_start3A_27] : memref<10240x128xf32, #tpu.memory_space<vmem_shared>> -> memref<10240x128xf32, #tpu.memory_space<vmem_shared>>
    tpu.enqueue_indirect_dma source(%arg15 : memref<80x128xf32, #tpu.memory_space<vmem>>) target(%dma_start3A_28 : memref<10240x128xf32, #tpu.memory_space<vmem_shared>>) offsets(%arg11 : memref<80xi32, #tpu.memory_space<vmem>>) semaphore(%arg28 : memref<!tpu.dma_semaphore, #tpu.memory_space<semaphore_mem>>) {add = true}
    %dma_wait3A_29 = arith.constant 0 : i32
    %dma_wait3A_30 = arith.constant 0 : i32
    %dma_wait3A_31 = tpu.memref_slice %arg19[%dma_wait3A_29, %dma_wait3A_30] : memref<10240x128xf32, #tpu.memory_space<vmem_shared>> -> memref<10240x128xf32, #tpu.memory_space<vmem_shared>>
    tpu.wait_indirect_dma semaphore(%arg28 : memref<!tpu.dma_semaphore, #tpu.memory_space<semaphore_mem>>) src(%arg15 : memref<80x128xf32, #tpu.memory_space<vmem>>) dst(%dma_wait3A_31 : memref<10240x128xf32, #tpu.memory_space<vmem_shared>>)
    %barrier3A_32 = arith.constant 0 : index
    tpu.barrier barrier_id(%barrier3A_32)
    "tpu.region"() ({
      %run_scoped3A = tpu.sem_alloc : memref<!tpu.dma_semaphore, #tpu.memory_space<semaphore_mem>>
      %dma_start3A_33 = arith.constant 0 : i32
      %dma_start3A_34 = tpu.memref_slice %arg6[%arg0, %mul3A_2, %dma_start3A_33] : memref<2x10240x128xf32, #tpu.memory_space<hbm>> -> memref<1x640x128xf32, #tpu.memory_space<hbm>>
      %dma_start3A_35 = tpu.memref_squeeze %dma_start3A_34 : memref<1x640x128xf32, #tpu.memory_space<hbm>> -> memref<640x128xf32, #tpu.memory_space<hbm>>
      %dma_start3A_36 = arith.constant 0 : i32
      %dma_start3A_37 = tpu.memref_slice %arg19[%mul3A_2, %dma_start3A_36] : memref<10240x128xf32, #tpu.memory_space<vmem_shared>> -> memref<640x128xf32, #tpu.memory_space<vmem_shared>>
      tpu.enqueue_dma source(%dma_start3A_37 : memref<640x128xf32, #tpu.memory_space<vmem_shared>>) target(%dma_start3A_35 : memref<640x128xf32, #tpu.memory_space<hbm>>) target_semaphore(%run_scoped3A : memref<!tpu.dma_semaphore, #tpu.memory_space<semaphore_mem>>)
      %dma_wait3A_38 = arith.constant 0 : i32
      %dma_wait3A_39 = tpu.memref_slice %arg6[%arg0, %mul3A_2, %dma_wait3A_38] : memref<2x10240x128xf32, #tpu.memory_space<hbm>> -> memref<1x640x128xf32, #tpu.memory_space<hbm>>
      %dma_wait3A_40 = tpu.memref_squeeze %dma_wait3A_39 : memref<1x640x128xf32, #tpu.memory_space<hbm>> -> memref<640x128xf32, #tpu.memory_space<hbm>>
      %dma_wait3A_41 = arith.constant 0 : i32
      %dma_wait3A_42 = tpu.memref_slice %arg19[%mul3A_2, %dma_wait3A_41] : memref<10240x128xf32, #tpu.memory_space<vmem_shared>> -> memref<640x128xf32, #tpu.memory_space<vmem_shared>>
      tpu.wait_dma2 semaphore(%run_scoped3A : memref<!tpu.dma_semaphore, #tpu.memory_space<semaphore_mem>>) src(%dma_wait3A_42 : memref<640x128xf32, #tpu.memory_space<vmem_shared>>) dst(%dma_wait3A_40 : memref<640x128xf32, #tpu.memory_space<hbm>>)
      tpu.yield
    }) : () -> ()
    return
  }
}

#map = affine_map<(d0, d1) -> (0, 0)>
#map1 = affine_map<(d0, d1) -> (0)>
#map2 = affine_map<(d0, d1) -> (0, 0, 0)>
module attributes {stable_mosaic.version = 14 : i64} {
  func.func @_sc_scatter(%arg0: i32, %arg1: i32, %arg2: memref<10240x128xf32, #tpu.memory_space<hbm>>, %arg3: memref<320000xi32, #tpu.memory_space<hbm>>, %arg4: memref<320000xi32, #tpu.memory_space<hbm>>, %arg5: memref<10240x128xf32, #tpu.memory_space<hbm>>, %arg6: memref<2x10240x128xf32, #tpu.memory_space<hbm>>, %arg7: memref<80xi32, #tpu.memory_space<vmem>>, %arg8: memref<80xi32, #tpu.memory_space<vmem>>, %arg9: memref<80xi32, #tpu.memory_space<vmem>>, %arg10: memref<80xi32, #tpu.memory_space<vmem>>, %arg11: memref<80xi32, #tpu.memory_space<vmem>>, %arg12: memref<80xi32, #tpu.memory_space<vmem>>, %arg13: memref<80xi32, #tpu.memory_space<vmem>>, %arg14: memref<80xi32, #tpu.memory_space<vmem>>, %arg15: memref<80x128xf32, #tpu.memory_space<vmem>>, %arg16: memref<80x128xf32, #tpu.memory_space<vmem>>, %arg17: memref<80x128xf32, #tpu.memory_space<vmem>>, %arg18: memref<80x128xf32, #tpu.memory_space<vmem>>, %arg19: memref<10240x128xf32, #tpu.memory_space<vmem_shared>>, %arg20: memref<!tpu.dma_semaphore, #tpu.memory_space<semaphore_mem>>, %arg21: memref<!tpu.dma_semaphore, #tpu.memory_space<semaphore_mem>>, %arg22: memref<!tpu.dma_semaphore, #tpu.memory_space<semaphore_mem>>, %arg23: memref<!tpu.dma_semaphore, #tpu.memory_space<semaphore_mem>>, %arg24: memref<!tpu.dma_semaphore, #tpu.memory_space<semaphore_mem>>, %arg25: memref<!tpu.dma_semaphore, #tpu.memory_space<semaphore_mem>>, %arg26: memref<!tpu.dma_semaphore, #tpu.memory_space<semaphore_mem>>, %arg27: memref<!tpu.dma_semaphore, #tpu.memory_space<semaphore_mem>>, %arg28: memref<!tpu.dma_semaphore, #tpu.memory_space<semaphore_mem>>, %arg29: memref<!tpu.dma_semaphore, #tpu.memory_space<semaphore_mem>>, %arg30: memref<!tpu.dma_semaphore, #tpu.memory_space<semaphore_mem>>, %arg31: memref<!tpu.dma_semaphore, #tpu.memory_space<semaphore_mem>>) attributes {dimension_semantics = [#tpu.dimension_semantics<core_parallel>, #tpu.dimension_semantics<subcore_parallel>], iteration_bounds = array<i64: 2, 16>, scalar_prefetch = 0 : i64, scratch_operands = 25 : i64, tpu.core_type = #tpu.core_type<sc_vector_subcore>, window_params = [{transform_indices = #map}, {transform_indices = #map1}, {transform_indices = #map1}, {transform_indices = #map}, {transform_indices = #map2}]} {
    %mul3A = arith.constant 2 : i32
    %mul3A_0 = arith.muli %arg1, %mul3A : i32
    %add3A = arith.addi %mul3A_0, %arg0 : i32
    %mul3A_1 = arith.constant 640 : i32
    %mul3A_2 = arith.muli %arg1, %mul3A_1 : i32
    "tpu.region"() ({
      %run_scoped3A = tpu.sem_alloc : memref<!tpu.dma_semaphore, #tpu.memory_space<semaphore_mem>>
      %dma_start3A_33 = arith.constant 0 : i32
      %dma_start3A_34 = tpu.memref_slice %arg19[%mul3A_2, %dma_start3A_33] : memref<10240x128xf32, #tpu.memory_space<vmem_shared>> -> memref<640x128xf32, #tpu.memory_space<vmem_shared>>
      %dma_start3A_35 = arith.constant 0 : i32
      %dma_start3A_36 = tpu.memref_slice %arg5[%mul3A_2, %dma_start3A_35] : memref<10240x128xf32, #tpu.memory_space<hbm>> -> memref<640x128xf32, #tpu.memory_space<hbm>>
      tpu.enqueue_dma source(%dma_start3A_36 : memref<640x128xf32, #tpu.memory_space<hbm>>) target(%dma_start3A_34 : memref<640x128xf32, #tpu.memory_space<vmem_shared>>) target_semaphore(%run_scoped3A : memref<!tpu.dma_semaphore, #tpu.memory_space<semaphore_mem>>)
      %dma_wait3A_37 = arith.constant 0 : i32
      %dma_wait3A_38 = tpu.memref_slice %arg19[%mul3A_2, %dma_wait3A_37] : memref<10240x128xf32, #tpu.memory_space<vmem_shared>> -> memref<640x128xf32, #tpu.memory_space<vmem_shared>>
      %dma_wait3A_39 = arith.constant 0 : i32
      %dma_wait3A_40 = tpu.memref_slice %arg5[%mul3A_2, %dma_wait3A_39] : memref<10240x128xf32, #tpu.memory_space<hbm>> -> memref<640x128xf32, #tpu.memory_space<hbm>>
      tpu.wait_dma2 semaphore(%run_scoped3A : memref<!tpu.dma_semaphore, #tpu.memory_space<semaphore_mem>>) src(%dma_wait3A_40 : memref<640x128xf32, #tpu.memory_space<hbm>>) dst(%dma_wait3A_38 : memref<640x128xf32, #tpu.memory_space<vmem_shared>>)
      tpu.yield
    }) : () -> ()
    %barrier3A = arith.constant 0 : index
    tpu.barrier barrier_id(%barrier3A)
    %mul3A_3 = arith.constant 10000 : i32
    %mul3A_4 = arith.muli %add3A, %mul3A_3 : i32
    %scan3A = arith.constant 0 : i32
    %scan3A_5 = arith.constant 0 : i32
    %scan3A_6 = arith.constant 31 : i32
    %scan3A_7 = arith.addi %scan3A_5, %scan3A_6 : i32
    %scan3A_8 = arith.constant 1 : i32
    scf.for %scan3A_33 = %scan3A_5 to %scan3A_7 step %scan3A_8  : i32 {
      %mul3A_34 = arith.constant 4 : i32
      %mul3A_35 = arith.muli %mul3A_34, %scan3A_33 : i32
      %mul3A_36 = arith.constant 80 : i32
      %mul3A_37 = arith.muli %mul3A_35, %mul3A_36 : i32
      %add3A_38 = arith.addi %mul3A_4, %mul3A_37 : i32
      %add3A_39 = arith.constant 0 : i32
      %add3A_40 = arith.addi %add3A_38, %add3A_39 : i32
      %dma_start3A_41 = tpu.memref_slice %arg3[%add3A_40] : memref<320000xi32, #tpu.memory_space<hbm>> -> memref<80xi32, #tpu.memory_space<hbm>>
      %dma_start3A_42 = tpu.memref_slice %arg3[%add3A_40] : memref<320000xi32, #tpu.memory_space<hbm>> -> memref<80xi32, #tpu.memory_space<hbm>>
      tpu.enqueue_dma source(%dma_start3A_42 : memref<80xi32, #tpu.memory_space<hbm>>) target(%arg7 : memref<80xi32, #tpu.memory_space<vmem>>) target_semaphore(%arg20 : memref<!tpu.dma_semaphore, #tpu.memory_space<semaphore_mem>>)
      %dma_start3A_43 = tpu.memref_slice %arg4[%add3A_40] : memref<320000xi32, #tpu.memory_space<hbm>> -> memref<80xi32, #tpu.memory_space<hbm>>
      %dma_start3A_44 = tpu.memref_slice %arg4[%add3A_40] : memref<320000xi32, #tpu.memory_space<hbm>> -> memref<80xi32, #tpu.memory_space<hbm>>
      tpu.enqueue_dma source(%dma_start3A_44 : memref<80xi32, #tpu.memory_space<hbm>>) target(%arg11 : memref<80xi32, #tpu.memory_space<vmem>>) target_semaphore(%arg20 : memref<!tpu.dma_semaphore, #tpu.memory_space<semaphore_mem>>)
      %add3A_45 = arith.constant 80 : i32
      %add3A_46 = arith.addi %add3A_38, %add3A_45 : i32
      %dma_start3A_47 = tpu.memref_slice %arg3[%add3A_46] : memref<320000xi32, #tpu.memory_space<hbm>> -> memref<80xi32, #tpu.memory_space<hbm>>
      %dma_start3A_48 = tpu.memref_slice %arg3[%add3A_46] : memref<320000xi32, #tpu.memory_space<hbm>> -> memref<80xi32, #tpu.memory_space<hbm>>
      tpu.enqueue_dma source(%dma_start3A_48 : memref<80xi32, #tpu.memory_space<hbm>>) target(%arg8 : memref<80xi32, #tpu.memory_space<vmem>>) target_semaphore(%arg21 : memref<!tpu.dma_semaphore, #tpu.memory_space<semaphore_mem>>)
      %dma_start3A_49 = tpu.memref_slice %arg4[%add3A_46] : memref<320000xi32, #tpu.memory_space<hbm>> -> memref<80xi32, #tpu.memory_space<hbm>>
      %dma_start3A_50 = tpu.memref_slice %arg4[%add3A_46] : memref<320000xi32, #tpu.memory_space<hbm>> -> memref<80xi32, #tpu.memory_space<hbm>>
      tpu.enqueue_dma source(%dma_start3A_50 : memref<80xi32, #tpu.memory_space<hbm>>) target(%arg12 : memref<80xi32, #tpu.memory_space<vmem>>) target_semaphore(%arg21 : memref<!tpu.dma_semaphore, #tpu.memory_space<semaphore_mem>>)
      %add3A_51 = arith.constant 160 : i32
      %add3A_52 = arith.addi %add3A_38, %add3A_51 : i32
      %dma_start3A_53 = tpu.memref_slice %arg3[%add3A_52] : memref<320000xi32, #tpu.memory_space<hbm>> -> memref<80xi32, #tpu.memory_space<hbm>>
      %dma_start3A_54 = tpu.memref_slice %arg3[%add3A_52] : memref<320000xi32, #tpu.memory_space<hbm>> -> memref<80xi32, #tpu.memory_space<hbm>>
      tpu.enqueue_dma source(%dma_start3A_54 : memref<80xi32, #tpu.memory_space<hbm>>) target(%arg9 : memref<80xi32, #tpu.memory_space<vmem>>) target_semaphore(%arg22 : memref<!tpu.dma_semaphore, #tpu.memory_space<semaphore_mem>>)
      %dma_start3A_55 = tpu.memref_slice %arg4[%add3A_52] : memref<320000xi32, #tpu.memory_space<hbm>> -> memref<80xi32, #tpu.memory_space<hbm>>
      %dma_start3A_56 = tpu.memref_slice %arg4[%add3A_52] : memref<320000xi32, #tpu.memory_space<hbm>> -> memref<80xi32, #tpu.memory_space<hbm>>
      tpu.enqueue_dma source(%dma_start3A_56 : memref<80xi32, #tpu.memory_space<hbm>>) target(%arg13 : memref<80xi32, #tpu.memory_space<vmem>>) target_semaphore(%arg22 : memref<!tpu.dma_semaphore, #tpu.memory_space<semaphore_mem>>)
      %add3A_57 = arith.constant 240 : i32
      %add3A_58 = arith.addi %add3A_38, %add3A_57 : i32
      %dma_start3A_59 = tpu.memref_slice %arg3[%add3A_58] : memref<320000xi32, #tpu.memory_space<hbm>> -> memref<80xi32, #tpu.memory_space<hbm>>
      %dma_start3A_60 = tpu.memref_slice %arg3[%add3A_58] : memref<320000xi32, #tpu.memory_space<hbm>> -> memref<80xi32, #tpu.memory_space<hbm>>
      tpu.enqueue_dma source(%dma_start3A_60 : memref<80xi32, #tpu.memory_space<hbm>>) target(%arg10 : memref<80xi32, #tpu.memory_space<vmem>>) target_semaphore(%arg23 : memref<!tpu.dma_semaphore, #tpu.memory_space<semaphore_mem>>)
      %dma_start3A_61 = tpu.memref_slice %arg4[%add3A_58] : memref<320000xi32, #tpu.memory_space<hbm>> -> memref<80xi32, #tpu.memory_space<hbm>>
      %dma_start3A_62 = tpu.memref_slice %arg4[%add3A_58] : memref<320000xi32, #tpu.memory_space<hbm>> -> memref<80xi32, #tpu.memory_space<hbm>>
      tpu.enqueue_dma source(%dma_start3A_62 : memref<80xi32, #tpu.memory_space<hbm>>) target(%arg14 : memref<80xi32, #tpu.memory_space<vmem>>) target_semaphore(%arg23 : memref<!tpu.dma_semaphore, #tpu.memory_space<semaphore_mem>>)
      %dma_wait3A_63 = tpu.memref_slice %arg3[%add3A_40] : memref<320000xi32, #tpu.memory_space<hbm>> -> memref<80xi32, #tpu.memory_space<hbm>>
      %dma_wait3A_64 = tpu.memref_slice %arg3[%add3A_40] : memref<320000xi32, #tpu.memory_space<hbm>> -> memref<80xi32, #tpu.memory_space<hbm>>
      tpu.wait_dma2 semaphore(%arg20 : memref<!tpu.dma_semaphore, #tpu.memory_space<semaphore_mem>>) src(%dma_wait3A_64 : memref<80xi32, #tpu.memory_space<hbm>>) dst(%arg7 : memref<80xi32, #tpu.memory_space<vmem>>)
      %dma_wait3A_65 = tpu.memref_slice %arg4[%add3A_40] : memref<320000xi32, #tpu.memory_space<hbm>> -> memref<80xi32, #tpu.memory_space<hbm>>
      %dma_wait3A_66 = tpu.memref_slice %arg4[%add3A_40] : memref<320000xi32, #tpu.memory_space<hbm>> -> memref<80xi32, #tpu.memory_space<hbm>>
      tpu.wait_dma2 semaphore(%arg20 : memref<!tpu.dma_semaphore, #tpu.memory_space<semaphore_mem>>) src(%dma_wait3A_66 : memref<80xi32, #tpu.memory_space<hbm>>) dst(%arg11 : memref<80xi32, #tpu.memory_space<vmem>>)
      %dma_start3A_67 = arith.constant 0 : i32
      %dma_start3A_68 = arith.constant 0 : i32
      %dma_start3A_69 = tpu.memref_slice %arg2[%dma_start3A_67, %dma_start3A_68] : memref<10240x128xf32, #tpu.memory_space<hbm>> -> memref<10240x128xf32, #tpu.memory_space<hbm>>
      tpu.enqueue_indirect_dma source(%dma_start3A_69 : memref<10240x128xf32, #tpu.memory_space<hbm>>) target(%arg15 : memref<80x128xf32, #tpu.memory_space<vmem>>) offsets(%arg7 : memref<80xi32, #tpu.memory_space<vmem>>) semaphore(%arg24 : memref<!tpu.dma_semaphore, #tpu.memory_space<semaphore_mem>>)
      %dma_wait3A_70 = tpu.memref_slice %arg3[%add3A_46] : memref<320000xi32, #tpu.memory_space<hbm>> -> memref<80xi32, #tpu.memory_space<hbm>>
      %dma_wait3A_71 = tpu.memref_slice %arg3[%add3A_46] : memref<320000xi32, #tpu.memory_space<hbm>> -> memref<80xi32, #tpu.memory_space<hbm>>
      tpu.wait_dma2 semaphore(%arg21 : memref<!tpu.dma_semaphore, #tpu.memory_space<semaphore_mem>>) src(%dma_wait3A_71 : memref<80xi32, #tpu.memory_space<hbm>>) dst(%arg8 : memref<80xi32, #tpu.memory_space<vmem>>)
      %dma_wait3A_72 = tpu.memref_slice %arg4[%add3A_46] : memref<320000xi32, #tpu.memory_space<hbm>> -> memref<80xi32, #tpu.memory_space<hbm>>
      %dma_wait3A_73 = tpu.memref_slice %arg4[%add3A_46] : memref<320000xi32, #tpu.memory_space<hbm>> -> memref<80xi32, #tpu.memory_space<hbm>>
      tpu.wait_dma2 semaphore(%arg21 : memref<!tpu.dma_semaphore, #tpu.memory_space<semaphore_mem>>) src(%dma_wait3A_73 : memref<80xi32, #tpu.memory_space<hbm>>) dst(%arg12 : memref<80xi32, #tpu.memory_space<vmem>>)
      %dma_start3A_74 = arith.constant 0 : i32
      %dma_start3A_75 = arith.constant 0 : i32
      %dma_start3A_76 = tpu.memref_slice %arg2[%dma_start3A_74, %dma_start3A_75] : memref<10240x128xf32, #tpu.memory_space<hbm>> -> memref<10240x128xf32, #tpu.memory_space<hbm>>
      tpu.enqueue_indirect_dma source(%dma_start3A_76 : memref<10240x128xf32, #tpu.memory_space<hbm>>) target(%arg16 : memref<80x128xf32, #tpu.memory_space<vmem>>) offsets(%arg8 : memref<80xi32, #tpu.memory_space<vmem>>) semaphore(%arg25 : memref<!tpu.dma_semaphore, #tpu.memory_space<semaphore_mem>>)
      %dma_wait3A_77 = tpu.memref_slice %arg3[%add3A_52] : memref<320000xi32, #tpu.memory_space<hbm>> -> memref<80xi32, #tpu.memory_space<hbm>>
      %dma_wait3A_78 = tpu.memref_slice %arg3[%add3A_52] : memref<320000xi32, #tpu.memory_space<hbm>> -> memref<80xi32, #tpu.memory_space<hbm>>
      tpu.wait_dma2 semaphore(%arg22 : memref<!tpu.dma_semaphore, #tpu.memory_space<semaphore_mem>>) src(%dma_wait3A_78 : memref<80xi32, #tpu.memory_space<hbm>>) dst(%arg9 : memref<80xi32, #tpu.memory_space<vmem>>)
      %dma_wait3A_79 = tpu.memref_slice %arg4[%add3A_52] : memref<320000xi32, #tpu.memory_space<hbm>> -> memref<80xi32, #tpu.memory_space<hbm>>
      %dma_wait3A_80 = tpu.memref_slice %arg4[%add3A_52] : memref<320000xi32, #tpu.memory_space<hbm>> -> memref<80xi32, #tpu.memory_space<hbm>>
      tpu.wait_dma2 semaphore(%arg22 : memref<!tpu.dma_semaphore, #tpu.memory_space<semaphore_mem>>) src(%dma_wait3A_80 : memref<80xi32, #tpu.memory_space<hbm>>) dst(%arg13 : memref<80xi32, #tpu.memory_space<vmem>>)
      %dma_start3A_81 = arith.constant 0 : i32
      %dma_start3A_82 = arith.constant 0 : i32
      %dma_start3A_83 = tpu.memref_slice %arg2[%dma_start3A_81, %dma_start3A_82] : memref<10240x128xf32, #tpu.memory_space<hbm>> -> memref<10240x128xf32, #tpu.memory_space<hbm>>
      tpu.enqueue_indirect_dma source(%dma_start3A_83 : memref<10240x128xf32, #tpu.memory_space<hbm>>) target(%arg17 : memref<80x128xf32, #tpu.memory_space<vmem>>) offsets(%arg9 : memref<80xi32, #tpu.memory_space<vmem>>) semaphore(%arg26 : memref<!tpu.dma_semaphore, #tpu.memory_space<semaphore_mem>>)
      %dma_wait3A_84 = tpu.memref_slice %arg3[%add3A_58] : memref<320000xi32, #tpu.memory_space<hbm>> -> memref<80xi32, #tpu.memory_space<hbm>>
      %dma_wait3A_85 = tpu.memref_slice %arg3[%add3A_58] : memref<320000xi32, #tpu.memory_space<hbm>> -> memref<80xi32, #tpu.memory_space<hbm>>
      tpu.wait_dma2 semaphore(%arg23 : memref<!tpu.dma_semaphore, #tpu.memory_space<semaphore_mem>>) src(%dma_wait3A_85 : memref<80xi32, #tpu.memory_space<hbm>>) dst(%arg10 : memref<80xi32, #tpu.memory_space<vmem>>)
      %dma_wait3A_86 = tpu.memref_slice %arg4[%add3A_58] : memref<320000xi32, #tpu.memory_space<hbm>> -> memref<80xi32, #tpu.memory_space<hbm>>
      %dma_wait3A_87 = tpu.memref_slice %arg4[%add3A_58] : memref<320000xi32, #tpu.memory_space<hbm>> -> memref<80xi32, #tpu.memory_space<hbm>>
      tpu.wait_dma2 semaphore(%arg23 : memref<!tpu.dma_semaphore, #tpu.memory_space<semaphore_mem>>) src(%dma_wait3A_87 : memref<80xi32, #tpu.memory_space<hbm>>) dst(%arg14 : memref<80xi32, #tpu.memory_space<vmem>>)
      %dma_start3A_88 = arith.constant 0 : i32
      %dma_start3A_89 = arith.constant 0 : i32
      %dma_start3A_90 = tpu.memref_slice %arg2[%dma_start3A_88, %dma_start3A_89] : memref<10240x128xf32, #tpu.memory_space<hbm>> -> memref<10240x128xf32, #tpu.memory_space<hbm>>
      tpu.enqueue_indirect_dma source(%dma_start3A_90 : memref<10240x128xf32, #tpu.memory_space<hbm>>) target(%arg18 : memref<80x128xf32, #tpu.memory_space<vmem>>) offsets(%arg10 : memref<80xi32, #tpu.memory_space<vmem>>) semaphore(%arg27 : memref<!tpu.dma_semaphore, #tpu.memory_space<semaphore_mem>>)
      %dma_wait3A_91 = arith.constant 0 : i32
      %dma_wait3A_92 = arith.constant 0 : i32
      %dma_wait3A_93 = tpu.memref_slice %arg2[%dma_wait3A_91, %dma_wait3A_92] : memref<10240x128xf32, #tpu.memory_space<hbm>> -> memref<10240x128xf32, #tpu.memory_space<hbm>>
      tpu.wait_indirect_dma semaphore(%arg24 : memref<!tpu.dma_semaphore, #tpu.memory_space<semaphore_mem>>) src(%dma_wait3A_93 : memref<10240x128xf32, #tpu.memory_space<hbm>>) dst(%arg15 : memref<80x128xf32, #tpu.memory_space<vmem>>)
      %dma_start3A_94 = arith.constant 0 : i32
      %dma_start3A_95 = arith.constant 0 : i32
      %dma_start3A_96 = tpu.memref_slice %arg19[%dma_start3A_94, %dma_start3A_95] : memref<10240x128xf32, #tpu.memory_space<vmem_shared>> -> memref<10240x128xf32, #tpu.memory_space<vmem_shared>>
      tpu.enqueue_indirect_dma source(%arg15 : memref<80x128xf32, #tpu.memory_space<vmem>>) target(%dma_start3A_96 : memref<10240x128xf32, #tpu.memory_space<vmem_shared>>) offsets(%arg11 : memref<80xi32, #tpu.memory_space<vmem>>) semaphore(%arg28 : memref<!tpu.dma_semaphore, #tpu.memory_space<semaphore_mem>>) {add = true}
      %dma_wait3A_97 = arith.constant 0 : i32
      %dma_wait3A_98 = arith.constant 0 : i32
      %dma_wait3A_99 = tpu.memref_slice %arg2[%dma_wait3A_97, %dma_wait3A_98] : memref<10240x128xf32, #tpu.memory_space<hbm>> -> memref<10240x128xf32, #tpu.memory_space<hbm>>
      tpu.wait_indirect_dma semaphore(%arg25 : memref<!tpu.dma_semaphore, #tpu.memory_space<semaphore_mem>>) src(%dma_wait3A_99 : memref<10240x128xf32, #tpu.memory_space<hbm>>) dst(%arg16 : memref<80x128xf32, #tpu.memory_space<vmem>>)
      %dma_start3A_100 = arith.constant 0 : i32
      %dma_start3A_101 = arith.constant 0 : i32
      %dma_start3A_102 = tpu.memref_slice %arg19[%dma_start3A_100, %dma_start3A_101] : memref<10240x128xf32, #tpu.memory_space<vmem_shared>> -> memref<10240x128xf32, #tpu.memory_space<vmem_shared>>
      tpu.enqueue_indirect_dma source(%arg16 : memref<80x128xf32, #tpu.memory_space<vmem>>) target(%dma_start3A_102 : memref<10240x128xf32, #tpu.memory_space<vmem_shared>>) offsets(%arg12 : memref<80xi32, #tpu.memory_space<vmem>>) semaphore(%arg29 : memref<!tpu.dma_semaphore, #tpu.memory_space<semaphore_mem>>) {add = true}
      %dma_wait3A_103 = arith.constant 0 : i32
      %dma_wait3A_104 = arith.constant 0 : i32
      %dma_wait3A_105 = tpu.memref_slice %arg2[%dma_wait3A_103, %dma_wait3A_104] : memref<10240x128xf32, #tpu.memory_space<hbm>> -> memref<10240x128xf32, #tpu.memory_space<hbm>>
      tpu.wait_indirect_dma semaphore(%arg26 : memref<!tpu.dma_semaphore, #tpu.memory_space<semaphore_mem>>) src(%dma_wait3A_105 : memref<10240x128xf32, #tpu.memory_space<hbm>>) dst(%arg17 : memref<80x128xf32, #tpu.memory_space<vmem>>)
      %dma_start3A_106 = arith.constant 0 : i32
      %dma_start3A_107 = arith.constant 0 : i32
      %dma_start3A_108 = tpu.memref_slice %arg19[%dma_start3A_106, %dma_start3A_107] : memref<10240x128xf32, #tpu.memory_space<vmem_shared>> -> memref<10240x128xf32, #tpu.memory_space<vmem_shared>>
      tpu.enqueue_indirect_dma source(%arg17 : memref<80x128xf32, #tpu.memory_space<vmem>>) target(%dma_start3A_108 : memref<10240x128xf32, #tpu.memory_space<vmem_shared>>) offsets(%arg13 : memref<80xi32, #tpu.memory_space<vmem>>) semaphore(%arg30 : memref<!tpu.dma_semaphore, #tpu.memory_space<semaphore_mem>>) {add = true}
      %dma_wait3A_109 = arith.constant 0 : i32
      %dma_wait3A_110 = arith.constant 0 : i32
      %dma_wait3A_111 = tpu.memref_slice %arg2[%dma_wait3A_109, %dma_wait3A_110] : memref<10240x128xf32, #tpu.memory_space<hbm>> -> memref<10240x128xf32, #tpu.memory_space<hbm>>
      tpu.wait_indirect_dma semaphore(%arg27 : memref<!tpu.dma_semaphore, #tpu.memory_space<semaphore_mem>>) src(%dma_wait3A_111 : memref<10240x128xf32, #tpu.memory_space<hbm>>) dst(%arg18 : memref<80x128xf32, #tpu.memory_space<vmem>>)
      %dma_start3A_112 = arith.constant 0 : i32
      %dma_start3A_113 = arith.constant 0 : i32
      %dma_start3A_114 = tpu.memref_slice %arg19[%dma_start3A_112, %dma_start3A_113] : memref<10240x128xf32, #tpu.memory_space<vmem_shared>> -> memref<10240x128xf32, #tpu.memory_space<vmem_shared>>
      tpu.enqueue_indirect_dma source(%arg18 : memref<80x128xf32, #tpu.memory_space<vmem>>) target(%dma_start3A_114 : memref<10240x128xf32, #tpu.memory_space<vmem_shared>>) offsets(%arg14 : memref<80xi32, #tpu.memory_space<vmem>>) semaphore(%arg31 : memref<!tpu.dma_semaphore, #tpu.memory_space<semaphore_mem>>) {add = true}
      %dma_wait3A_115 = arith.constant 0 : i32
      %dma_wait3A_116 = arith.constant 0 : i32
      %dma_wait3A_117 = tpu.memref_slice %arg19[%dma_wait3A_115, %dma_wait3A_116] : memref<10240x128xf32, #tpu.memory_space<vmem_shared>> -> memref<10240x128xf32, #tpu.memory_space<vmem_shared>>
      tpu.wait_indirect_dma semaphore(%arg28 : memref<!tpu.dma_semaphore, #tpu.memory_space<semaphore_mem>>) src(%arg15 : memref<80x128xf32, #tpu.memory_space<vmem>>) dst(%dma_wait3A_117 : memref<10240x128xf32, #tpu.memory_space<vmem_shared>>)
      %dma_wait3A_118 = arith.constant 0 : i32
      %dma_wait3A_119 = arith.constant 0 : i32
      %dma_wait3A_120 = tpu.memref_slice %arg19[%dma_wait3A_118, %dma_wait3A_119] : memref<10240x128xf32, #tpu.memory_space<vmem_shared>> -> memref<10240x128xf32, #tpu.memory_space<vmem_shared>>
      tpu.wait_indirect_dma semaphore(%arg29 : memref<!tpu.dma_semaphore, #tpu.memory_space<semaphore_mem>>) src(%arg16 : memref<80x128xf32, #tpu.memory_space<vmem>>) dst(%dma_wait3A_120 : memref<10240x128xf32, #tpu.memory_space<vmem_shared>>)
      %dma_wait3A_121 = arith.constant 0 : i32
      %dma_wait3A_122 = arith.constant 0 : i32
      %dma_wait3A_123 = tpu.memref_slice %arg19[%dma_wait3A_121, %dma_wait3A_122] : memref<10240x128xf32, #tpu.memory_space<vmem_shared>> -> memref<10240x128xf32, #tpu.memory_space<vmem_shared>>
      tpu.wait_indirect_dma semaphore(%arg30 : memref<!tpu.dma_semaphore, #tpu.memory_space<semaphore_mem>>) src(%arg17 : memref<80x128xf32, #tpu.memory_space<vmem>>) dst(%dma_wait3A_123 : memref<10240x128xf32, #tpu.memory_space<vmem_shared>>)
      %dma_wait3A_124 = arith.constant 0 : i32
      %dma_wait3A_125 = arith.constant 0 : i32
      %dma_wait3A_126 = tpu.memref_slice %arg19[%dma_wait3A_124, %dma_wait3A_125] : memref<10240x128xf32, #tpu.memory_space<vmem_shared>> -> memref<10240x128xf32, #tpu.memory_space<vmem_shared>>
      tpu.wait_indirect_dma semaphore(%arg31 : memref<!tpu.dma_semaphore, #tpu.memory_space<semaphore_mem>>) src(%arg18 : memref<80x128xf32, #tpu.memory_space<vmem>>) dst(%dma_wait3A_126 : memref<10240x128xf32, #tpu.memory_space<vmem_shared>>)
    }
    %scan3A_9 = arith.constant 31 : i32
    %add3A_10 = arith.constant 9920 : i32
    %add3A_11 = arith.addi %mul3A_4, %add3A_10 : i32
    %add3A_12 = arith.constant 0 : i32
    %add3A_13 = arith.addi %add3A_11, %add3A_12 : i32
    %dma_start3A = tpu.memref_slice %arg3[%add3A_13] : memref<320000xi32, #tpu.memory_space<hbm>> -> memref<80xi32, #tpu.memory_space<hbm>>
    %dma_start3A_14 = tpu.memref_slice %arg3[%add3A_13] : memref<320000xi32, #tpu.memory_space<hbm>> -> memref<80xi32, #tpu.memory_space<hbm>>
    tpu.enqueue_dma source(%dma_start3A_14 : memref<80xi32, #tpu.memory_space<hbm>>) target(%arg7 : memref<80xi32, #tpu.memory_space<vmem>>) target_semaphore(%arg20 : memref<!tpu.dma_semaphore, #tpu.memory_space<semaphore_mem>>)
    %dma_start3A_15 = tpu.memref_slice %arg4[%add3A_13] : memref<320000xi32, #tpu.memory_space<hbm>> -> memref<80xi32, #tpu.memory_space<hbm>>
    %dma_start3A_16 = tpu.memref_slice %arg4[%add3A_13] : memref<320000xi32, #tpu.memory_space<hbm>> -> memref<80xi32, #tpu.memory_space<hbm>>
    tpu.enqueue_dma source(%dma_start3A_16 : memref<80xi32, #tpu.memory_space<hbm>>) target(%arg11 : memref<80xi32, #tpu.memory_space<vmem>>) target_semaphore(%arg20 : memref<!tpu.dma_semaphore, #tpu.memory_space<semaphore_mem>>)
    %dma_wait3A = tpu.memref_slice %arg3[%add3A_13] : memref<320000xi32, #tpu.memory_space<hbm>> -> memref<80xi32, #tpu.memory_space<hbm>>
    %dma_wait3A_17 = tpu.memref_slice %arg3[%add3A_13] : memref<320000xi32, #tpu.memory_space<hbm>> -> memref<80xi32, #tpu.memory_space<hbm>>
    tpu.wait_dma2 semaphore(%arg20 : memref<!tpu.dma_semaphore, #tpu.memory_space<semaphore_mem>>) src(%dma_wait3A_17 : memref<80xi32, #tpu.memory_space<hbm>>) dst(%arg7 : memref<80xi32, #tpu.memory_space<vmem>>)
    %dma_wait3A_18 = tpu.memref_slice %arg4[%add3A_13] : memref<320000xi32, #tpu.memory_space<hbm>> -> memref<80xi32, #tpu.memory_space<hbm>>
    %dma_wait3A_19 = tpu.memref_slice %arg4[%add3A_13] : memref<320000xi32, #tpu.memory_space<hbm>> -> memref<80xi32, #tpu.memory_space<hbm>>
    tpu.wait_dma2 semaphore(%arg20 : memref<!tpu.dma_semaphore, #tpu.memory_space<semaphore_mem>>) src(%dma_wait3A_19 : memref<80xi32, #tpu.memory_space<hbm>>) dst(%arg11 : memref<80xi32, #tpu.memory_space<vmem>>)
    %dma_start3A_20 = arith.constant 0 : i32
    %dma_start3A_21 = arith.constant 0 : i32
    %dma_start3A_22 = tpu.memref_slice %arg2[%dma_start3A_20, %dma_start3A_21] : memref<10240x128xf32, #tpu.memory_space<hbm>> -> memref<10240x128xf32, #tpu.memory_space<hbm>>
    tpu.enqueue_indirect_dma source(%dma_start3A_22 : memref<10240x128xf32, #tpu.memory_space<hbm>>) target(%arg15 : memref<80x128xf32, #tpu.memory_space<vmem>>) offsets(%arg7 : memref<80xi32, #tpu.memory_space<vmem>>) semaphore(%arg24 : memref<!tpu.dma_semaphore, #tpu.memory_space<semaphore_mem>>)
    %dma_wait3A_23 = arith.constant 0 : i32
    %dma_wait3A_24 = arith.constant 0 : i32
    %dma_wait3A_25 = tpu.memref_slice %arg2[%dma_wait3A_23, %dma_wait3A_24] : memref<10240x128xf32, #tpu.memory_space<hbm>> -> memref<10240x128xf32, #tpu.memory_space<hbm>>
    tpu.wait_indirect_dma semaphore(%arg24 : memref<!tpu.dma_semaphore, #tpu.memory_space<semaphore_mem>>) src(%dma_wait3A_25 : memref<10240x128xf32, #tpu.memory_space<hbm>>) dst(%arg15 : memref<80x128xf32, #tpu.memory_space<vmem>>)
    %dma_start3A_26 = arith.constant 0 : i32
    %dma_start3A_27 = arith.constant 0 : i32
    %dma_start3A_28 = tpu.memref_slice %arg19[%dma_start3A_26, %dma_start3A_27] : memref<10240x128xf32, #tpu.memory_space<vmem_shared>> -> memref<10240x128xf32, #tpu.memory_space<vmem_shared>>
    tpu.enqueue_indirect_dma source(%arg15 : memref<80x128xf32, #tpu.memory_space<vmem>>) target(%dma_start3A_28 : memref<10240x128xf32, #tpu.memory_space<vmem_shared>>) offsets(%arg11 : memref<80xi32, #tpu.memory_space<vmem>>) semaphore(%arg28 : memref<!tpu.dma_semaphore, #tpu.memory_space<semaphore_mem>>) {add = true}
    %dma_wait3A_29 = arith.constant 0 : i32
    %dma_wait3A_30 = arith.constant 0 : i32
    %dma_wait3A_31 = tpu.memref_slice %arg19[%dma_wait3A_29, %dma_wait3A_30] : memref<10240x128xf32, #tpu.memory_space<vmem_shared>> -> memref<10240x128xf32, #tpu.memory_space<vmem_shared>>
    tpu.wait_indirect_dma semaphore(%arg28 : memref<!tpu.dma_semaphore, #tpu.memory_space<semaphore_mem>>) src(%arg15 : memref<80x128xf32, #tpu.memory_space<vmem>>) dst(%dma_wait3A_31 : memref<10240x128xf32, #tpu.memory_space<vmem_shared>>)
    %barrier3A_32 = arith.constant 0 : index
    tpu.barrier barrier_id(%barrier3A_32)
    "tpu.region"() ({
      %run_scoped3A = tpu.sem_alloc : memref<!tpu.dma_semaphore, #tpu.memory_space<semaphore_mem>>
      %dma_start3A_33 = arith.constant 0 : i32
      %dma_start3A_34 = tpu.memref_slice %arg6[%arg0, %mul3A_2, %dma_start3A_33] : memref<2x10240x128xf32, #tpu.memory_space<hbm>> -> memref<1x640x128xf32, #tpu.memory_space<hbm>>
      %dma_start3A_35 = tpu.memref_squeeze %dma_start3A_34 : memref<1x640x128xf32, #tpu.memory_space<hbm>> -> memref<640x128xf32, #tpu.memory_space<hbm>>
      %dma_start3A_36 = arith.constant 0 : i32
      %dma_start3A_37 = tpu.memref_slice %arg19[%mul3A_2, %dma_start3A_36] : memref<10240x128xf32, #tpu.memory_space<vmem_shared>> -> memref<640x128xf32, #tpu.memory_space<vmem_shared>>
      tpu.enqueue_dma source(%dma_start3A_37 : memref<640x128xf32, #tpu.memory_space<vmem_shared>>) target(%dma_start3A_35 : memref<640x128xf32, #tpu.memory_space<hbm>>) target_semaphore(%run_scoped3A : memref<!tpu.dma_semaphore, #tpu.memory_space<semaphore_mem>>)
      %dma_wait3A_38 = arith.constant 0 : i32
      %dma_wait3A_39 = tpu.memref_slice %arg6[%arg0, %mul3A_2, %dma_wait3A_38] : memref<2x10240x128xf32, #tpu.memory_space<hbm>> -> memref<1x640x128xf32, #tpu.memory_space<hbm>>
      %dma_wait3A_40 = tpu.memref_squeeze %dma_wait3A_39 : memref<1x640x128xf32, #tpu.memory_space<hbm>> -> memref<640x128xf32, #tpu.memory_space<hbm>>
      %dma_wait3A_41 = arith.constant 0 : i32
      %dma_wait3A_42 = tpu.memref_slice %arg19[%mul3A_2, %dma_wait3A_41] : memref<10240x128xf32, #tpu.memory_space<vmem_shared>> -> memref<640x128xf32, #tpu.memory_space<vmem_shared>>
      tpu.wait_dma2 semaphore(%run_scoped3A : memref<!tpu.dma_semaphore, #tpu.memory_space<semaphore_mem>>) src(%dma_wait3A_42 : memref<640x128xf32, #tpu.memory_space<vmem_shared>>) dst(%dma_wait3A_40 : memref<640x128xf32, #tpu.memory_space<hbm>>)
      tpu.yield
    }) : () -> ()
    return
  }
}

module attributes {stable_mosaic.version = 14 : i64} {
  func.func @_tc_first_body(%arg0: i32, %arg1: memref<1024x128xf32, #tpu.memory_space<vmem>>, %arg2: memref<128x128xf32, #tpu.memory_space<vmem>>, %arg3: memref<1024x2xf32, #tpu.memory_space<vmem>>, %arg4: memref<1024x128xf32, #tpu.memory_space<vmem>>, %arg5: memref<1024x1xf32, #tpu.memory_space<vmem>>) attributes {dimension_semantics = [#tpu.dimension_semantics<arbitrary>], iteration_bounds = array<i64: 10>, scalar_prefetch = 0 : i64, scratch_operands = 0 : i64, tpu.core_type = #tpu.core_type<tc>, window_params = [{transform_indices = @transform_0, window_bounds = array<i64: 1024, 128>}, {pipeline_mode = #tpu.pipeline_mode<synchronous>, transform_indices = @transform_1, window_bounds = array<i64: 128, 128>}, {transform_indices = @transform_2, window_bounds = array<i64: 1024, 2>}, {transform_indices = @transform_3, window_bounds = array<i64: 1024, 128>}, {transform_indices = @transform_4, window_bounds = array<i64: 1024, 1>}]} {
    %get3A = arith.constant 0 : index
    %get3A_0 = arith.constant 0 : index
    %get3A_1 = vector.load %arg3[%get3A, %get3A_0] : memref<1024x2xf32, #tpu.memory_space<vmem>>, vector<1024x2xf32>
    %slice3A = vector.extract_strided_slice %get3A_1 {offsets = [0, 0], sizes = [1024, 1], strides = [1, 1]} : vector<1024x2xf32> to vector<1024x1xf32>
    %slice3A_2 = vector.extract_strided_slice %get3A_1 {offsets = [0, 1], sizes = [1024, 1], strides = [1, 1]} : vector<1024x2xf32> to vector<1024x1xf32>
    %add3A = arith.addf %slice3A, %slice3A_2 : vector<1024x1xf32>
    %add3A_3 = arith.constant 1.000000e+00 : f32
    %add3A_4 = vector.broadcast %add3A_3 : f32 to vector<1024x1xf32>
    %add3A_5 = arith.addf %add3A, %add3A_4 : vector<1024x1xf32>
    %rsqrt3A = math.rsqrt %add3A_5 : vector<1024x1xf32>
    %get3A_6 = arith.constant 0 : index
    %get3A_7 = arith.constant 0 : index
    %get3A_8 = vector.load %arg1[%get3A_6, %get3A_7] : memref<1024x128xf32, #tpu.memory_space<vmem>>, vector<1024x128xf32>
    %get3A_9 = arith.constant 0 : index
    %get3A_10 = arith.constant 0 : index
    %get3A_11 = vector.load %arg2[%get3A_9, %get3A_10] : memref<128x128xf32, #tpu.memory_space<vmem>>, vector<128x128xf32>
    %dot_general3A = arith.constant dense<0.000000e+00> : vector<1024x128xf32>
    %dot_general3A_12 = tpu.matmul %get3A_8, %get3A_11, %dot_general3A {dimension_numbers = #tpu.dot_dimension_numbers<[1], [0], [0], [1], [0, 0, 1, 1], [], []>, transpose_lhs_hint = false} : vector<1024x128xf32>, vector<128x128xf32>, vector<1024x128xf32> -> vector<1024x128xf32>
    %mul3A = vector.broadcast %rsqrt3A : vector<1024x1xf32> to vector<1024x128xf32>
    %mul3A_13 = arith.mulf %dot_general3A_12, %mul3A : vector<1024x128xf32>
    %swap3A = arith.constant 0 : index
    %swap3A_14 = arith.constant 0 : index
    %swap3A_15 = vector.load %arg4[%swap3A, %swap3A_14] : memref<1024x128xf32, #tpu.memory_space<vmem>>, vector<1024x128xf32>
    tpu.vector_store %arg4[%swap3A, %swap3A_14], %mul3A_13 {strides = array<i32>} : memref<1024x128xf32, #tpu.memory_space<vmem>>, vector<1024x128xf32>,
    %swap3A_16 = arith.constant 0 : index
    %swap3A_17 = arith.constant 0 : index
    %swap3A_18 = vector.load %arg5[%swap3A_16, %swap3A_17] : memref<1024x1xf32, #tpu.memory_space<vmem>>, vector<1024x1xf32>
    tpu.vector_store %arg5[%swap3A_16, %swap3A_17], %rsqrt3A {strides = array<i32>} : memref<1024x1xf32, #tpu.memory_space<vmem>>, vector<1024x1xf32>,
    return
  }
  func.func @transform_0(%arg0: i32) -> (i32, i32) {
    %c0_i32 = arith.constant 0 : i32
    %c0_i32_0 = arith.constant 0 : i32
    return %arg0, %c0_i32 : i32, i32
  }
  func.func @transform_1(%arg0: i32) -> (i32, i32) {
    %c0_i32 = arith.constant 0 : i32
    %c0_i32_0 = arith.constant 0 : i32
    %c0_i32_1 = arith.constant 0 : i32
    return %c0_i32, %c0_i32_0 : i32, i32
  }
  func.func @transform_2(%arg0: i32) -> (i32, i32) {
    %c0_i32 = arith.constant 0 : i32
    %c0_i32_0 = arith.constant 0 : i32
    return %arg0, %c0_i32 : i32, i32
  }
  func.func @transform_3(%arg0: i32) -> (i32, i32) {
    %c0_i32 = arith.constant 0 : i32
    %c0_i32_0 = arith.constant 0 : i32
    return %arg0, %c0_i32 : i32, i32
  }
  func.func @transform_4(%arg0: i32) -> (i32, i32) {
    %c0_i32 = arith.constant 0 : i32
    %c0_i32_0 = arith.constant 0 : i32
    return %arg0, %c0_i32 : i32, i32
  }
}

module attributes {stable_mosaic.version = 14 : i64} {
  func.func @_tc_mid_body(%arg0: i32, %arg1: memref<2x1024x128xf32, #tpu.memory_space<vmem>>, %arg2: memref<1024x128xf32, #tpu.memory_space<vmem>>, %arg3: memref<1024x1xf32, #tpu.memory_space<vmem>>, %arg4: memref<1x128xf32, #tpu.memory_space<vmem>>, %arg5: memref<128x128xf32, #tpu.memory_space<vmem>>, %arg6: memref<1024x128xf32, #tpu.memory_space<vmem>>) attributes {dimension_semantics = [#tpu.dimension_semantics<arbitrary>], iteration_bounds = array<i64: 10>, scalar_prefetch = 0 : i64, scratch_operands = 0 : i64, tpu.core_type = #tpu.core_type<tc>, window_params = [{transform_indices = @transform_0, window_bounds = array<i64: 2, 1024, 128>}, {transform_indices = @transform_1, window_bounds = array<i64: 1024, 128>}, {transform_indices = @transform_2, window_bounds = array<i64: 1024, 1>}, {pipeline_mode = #tpu.pipeline_mode<synchronous>, transform_indices = @transform_3, window_bounds = array<i64: 1, 128>}, {pipeline_mode = #tpu.pipeline_mode<synchronous>, transform_indices = @transform_4, window_bounds = array<i64: 128, 128>}, {transform_indices = @transform_5, window_bounds = array<i64: 1024, 128>}]} {
    %get3A = arith.constant 0 : index
    %get3A_0 = arith.constant 0 : index
    %get3A_1 = vector.load %arg3[%get3A, %get3A_0] : memref<1024x1xf32, #tpu.memory_space<vmem>>, vector<1024x1xf32>
    %get3A_2 = arith.constant 0 : index
    %get3A_3 = arith.constant 0 : index
    %get3A_4 = arith.constant 0 : index
    %get3A_5 = vector.load %arg1[%get3A_2, %get3A_3, %get3A_4] : memref<2x1024x128xf32, #tpu.memory_space<vmem>>, vector<2x1024x128xf32>
    %slice3A = vector.extract_strided_slice %get3A_5 {offsets = [0, 0, 0], sizes = [1, 1024, 128], strides = [1, 1, 1]} : vector<2x1024x128xf32> to vector<1x1024x128xf32>
    %squeeze3A = vector.shape_cast %slice3A : vector<1x1024x128xf32> to vector<1024x128xf32>
    %slice3A_6 = vector.extract_strided_slice %get3A_5 {offsets = [1, 0, 0], sizes = [1, 1024, 128], strides = [1, 1, 1]} : vector<2x1024x128xf32> to vector<1x1024x128xf32>
    %squeeze3A_7 = vector.shape_cast %slice3A_6 : vector<1x1024x128xf32> to vector<1024x128xf32>
    %add3A = arith.addf %squeeze3A, %squeeze3A_7 : vector<1024x128xf32>
    %get3A_8 = arith.constant 0 : index
    %get3A_9 = arith.constant 0 : index
    %get3A_10 = vector.load %arg2[%get3A_8, %get3A_9] : memref<1024x128xf32, #tpu.memory_space<vmem>>, vector<1024x128xf32>
    %add3A_11 = arith.addf %add3A, %get3A_10 : vector<1024x128xf32>
    %mul3A = vector.broadcast %get3A_1 : vector<1024x1xf32> to vector<1024x128xf32>
    %mul3A_12 = arith.mulf %mul3A, %add3A_11 : vector<1024x128xf32>
    %get3A_13 = arith.constant 0 : index
    %get3A_14 = arith.constant 0 : index
    %get3A_15 = vector.load %arg4[%get3A_13, %get3A_14] : memref<1x128xf32, #tpu.memory_space<vmem>>, vector<1x128xf32>
    %add3A_16 = vector.broadcast %get3A_15 : vector<1x128xf32> to vector<1024x128xf32>
    %add3A_17 = arith.addf %mul3A_12, %add3A_16 : vector<1024x128xf32>
    %max3A = arith.constant 0.000000e+00 : f32
    %max3A_18 = vector.broadcast %max3A : f32 to vector<1024x128xf32>
    %max3A_19 = arith.maximumf %add3A_17, %max3A_18 : vector<1024x128xf32>
    %get3A_20 = arith.constant 0 : index
    %get3A_21 = arith.constant 0 : index
    %get3A_22 = vector.load %arg5[%get3A_20, %get3A_21] : memref<128x128xf32, #tpu.memory_space<vmem>>, vector<128x128xf32>
    %dot_general3A = arith.constant dense<0.000000e+00> : vector<1024x128xf32>
    %dot_general3A_23 = tpu.matmul %max3A_19, %get3A_22, %dot_general3A {dimension_numbers = #tpu.dot_dimension_numbers<[1], [0], [0], [1], [0, 0, 1, 1], [], []>, transpose_lhs_hint = false} : vector<1024x128xf32>, vector<128x128xf32>, vector<1024x128xf32> -> vector<1024x128xf32>
    %mul3A_24 = vector.broadcast %get3A_1 : vector<1024x1xf32> to vector<1024x128xf32>
    %mul3A_25 = arith.mulf %dot_general3A_23, %mul3A_24 : vector<1024x128xf32>
    %swap3A = arith.constant 0 : index
    %swap3A_26 = arith.constant 0 : index
    %swap3A_27 = vector.load %arg6[%swap3A, %swap3A_26] : memref<1024x128xf32, #tpu.memory_space<vmem>>, vector<1024x128xf32>
    tpu.vector_store %arg6[%swap3A, %swap3A_26], %mul3A_25 {strides = array<i32>} : memref<1024x128xf32, #tpu.memory_space<vmem>>, vector<1024x128xf32>,
    return
  }
  func.func @transform_0(%arg0: i32) -> (i32, i32, i32) {
    %c0_i32 = arith.constant 0 : i32
    %c0_i32_0 = arith.constant 0 : i32
    %c0_i32_1 = arith.constant 0 : i32
    return %c0_i32, %arg0, %c0_i32_0 : i32, i32, i32
  }
  func.func @transform_1(%arg0: i32) -> (i32, i32) {
    %c0_i32 = arith.constant 0 : i32
    %c0_i32_0 = arith.constant 0 : i32
    return %arg0, %c0_i32 : i32, i32
  }
  func.func @transform_2(%arg0: i32) -> (i32, i32) {
    %c0_i32 = arith.constant 0 : i32
    %c0_i32_0 = arith.constant 0 : i32
    return %arg0, %c0_i32 : i32, i32
  }
  func.func @transform_3(%arg0: i32) -> (i32, i32) {
    %c0_i32 = arith.constant 0 : i32
    %c0_i32_0 = arith.constant 0 : i32
    %c0_i32_1 = arith.constant 0 : i32
    return %c0_i32, %c0_i32_0 : i32, i32
  }
  func.func @transform_4(%arg0: i32) -> (i32, i32) {
    %c0_i32 = arith.constant 0 : i32
    %c0_i32_0 = arith.constant 0 : i32
    %c0_i32_1 = arith.constant 0 : i32
    return %c0_i32, %c0_i32_0 : i32, i32
  }
  func.func @transform_5(%arg0: i32) -> (i32, i32) {
    %c0_i32 = arith.constant 0 : i32
    %c0_i32_0 = arith.constant 0 : i32
    return %arg0, %c0_i32 : i32, i32
  }
}

module attributes {stable_mosaic.version = 14 : i64} {
  func.func @_tc_last_body(%arg0: i32, %arg1: memref<2x1024x128xf32, #tpu.memory_space<vmem>>, %arg2: memref<1024x128xf32, #tpu.memory_space<vmem>>, %arg3: memref<1024x1xf32, #tpu.memory_space<vmem>>, %arg4: memref<1x128xf32, #tpu.memory_space<vmem>>, %arg5: memref<1024x128xf32, #tpu.memory_space<vmem>>) attributes {dimension_semantics = [#tpu.dimension_semantics<arbitrary>], iteration_bounds = array<i64: 10>, scalar_prefetch = 0 : i64, scratch_operands = 0 : i64, tpu.core_type = #tpu.core_type<tc>, window_params = [{transform_indices = @transform_0, window_bounds = array<i64: 2, 1024, 128>}, {transform_indices = @transform_1, window_bounds = array<i64: 1024, 128>}, {transform_indices = @transform_2, window_bounds = array<i64: 1024, 1>}, {pipeline_mode = #tpu.pipeline_mode<synchronous>, transform_indices = @transform_3, window_bounds = array<i64: 1, 128>}, {transform_indices = @transform_4, window_bounds = array<i64: 1024, 128>}]} {
    %get3A = arith.constant 0 : index
    %get3A_0 = arith.constant 0 : index
    %get3A_1 = arith.constant 0 : index
    %get3A_2 = vector.load %arg1[%get3A, %get3A_0, %get3A_1] : memref<2x1024x128xf32, #tpu.memory_space<vmem>>, vector<2x1024x128xf32>
    %get3A_3 = arith.constant 0 : index
    %get3A_4 = arith.constant 0 : index
    %get3A_5 = vector.load %arg3[%get3A_3, %get3A_4] : memref<1024x1xf32, #tpu.memory_space<vmem>>, vector<1024x1xf32>
    %slice3A = vector.extract_strided_slice %get3A_2 {offsets = [0, 0, 0], sizes = [1, 1024, 128], strides = [1, 1, 1]} : vector<2x1024x128xf32> to vector<1x1024x128xf32>
    %squeeze3A = vector.shape_cast %slice3A : vector<1x1024x128xf32> to vector<1024x128xf32>
    %slice3A_6 = vector.extract_strided_slice %get3A_2 {offsets = [1, 0, 0], sizes = [1, 1024, 128], strides = [1, 1, 1]} : vector<2x1024x128xf32> to vector<1x1024x128xf32>
    %squeeze3A_7 = vector.shape_cast %slice3A_6 : vector<1x1024x128xf32> to vector<1024x128xf32>
    %add3A = arith.addf %squeeze3A, %squeeze3A_7 : vector<1024x128xf32>
    %get3A_8 = arith.constant 0 : index
    %get3A_9 = arith.constant 0 : index
    %get3A_10 = vector.load %arg2[%get3A_8, %get3A_9] : memref<1024x128xf32, #tpu.memory_space<vmem>>, vector<1024x128xf32>
    %add3A_11 = arith.addf %add3A, %get3A_10 : vector<1024x128xf32>
    %mul3A = vector.broadcast %get3A_5 : vector<1024x1xf32> to vector<1024x128xf32>
    %mul3A_12 = arith.mulf %mul3A, %add3A_11 : vector<1024x128xf32>
    %get3A_13 = arith.constant 0 : index
    %get3A_14 = arith.constant 0 : index
    %get3A_15 = vector.load %arg4[%get3A_13, %get3A_14] : memref<1x128xf32, #tpu.memory_space<vmem>>, vector<1x128xf32>
    %add3A_16 = vector.broadcast %get3A_15 : vector<1x128xf32> to vector<1024x128xf32>
    %add3A_17 = arith.addf %mul3A_12, %add3A_16 : vector<1024x128xf32>
    %swap3A = arith.constant 0 : index
    %swap3A_18 = arith.constant 0 : index
    %swap3A_19 = vector.load %arg5[%swap3A, %swap3A_18] : memref<1024x128xf32, #tpu.memory_space<vmem>>, vector<1024x128xf32>
    tpu.vector_store %arg5[%swap3A, %swap3A_18], %add3A_17 {strides = array<i32>} : memref<1024x128xf32, #tpu.memory_space<vmem>>, vector<1024x128xf32>,
    return
  }
  func.func @transform_0(%arg0: i32) -> (i32, i32, i32) {
    %c0_i32 = arith.constant 0 : i32
    %c0_i32_0 = arith.constant 0 : i32
    %c0_i32_1 = arith.constant 0 : i32
    return %c0_i32, %arg0, %c0_i32_0 : i32, i32, i32
  }
  func.func @transform_1(%arg0: i32) -> (i32, i32) {
    %c0_i32 = arith.constant 0 : i32
    %c0_i32_0 = arith.constant 0 : i32
    return %arg0, %c0_i32 : i32, i32
  }
  func.func @transform_2(%arg0: i32) -> (i32, i32) {
    %c0_i32 = arith.constant 0 : i32
    %c0_i32_0 = arith.constant 0 : i32
    return %arg0, %c0_i32 : i32, i32
  }
  func.func @transform_3(%arg0: i32) -> (i32, i32) {
    %c0_i32 = arith.constant 0 : i32
    %c0_i32_0 = arith.constant 0 : i32
    %c0_i32_1 = arith.constant 0 : i32
    return %c0_i32, %c0_i32_0 : i32, i32
  }
  func.func @transform_4(%arg0: i32) -> (i32, i32) {
    %c0_i32 = arith.constant 0 : i32
    %c0_i32_0 = arith.constant 0 : i32
    return %arg0, %c0_i32 : i32, i32
  }
}

</mosaic_0001>

<sc_bundles>
// kernel: kernel.10.cloned.1.call-start
scs
__scs_entry_jumppad:
0x0: {  	(pc) =	sbr.rel $0x88, $3  }
0x1: {  	(tag) =	ssettag $0x0;
	lr =	simm.s32 $0x1  }
0x2: {  	[smem:$0x3F99] =	sst lr;
	_ =	strace $0xD0000000  }
0x3: {  	_ = 	snop  }
0x4: {  	_ = 	snop  }
0x5: {  	_ = 	snop  }
0x6: {  	_ = 	snop  }
0x7: {  	_ = 	snop  }
__scs_overlays_trampoline_lowered:
0x8: {  	[smem:$0x3FA8] =	sst s0  }
0x9: {  	[smem:$0x3FA9] =	sst s1  }
0xa: {  	[smem:$0x3FAA] =	sst s2  }
0xb: {  	[smem:$0x3FAB] =	sst s3  }
0xc: {  	[smem:$0x3FAC] =	sst s4  }
0xd: {  	[smem:$0x3FAD] =	sst s5  }
0xe: {  	[smem:$0x3FAE] =	sst s6  }
0xf: {  	[smem:$0x3FAF] =	sst s7  }
0x10: {  	[smem:$0x3FB0] =	sst s8  }
0x11: {  	[smem:$0x3FB1] =	sst s9;
	s0 =	simm.s32 @!p0 $0x0  }
0x12: {  	s1 =	sld [smem:$0x3F97];
	s0 =	simm.s32 @p0 $0x1  }
0x13: {  	[smem:$0x3FB2] =	sst s0;
	s0 =	simm.s32 @!p1 $0x0  }
0x14: {  	s2 =	sld [smem:$0x3F96];
	s0 =	simm.s32 @p1 $0x1  }
0x15: {  	[smem:$0x3FB3] =	sst s0;
	s0 =	simm.s32 @!p2 $0x0  }
0x16: {  	s3 =	sld [smem:$0x3FDB];
	s0 =	simm.s32 @p2 $0x1  }
0x17: {  	s4 =	simm.s32 $0x1BF5;
	[smem:$0x3FB5] =	sst s0  }
0x18: {  	s0 =	sld [smem:$0x3F98];
	_ =	swait.ge [sflag:s4], $0x0  }
0x19: {  	s7 =	sld [smem:$0x3F99]  }
0x1a: {  	s8 =	sadd.s32 $0xFFFFE003, lr  }
0x1b: {  	s9 =	sadd.s32 $0xFFFFFEF7, lr;
	s5 =	simm.s32 $0xFFFFFFFF;
	p2 =	slt.u32 s8, $0xFFFFF086  }
0x1c: {  	p1 =	slt.u32 s9, $0xF7A;
	s5 =	simm.s32 @!p2 $0x0  }
0x1d: {  	s5 =	simm.s32 @p1 $0x1;
	p0 =	seq.s32 s7, s2  }
0x1e: {  	s7 =	smul.u32 @!p0 $0xF7A, s2;
	p2 =	seq.s32 @!p0 s5, $0x0  }
0x1f: {  	s9 =	smul.u32 $0xF7A, s1;
	s8 =	simm.s32 @!p0 $0x1BF5;
	p2 =	por !p2, p0  }
0x20: {  	[sflag:s8] =	ssyncset.s32 @!p0 $0xFFFFF086;
	s6 =	sadd.s32 @!p0 s3, s7;
	s7 =	simm.s32 @!p0 $0x108  }
0x21: {  	s3 =	sadd.s32 s3, s9;
	s6 =	sadd.s32 @!p0 $0x88, s6;
	s7 =	simm.s32 @p2 $0x1082  }
0x22: {  	[simem:s7], [sflag:s8] =	dma.local @!p0 [hbm:s6], $0xF7A  }
0x23: {  	s9 =	sor.u32 $0xD0000000, s2;
	s6 =	simm.s32 $0x108;
	_ =	swait.ge @!p0 [sflag:s8], $0x0  }
0x24: {  	s3 =	sadd.s32 $0x88, s3;
	s6 =	simm.s32 @!p1 $0x1082;
	[sflag:s4] =	ssyncset.s32 $0xFFFFF086  }
0x25: {  	[simem:s6], [sflag:s4] =	dma.local [hbm:s3], $0xF7A  }
0x26: {  	[smem:$0x3F99] =	sst s1;
	(tag) =	ssettag s2;
	_ =	strace s9  }
0x27: {  	s1 =	sld [smem:$0x3FA9]  }
0x28: {  	s2 =	sld [smem:$0x3FAA]  }
0x29: {  	s4 =	sld [smem:$0x3FAC]  }
0x2a: {  	p0 =	seq.s32 s5, $0x0;
	s5 =	sld [smem:$0x3FAD]  }
0x2b: {  	s6 =	sld [smem:$0x3FAE]  }
0x2c: {  	s7 =	sld [smem:$0x3FAF]  }
0x2d: {  	s3 =	simm.s32 $0x108;
	s8 =	sld [smem:$0x3FB0]  }
0x2e: {  	s3 =	simm.s32 @!p0 $0x1082;
	s9 =	sld [smem:$0x3FB1]  }
0x2f: {  	lr =	sadd.s32 s0, s3;
	s0 =	sld [smem:$0x3FA8]  }
0x30: {  	s3 =	sld [smem:$0x3FAB]  }
0x31: {  	[smem:$0x3FB4] =	sst s10  }
0x32: {  	s10 =	sld [smem:$0x3FB2];
	_ =	sdelay $0x3  }
0x33: {  	p0 =	seq.s32 s10, $0x1;
	s10 =	sld [smem:$0x3FB4];
	_ =	sdelay $0x3  }
0x34: {  	[smem:$0x3FB4] =	sst s10  }
0x35: {  	s10 =	sld [smem:$0x3FB3];
	_ =	sdelay $0x3  }
0x36: {  	p1 =	seq.s32 s10, $0x1;
	s10 =	sld [smem:$0x3FB4];
	_ =	sdelay $0x3  }
0x37: {  	[smem:$0x3FB4] =	sst s10  }
0x38: {  	s10 =	sld [smem:$0x3FB5]  }
0x39: {  	_ = 	snop;
	(pc) =	sbr.ind lr, $3  }
0x3a: {  	_ = 	snop  }
0x3b: {  	_ = 	snop  }
0x3c: {  	p2 =	seq.s32 s10, $0x1;
	s10 =	sld [smem:$0x3FB4]  }
0x3d: {  	_ =	shalt  }
0x3e: {  	_ =	shalt  }
0x3f: {  	_ =	shalt  }
0x40: {  	_ =	shalt  }
0x41: {  	_ =	shalt  }
0x42: {  	_ =	shalt  }
0x43: {  	_ =	shalt  }
0x44: {  	_ =	shalt  }
0x45: {  	_ =	shalt  }
0x46: {  	_ =	shalt  }
0x47: {  	_ =	shalt  }
0x48: {  	_ =	shalt  }
0x49: {  	_ =	shalt  }
0x4a: {  	_ =	shalt  }
0x4b: {  	_ =	shalt  }
0x4c: {  	_ =	shalt  }
0x4d: {  	_ =	shalt  }
0x4e: {  	_ =	shalt  }
0x4f: {  	_ =	shalt  }
0x50: {  	_ =	shalt  }
0x51: {  	_ =	shalt  }
0x52: {  	_ =	shalt  }
0x53: {  	_ =	shalt  }
0x54: {  	_ =	shalt  }
0x55: {  	_ =	shalt  }
0x56: {  	_ =	shalt  }
0x57: {  	_ =	shalt  }
0x58: {  	_ =	shalt  }
0x59: {  	_ =	shalt  }
0x5a: {  	_ =	shalt  }
0x5b: {  	_ =	shalt  }
0x5c: {  	_ =	shalt  }
0x5d: {  	_ =	shalt  }
0x5e: {  	_ =	shalt  }
0x5f: {  	_ =	shalt  }
0x60: {  	_ =	shalt  }
0x61: {  	_ =	shalt  }
0x62: {  	_ =	shalt  }
0x63: {  	_ =	shalt  }
0x64: {  	_ =	shalt  }
0x65: {  	_ =	shalt  }
0x66: {  	_ =	shalt  }
0x67: {  	_ =	shalt  }
0x68: {  	_ =	shalt  }
0x69: {  	_ =	shalt  }
0x6a: {  	_ =	shalt  }
0x6b: {  	_ =	shalt  }
0x6c: {  	_ =	shalt  }
0x6d: {  	_ =	shalt  }
0x6e: {  	_ =	shalt  }
0x6f: {  	_ =	shalt  }
0x70: {  	_ =	shalt  }
0x71: {  	_ =	shalt  }
0x72: {  	_ =	shalt  }
0x73: {  	_ =	shalt  }
0x74: {  	_ =	shalt  }
0x75: {  	_ =	shalt  }
0x76: {  	_ =	shalt  }
0x77: {  	_ =	shalt  }
0x78: {  	_ =	shalt  }
0x79: {  	_ =	shalt  }
0x7a: {  	_ =	shalt  }
0x7b: {  	_ =	shalt  }
0x7c: {  	_ =	shalt  }
0x7d: {  	_ =	shalt  }
0x7e: {  	_ =	shalt  }
0x7f: {  	_ =	shalt  }
0x80: {  	_ =	shalt  }
0x81: {  	_ =	shalt  }
0x82: {  	_ =	shalt  }
0x83: {  	_ =	shalt  }
0x84: {  	_ =	shalt  }
0x85: {  	_ =	shalt  }
0x86: {  	_ =	shalt  }
0x87: {  	_ =	shalt  }
.Lfunc_end0:
.L_simem_size_0:
called_computation_lowered:
.L_overlay_start_0:
0x88: {  	s2 =	sld [smem:$0x3FD9]  }
0x89: {  	s3 =	sld [smem:$0x3FFE];
	_ =	sdelay $0x1  }
0x8a: {  	s1 =	srdreg.scid  }
0x8b: {  	s0 =	sand.u32 $0x1, s1  }
0x8c: {  	s17 =	sshll.u32 s0, $0xA;
	s2 =	sadd.s32 s3, s2  }
0x8d: {  	s2 =	sadd.s32 s2, s17  }
0x8e: {  	[smem:$0x3FC0] =	sst s2  }
0x8f: {  	_ = 	snop  }
0x90: {  	s2 =	sld [smem:$0x3FD0];
	(tm) =	ssettm $0x1  }
0x91: {  	s18 =	sld [smem:$0x3FFB];
	_ =	sdelay $0x3  }
0x92: {  	_ =	strace s18  }
0x93: {  	s3 =	sld [smem:$0x3FFC];
	_ =	sdelay $0x3  }
0x94: {  	_ =	strace s3  }
0x95: {  	s3 =	sld [smem:$0x3FFD];
	_ =	sdelay $0x3  }
0x96: {  	_ =	strace s3  }
0x97: {  	_ =	strace $0x8FFFFFFF  }
0x98: {  	s19 =	sld [smem:$0x3FDB];
	_ =	sdelay $0x1  }
0x99: {  	s4 =	simm.s32 $_scs_section_size  }
0x9a: {  	s5 =	simm.s32 $_size__tile_overlayer_lowered;
	s6 =	simm.s32 $_tile_overlayer_lowered  }
0x9b: {  	s22 =	simm.s32 $0x1BFF;
	s21 =	sshll.u32 s6, $0x1;
	s3 =	sadd.s32 s4, s19  }
0x9c: {  	s7 =	simm.s32 $0x0;
	s20 =	sshll.u32 s5, $0x1;
	s5 =	sadd.s32 s21, s3  }
0x9d: {  	[timem:s7], [sflag:s22] =	dma.local [hbm:s5], s20  }
0x9e: {  	_ =	swait.ge [sflag:s22], s20  }
0x9f: {  	s4 =	ssub.s32 $0x0, s20;
	[sflag:s22] =	ssyncset.done $0x0  }
0xa0: {  	[sflag:s22] =	ssyncadd.s32 s4;
	_ =	sdelay $0x1  }
0xa1: {  	s23 =	simm.s32 $0x1B8B  }
0xa2: {  	_ =	swait.ge [sflag:s23], $0x1  }
0xa3: {  	[sflag:s23] =	ssyncset.done $0x0  }
0xa4: {  	s25 =	simm.s32 $0x1B8E;
	s24 =	sld [smem:$0x3FFE];
	[sflag:s23] =	ssyncadd.s32 $0xFFFFFFFF  }
0xa5: {  	s26 =	simm.s32 $execute0_lowered;
	[smem:$0x3FD2] =	sst s25  }
0xa6: {  	s5 =	sshll.u32 s26, $0x1;
	_ =	strace $0x80000046;
	[dreg:$0x1] =	wrdreg $0xFFFFFFFF  }
0xa7: {  	s28 =	simm.s32 $_size_execute0_lowered;
	s3 =	sadd.s32 s3, s5;
	[dreg:$0x0] =	wrdreg $0x0  }
0xa8: {  	s5 =	sshll.u32 s28, $0x1;
	[dreg:$0x2] =	wrdreg s3  }
0xa9: {  	[dreg:$0x3] =	wrdreg s5  }
0xaa: {  	[dreg:$0x4] =	wrdreg $0xC0  }
0xab: {  	_ =	task [dreg:s7], $0x5FFFF  }
0xac: {  	[dreg:$0x1] =	wrdreg $0xFFFFFFFF  }
0xad: {  	[dreg:$0x0] =	wrdreg $0x60  }
0xae: {  	[dreg:$0x2] =	wrdreg s2  }
0xaf: {  	[dreg:$0x3] =	wrdreg s24  }
0xb0: {  	[dreg:$0x4] =	wrdreg $0x28800  }
0xb1: {  	[dreg:$0x5] =	wrdreg $0x9  }
0xb2: {  	_ =	task.clear_ibuf [dreg:s7], $0x6FFFF;
	_ =	strace $0x90000046  }
0xb3: {  	s29 =	simm.s32 $0x9;
	_ =	strace $0x80000048  }
0xb4: {  	_ =	swait.ge [sflag:s29], $0x1  }
0xb5: {  	[sflag:s29] =	ssyncadd.s32 $0xFFFFFFFF  }
0xb6: {  	_ =	strace $0x90000048  }
0xb7: {  	_ =	sfence  }
0xb8: {  	s30 =	sld [smem:$0x0];
	_ =	sdelay $0x2  }
0xb9: {  	s31 =	sshll.u32 s1, $0xD;
	s1 =	sshrl.u32 s1, $0x2  }
0xba: {  	s3 =	sand.u32 $0x4000, s31;
	s1 =	sadd.s32 s1, s30  }
0xbb: {  	s0 =	sor.u32 s3, s0;
	s1 =	sshll.u32 s1, $0x11  }
0xbc: {  	s0 =	sor.u32 s1, s0  }
0xbd: {  	s0 =	sadd.s32 $0x8F2B, s0  }
0xbe: {  	[sflag:s0] =	ssyncadd.remote.s32 $0x1  }
0xbf: {  	_ =	sfence.sel $0xFFFF  }
0xc0: {  	[dreg:$0x0] =	wrdreg $0xFFFFFFFF;
	(pc) =	sbr.abs _section_cstart, $3  }
0xc1: {  	[dreg:$0x1] =	wrdreg $0xFFFFFFFF  }
0xc2: {  	_ =	task.clear_ibuf [dreg:s7], $0x2FFFF;
	_ =	strace $0x9FFFFFFF  }
0xc3: {  	(tm) =	ssettm $0x7FFFFFFF  }
tec
execute0_lowered:
.L_overlay_start_1:
0x0: {  	(tag) =	ssettag $0x1  }
0x1: {  	s6 =	rddreg [dreg:$0x0]  }
0x2: {  	s4 =	rddreg [dreg:$0x1]  }
0x3: {  	s2 =	rddreg [dreg:$0x2]  }
0x4: {  	s1 =	stileid.u32;
	s0 =	rddreg [dreg:$0x3];
	s3 =	simm.s32 $0x0  }
0x5: {  	s7 =	srdreg.scid;
	s13 =	simm.s32 $0x100;
	s14 =	simm.s32 $0x180  }
0x6: {  	s15 =	simm.s32 $0x200;
	s16 =	simm.s32 $0x280;
	s17 =	simm.s32 $0x300  }
0x7: {  	s18 =	simm.s32 $0x380;
	s19 =	simm.s32 $0x1;
	s20 =	simm.s32 $0x20  }
0x8: {  	s21 =	simm.s32 $0x10;
	s22 =	simm.s32 $0x0;
	s5 =	smul.u32 $0x280, s1  }
0x9: {  	[smem:$0x7FF] =	sst s3;
	s7 =	sand.u32 $0x1, s7;
	s9 =	smul.u32 $0x500, s1  }
0xa: {  	s11 =	sshll.u32 s1, $0x1;
	s31 =	sshll.u32 s1, $0x6;
	_ =	strace $0x80000047  }
0xb: {  	s10 =	sshll.u32 s7, $0x7;
	s29 =	ssub.s32 $0x2, s7;
	s7 =	sor.u32 s7, s11  }
0xc: {  	s11 =	simm.s32 $0x80;
	s8 =	sshrl.u32 s5, $0x3;
	s9 =	sor.u32 s10, s9  }
0xd: {  	s12 =	sshrl.u32 s29, $0x1;
	s7 =	smul.u32 $0x500, s7;
	s30 =	sadd.s32 s5, s2  }
0xe: {  	s5 =	sor.u32 $0x1C02, s31;
	s8 =	sadd.s32 s8, s4;
	s9 =	sshrl.u32 s9, $0x3  }
0xf: {  	s10 =	ssub.s32 s29, s12;
	s12 =	simm.s32 $0x2800;
	s9 =	sadd.s32 s9, s4  }
0x10: {  	s4 =	sadd.s32 $0x16800, s8;
	s6 =	sadd.s32 s6, s7;
	s8 =	smax.u32 s10, $0x1  }
0x11: {  	v0 =	vimm.f32 $1.000000000e+00;
	s10 =	simm.s32 $0x2;
	s7 =	sadd.s32 $0x16E00, s9;
	s9 =	sshrl.u32 s30, $0x3  }
.LBB2_1:
0x12: {  	[spmem:s9], [sflag:s5] =	dma.local [hbm:s4], $0x50  }
0x13: {  	_ =	swait.ge [sflag:s10], $0x50  }
0x14: {  	[sflag:s10] =	ssyncset.done $0x0  }
0x15: {  	[sflag:s10] =	ssyncadd.s32 $0xFFFFFFB0  }
0x16: {  	[tilespmem:s3], [sflag:$0x2] =	stream.linear.gather [hbm4b:s6+s3], $0x2800, $0x38;
	[tilespmem:$0x2B00] =	vst v63  }
0x17: {  	_ =	swait.ge [sflag:s10], $0x2800  }
0x18: {  	[sflag:s10] =	ssyncset.done $0x0  }
0x19: {  	[sflag:s10] =	ssyncadd.s32 $0xFFFFD800  }
0x1a: {  	[tilespmem:$0x2800] =	vst v0  }
0x1b: {  	[tilespmem:$0x2810] =	vst v0  }
0x1c: {  	[tilespmem:$0x2820] =	vst v0  }
0x1d: {  	[tilespmem:$0x2830] =	vst v0  }
0x1e: {  	[tilespmem:$0x2840] =	vst v0  }
0x1f: {  	[tilespmem:$0x2850] =	vst v0  }
0x20: {  	[tilespmem:$0x2860] =	vst v0  }
0x21: {  	[tilespmem:$0x2870] =	vst v0  }
0x22: {  	[bflag:$0x0] =	sbarrier.arrive $0xFFFF  }
0x23: {  	[spmem:s2] =	stream.indirect.scatter.add.f32 [tilespmem:s12], [sflag:$0x1], $0x1, s3, s11, $0xb8;
	[tilespmem:$0x2B00] =	vst v63  }
0x24: {  	_ = 	snop  }
0x25: {  	[spmem:s2] =	stream.indirect.scatter.add.f32 [tilespmem:s12], [sflag:$0x1], $0x1, s11, s11, $0xb8;
	[tilespmem:$0x2B00] =	vst v63  }
0x26: {  	_ = 	snop  }
0x27: {  	[spmem:s2] =	stream.indirect.scatter.add.f32 [tilespmem:s12], [sflag:$0x1], $0x1, s13, s11, $0xb8;
	[tilespmem:$0x2B00] =	vst v63  }
0x28: {  	_ = 	snop  }
0x29: {  	[spmem:s2] =	stream.indirect.scatter.add.f32 [tilespmem:s12], [sflag:$0x1], $0x1, s14, s11, $0xb8;
	[tilespmem:$0x2B00] =	vst v63  }
0x2a: {  	_ = 	snop  }
0x2b: {  	[spmem:s2] =	stream.indirect.scatter.add.f32 [tilespmem:s12], [sflag:$0x1], $0x1, s15, s11, $0xb8;
	[tilespmem:$0x2B00] =	vst v63  }
0x2c: {  	_ = 	snop  }
0x2d: {  	[spmem:s2] =	stream.indirect.scatter.add.f32 [tilespmem:s12], [sflag:$0x1], $0x1, s16, s11, $0xb8;
	[tilespmem:$0x2B00] =	vst v63  }
0x2e: {  	_ = 	snop  }
0x2f: {  	[spmem:s2] =	stream.indirect.scatter.add.f32 [tilespmem:s12], [sflag:$0x1], $0x1, s17, s11, $0xb8;
	[tilespmem:$0x2B00] =	vst v63  }
0x30: {  	_ = 	snop  }
0x31: {  	[spmem:s2] =	stream.indirect.scatter.add.f32 [tilespmem:s12], [sflag:$0x1], $0x1, s18, s11, $0xb8;
	[tilespmem:$0x2B00] =	vst v63  }
0x32: {  	s23 =	simm.s32 $0x400  }
0x33: {  	[spmem:s2] =	stream.indirect.scatter.add.f32 [tilespmem:s12], [sflag:$0x1], $0x1, s23, s11, $0xb8;
	[tilespmem:$0x2B00] =	vst v63  }
0x34: {  	_ =	swait.ge [sflag:s19], $0x80  }
0x35: {  	s23 =	simm.s32 $0x1200;
	[sflag:s19] =	ssyncset.done $0x0  }
.LBB2_2:
0x36: {  	s24 =	sshra.s32 s23, $0x2;
	[sflag:s19] =	ssyncadd.s32 $0xFFFFFF80;
	p0 =	sne.s32 s23, $0x9E00  }
0x37: {  	[spmem:s2] =	stream.indirect.scatter.add.f32 [tilespmem:s12], [sflag:$0x1], $0x1, s24, s11, $0xb8;
	[tilespmem:$0x2B00] =	vst v63  }
.Ltmp0:
0x38: {  	_ = 	snop;
	(pc) =	sbr.rel @p0 .LBB2_2-.Ltmp0, $4  }
0x39: {  	_ = 	snop  }
0x3a: {  	s23 =	sadd.s32 $0x200, s23  }
0x3b: {  	_ =	swait.ge [sflag:s19], $0x80  }
0x3c: {  	[sflag:s19] =	ssyncset.done $0x0  }
0x3d: {  	[sflag:s19] =	ssyncadd.s32 $0xFFFFFF80  }
0x3e: {  	_ =	swait.ge [sflag:s19], $0x80  }
0x3f: {  	[sflag:s19] =	ssyncset.done $0x0  }
0x40: {  	[sflag:s19] =	ssyncadd.s32 $0xFFFFFF80  }
0x41: {  	_ =	swait.ge [sflag:s19], $0x80  }
0x42: {  	[sflag:s19] =	ssyncset.done $0x0  }
0x43: {  	[sflag:s19] =	ssyncadd.s32 $0xFFFFFF80  }
0x44: {  	_ =	swait.ge [sflag:s19], $0x80  }
0x45: {  	[sflag:s19] =	ssyncset.done $0x0  }
0x46: {  	[sflag:s19] =	ssyncadd.s32 $0xFFFFFF80  }
0x47: {  	_ =	swait.ge [sflag:s19], $0x80  }
0x48: {  	[sflag:s19] =	ssyncset.done $0x0  }
0x49: {  	[sflag:s19] =	ssyncadd.s32 $0xFFFFFF80  }
0x4a: {  	_ =	swait.ge [sflag:s19], $0x80  }
0x4b: {  	[sflag:s19] =	ssyncset.done $0x0  }
0x4c: {  	[sflag:s19] =	ssyncadd.s32 $0xFFFFFF80  }
0x4d: {  	_ =	swait.ge [sflag:s19], $0x80  }
0x4e: {  	[sflag:s19] =	ssyncset.done $0x0  }
0x4f: {  	[sflag:s19] =	ssyncadd.s32 $0xFFFFFF80  }
0x50: {  	_ =	swait.ge [sflag:s19], $0x80  }
0x51: {  	[sflag:s19] =	ssyncset.done $0x0  }
0x52: {  	[sflag:s19] =	ssyncadd.s32 $0xFFFFFF80  }
0x53: {  	_ =	swait.ge [sflag:s19], $0x80  }
0x54: {  	s22 =	sadd.s32 $0x1, s22;
	[sflag:s19] =	ssyncset.done $0x0  }
0x55: {  	p0 =	sne.s32 s22, s8;
	[sflag:s19] =	ssyncadd.s32 $0xFFFFFF80  }
.Ltmp1:
0x56: {  	[bflag:$0x0] =	sbarrier.arrive $0xFFFF;
	(pc) =	sbr.rel @p0 .LBB2_1-.Ltmp1, $4  }
0x57: {  	[hbm:s7@s20], [sflag:s5] =	dma.strided [spmem:s9@s21], $0x50, s19, $0x10   }
0x58: {  	_ =	swait.ge [sflag:s10], $0x50  }
0x59: {  	[sflag:s10] =	ssyncset.done $0x0  }
0x5a: {  	[sflag:s10] =	ssyncadd.s32 $0xFFFFFFB0  }
0x5b: {  	_ =	sfence.sel $0x180000  }
0x5c: {  	[bflag:$0x0] =	sbarrier.arrive $0xFFFF  }
0x5d: {  	p0 =	sne.s32 s1, $0x0;
	_ =	strace $0x90000047  }
0x5e: {  	s0 =	sadd.s32 @!p0 $0x100000, s0;
	[bflag:$0x2] =	sbarrier.arrive $0xFFFF  }
0x5f: {  	[sflag:s0] =	ssyncadd.tile.s32 @!p0 $0x1;
	_ =	shalt  }
.Lfunc_end2:
_tile_overlayer_lowered:
.L_overlay_start_2:
0x60: {  	(tag) =	ssettag $0x2  }
0x61: {  	s0 =	rddreg [dreg:$0x0];
	s2 =	stileid.u32  }
0x62: {  	s1 =	rddreg [dreg:$0x1];
	p0 =	sne.s32 s2, $0x0  }
0x63: {  	s3 =	rddreg [dreg:$0x2];
	[bflag:$0x3] =	sbarrier.arrive $0xFFFF;
	s2 =	simm.s32 @!p0 $0x1C02  }
0x64: {  	[timem:s3], [sflag:s2] =	dma.local @!p0 [hbm:s0], s1  }
0x65: {  	s0 =	simm.s32 @!p0 $0x2  }
0x66: {  	_ =	swait.ge @!p0 [sflag:s0], s1  }
0x67: {  	s1 =	ssub.s32 @!p0 $0x0, s1;
	[sflag:s0] =	ssyncset.done @!p0 $0x0  }
0x68: {  	[sflag:s0] =	ssyncadd.s32 @!p0 s1  }
0x69: {  	[bflag:$0x3] =	sbarrier.arrive $0xFFFF  }
0x6a: {  	_ =	shalt  }

// kernel: kernel.13.cloned.1.call-start
scs
__scs_entry_jumppad:
0x0: {  	(pc) =	sbr.rel $0x88, $3  }
0x1: {  	(tag) =	ssettag $0x0;
	lr =	simm.s32 $0x1  }
0x2: {  	[smem:$0x3F99] =	sst lr;
	_ =	strace $0xD0000000  }
0x3: {  	_ = 	snop  }
0x4: {  	_ = 	snop  }
0x5: {  	_ = 	snop  }
0x6: {  	_ = 	snop  }
0x7: {  	_ = 	snop  }
__scs_overlays_trampoline_lowered:
0x8: {  	[smem:$0x3FA8] =	sst s0  }
0x9: {  	[smem:$0x3FA9] =	sst s1  }
0xa: {  	[smem:$0x3FAA] =	sst s2  }
0xb: {  	[smem:$0x3FAB] =	sst s3  }
0xc: {  	[smem:$0x3FAC] =	sst s4  }
0xd: {  	[smem:$0x3FAD] =	sst s5  }
0xe: {  	[smem:$0x3FAE] =	sst s6  }
0xf: {  	[smem:$0x3FAF] =	sst s7  }
0x10: {  	[smem:$0x3FB0] =	sst s8  }
0x11: {  	[smem:$0x3FB1] =	sst s9;
	s0 =	simm.s32 @!p0 $0x0  }
0x12: {  	s1 =	sld [smem:$0x3F97];
	s0 =	simm.s32 @p0 $0x1  }
0x13: {  	[smem:$0x3FB2] =	sst s0;
	s0 =	simm.s32 @!p1 $0x0  }
0x14: {  	s2 =	sld [smem:$0x3F96];
	s0 =	simm.s32 @p1 $0x1  }
0x15: {  	[smem:$0x3FB3] =	sst s0;
	s0 =	simm.s32 @!p2 $0x0  }
0x16: {  	s3 =	sld [smem:$0x3FDB];
	s0 =	simm.s32 @p2 $0x1  }
0x17: {  	s4 =	simm.s32 $0x1BF5;
	[smem:$0x3FB5] =	sst s0  }
0x18: {  	s0 =	sld [smem:$0x3F98];
	_ =	swait.ge [sflag:s4], $0x0  }
0x19: {  	s7 =	sld [smem:$0x3F99]  }
0x1a: {  	s8 =	sadd.s32 $0xFFFFE003, lr  }
0x1b: {  	s9 =	sadd.s32 $0xFFFFFEF7, lr;
	s5 =	simm.s32 $0xFFFFFFFF;
	p2 =	slt.u32 s8, $0xFFFFF086  }
0x1c: {  	p1 =	slt.u32 s9, $0xF7A;
	s5 =	simm.s32 @!p2 $0x0  }
0x1d: {  	s5 =	simm.s32 @p1 $0x1;
	p0 =	seq.s32 s7, s2  }
0x1e: {  	s7 =	smul.u32 @!p0 $0xF7A, s2;
	p2 =	seq.s32 @!p0 s5, $0x0  }
0x1f: {  	s9 =	smul.u32 $0xF7A, s1;
	s8 =	simm.s32 @!p0 $0x1BF5;
	p2 =	por !p2, p0  }
0x20: {  	[sflag:s8] =	ssyncset.s32 @!p0 $0xFFFFF086;
	s6 =	sadd.s32 @!p0 s3, s7;
	s7 =	simm.s32 @!p0 $0x108  }
0x21: {  	s3 =	sadd.s32 s3, s9;
	s6 =	sadd.s32 @!p0 $0x88, s6;
	s7 =	simm.s32 @p2 $0x1082  }
0x22: {  	[simem:s7], [sflag:s8] =	dma.local @!p0 [hbm:s6], $0xF7A  }
0x23: {  	s9 =	sor.u32 $0xD0000000, s2;
	s6 =	simm.s32 $0x108;
	_ =	swait.ge @!p0 [sflag:s8], $0x0  }
0x24: {  	s3 =	sadd.s32 $0x88, s3;
	s6 =	simm.s32 @!p1 $0x1082;
	[sflag:s4] =	ssyncset.s32 $0xFFFFF086  }
0x25: {  	[simem:s6], [sflag:s4] =	dma.local [hbm:s3], $0xF7A  }
0x26: {  	[smem:$0x3F99] =	sst s1;
	(tag) =	ssettag s2;
	_ =	strace s9  }
0x27: {  	s1 =	sld [smem:$0x3FA9]  }
0x28: {  	s2 =	sld [smem:$0x3FAA]  }
0x29: {  	s4 =	sld [smem:$0x3FAC]  }
0x2a: {  	p0 =	seq.s32 s5, $0x0;
	s5 =	sld [smem:$0x3FAD]  }
0x2b: {  	s6 =	sld [smem:$0x3FAE]  }
0x2c: {  	s7 =	sld [smem:$0x3FAF]  }
0x2d: {  	s3 =	simm.s32 $0x108;
	s8 =	sld [smem:$0x3FB0]  }
0x2e: {  	s3 =	simm.s32 @!p0 $0x1082;
	s9 =	sld [smem:$0x3FB1]  }
0x2f: {  	lr =	sadd.s32 s0, s3;
	s0 =	sld [smem:$0x3FA8]  }
0x30: {  	s3 =	sld [smem:$0x3FAB]  }
0x31: {  	[smem:$0x3FB4] =	sst s10  }
0x32: {  	s10 =	sld [smem:$0x3FB2];
	_ =	sdelay $0x3  }
0x33: {  	p0 =	seq.s32 s10, $0x1;
	s10 =	sld [smem:$0x3FB4];
	_ =	sdelay $0x3  }
0x34: {  	[smem:$0x3FB4] =	sst s10  }
0x35: {  	s10 =	sld [smem:$0x3FB3];
	_ =	sdelay $0x3  }
0x36: {  	p1 =	seq.s32 s10, $0x1;
	s10 =	sld [smem:$0x3FB4];
	_ =	sdelay $0x3  }
0x37: {  	[smem:$0x3FB4] =	sst s10  }
0x38: {  	s10 =	sld [smem:$0x3FB5]  }
0x39: {  	_ = 	snop;
	(pc) =	sbr.ind lr, $3  }
0x3a: {  	_ = 	snop  }
0x3b: {  	_ = 	snop  }
0x3c: {  	p2 =	seq.s32 s10, $0x1;
	s10 =	sld [smem:$0x3FB4]  }
0x3d: {  	_ =	shalt  }
0x3e: {  	_ =	shalt  }
0x3f: {  	_ =	shalt  }
0x40: {  	_ =	shalt  }
0x41: {  	_ =	shalt  }
0x42: {  	_ =	shalt  }
0x43: {  	_ =	shalt  }
0x44: {  	_ =	shalt  }
0x45: {  	_ =	shalt  }
0x46: {  	_ =	shalt  }
0x47: {  	_ =	shalt  }
0x48: {  	_ =	shalt  }
0x49: {  	_ =	shalt  }
0x4a: {  	_ =	shalt  }
0x4b: {  	_ =	shalt  }
0x4c: {  	_ =	shalt  }
0x4d: {  	_ =	shalt  }
0x4e: {  	_ =	shalt  }
0x4f: {  	_ =	shalt  }
0x50: {  	_ =	shalt  }
0x51: {  	_ =	shalt  }
0x52: {  	_ =	shalt  }
0x53: {  	_ =	shalt  }
0x54: {  	_ =	shalt  }
0x55: {  	_ =	shalt  }
0x56: {  	_ =	shalt  }
0x57: {  	_ =	shalt  }
0x58: {  	_ =	shalt  }
0x59: {  	_ =	shalt  }
0x5a: {  	_ =	shalt  }
0x5b: {  	_ =	shalt  }
0x5c: {  	_ =	shalt  }
0x5d: {  	_ =	shalt  }
0x5e: {  	_ =	shalt  }
0x5f: {  	_ =	shalt  }
0x60: {  	_ =	shalt  }
0x61: {  	_ =	shalt  }
0x62: {  	_ =	shalt  }
0x63: {  	_ =	shalt  }
0x64: {  	_ =	shalt  }
0x65: {  	_ =	shalt  }
0x66: {  	_ =	shalt  }
0x67: {  	_ =	shalt  }
0x68: {  	_ =	shalt  }
0x69: {  	_ =	shalt  }
0x6a: {  	_ =	shalt  }
0x6b: {  	_ =	shalt  }
0x6c: {  	_ =	shalt  }
0x6d: {  	_ =	shalt  }
0x6e: {  	_ =	shalt  }
0x6f: {  	_ =	shalt  }
0x70: {  	_ =	shalt  }
0x71: {  	_ =	shalt  }
0x72: {  	_ =	shalt  }
0x73: {  	_ =	shalt  }
0x74: {  	_ =	shalt  }
0x75: {  	_ =	shalt  }
0x76: {  	_ =	shalt  }
0x77: {  	_ =	shalt  }
0x78: {  	_ =	shalt  }
0x79: {  	_ =	shalt  }
0x7a: {  	_ =	shalt  }
0x7b: {  	_ =	shalt  }
0x7c: {  	_ =	shalt  }
0x7d: {  	_ =	shalt  }
0x7e: {  	_ =	shalt  }
0x7f: {  	_ =	shalt  }
0x80: {  	_ =	shalt  }
0x81: {  	_ =	shalt  }
0x82: {  	_ =	shalt  }
0x83: {  	_ =	shalt  }
0x84: {  	_ =	shalt  }
0x85: {  	_ =	shalt  }
0x86: {  	_ =	shalt  }
0x87: {  	_ =	shalt  }
.Lfunc_end0:
.L_simem_size_0:
called_computation.1_lowered:
.L_overlay_start_0:
0x88: {  	s2 =	sld [smem:$0x3FD9]  }
0x89: {  	s3 =	sld [smem:$0x3FFE];
	_ =	sdelay $0x1  }
0x8a: {  	s1 =	srdreg.scid  }
0x8b: {  	s0 =	sand.u32 $0x1, s1  }
0x8c: {  	s16 =	sshll.u32 s0, $0xA;
	s2 =	sadd.s32 s3, s2  }
0x8d: {  	s2 =	sadd.s32 s2, s16  }
0x8e: {  	[smem:$0x3FC0] =	sst s2  }
0x8f: {  	_ = 	snop  }
0x90: {  	(tm) =	ssettm $0x1  }
0x91: {  	s17 =	sld [smem:$0x3FFB];
	_ =	sdelay $0x3  }
0x92: {  	_ =	strace s17  }
0x93: {  	s2 =	sld [smem:$0x3FFC];
	_ =	sdelay $0x3  }
0x94: {  	_ =	strace s2  }
0x95: {  	s2 =	sld [smem:$0x3FFD];
	_ =	sdelay $0x3  }
0x96: {  	_ =	strace s2  }
0x97: {  	_ =	strace $0x8FFFFFFF  }
0x98: {  	s18 =	sld [smem:$0x3FDB];
	_ =	sdelay $0x1  }
0x99: {  	s19 =	simm.s32 $_scs_section_size  }
0x9a: {  	s4 =	simm.s32 $_size__tile_overlayer_lowered;
	s5 =	simm.s32 $_tile_overlayer_lowered  }
0x9b: {  	s22 =	simm.s32 $0x1BFF;
	s21 =	sshll.u32 s5, $0x1;
	s2 =	sadd.s32 s19, s18  }
0x9c: {  	s6 =	simm.s32 $0x0;
	s20 =	sshll.u32 s4, $0x1;
	s4 =	sadd.s32 s21, s2  }
0x9d: {  	[timem:s6], [sflag:s22] =	dma.local [hbm:s4], s20  }
0x9e: {  	_ =	swait.ge [sflag:s22], s20  }
0x9f: {  	s3 =	ssub.s32 $0x0, s20;
	[sflag:s22] =	ssyncset.done $0x0  }
0xa0: {  	[sflag:s22] =	ssyncadd.s32 s3;
	_ =	sdelay $0x1  }
0xa1: {  	s23 =	simm.s32 $0x1B8B  }
0xa2: {  	_ =	swait.ge [sflag:s23], $0x1  }
0xa3: {  	[sflag:s23] =	ssyncset.done $0x0  }
0xa4: {  	s25 =	simm.s32 $0x1B8E;
	s24 =	sld [smem:$0x3FFE];
	[sflag:s23] =	ssyncadd.s32 $0xFFFFFFFF  }
0xa5: {  	s26 =	simm.s32 $execute0_lowered;
	[smem:$0x3FD2] =	sst s25  }
0xa6: {  	s4 =	sshll.u32 s26, $0x1;
	_ =	strace $0x80000049;
	[dreg:$0x1] =	wrdreg $0xFFFFFFFF  }
0xa7: {  	s28 =	simm.s32 $_size_execute0_lowered;
	s2 =	sadd.s32 s2, s4;
	[dreg:$0x0] =	wrdreg $0x0  }
0xa8: {  	s4 =	sshll.u32 s28, $0x1;
	[dreg:$0x2] =	wrdreg s2  }
0xa9: {  	[dreg:$0x3] =	wrdreg s4  }
0xaa: {  	[dreg:$0x4] =	wrdreg $0xC0  }
0xab: {  	_ =	task [dreg:s6], $0x5FFFF  }
0xac: {  	[dreg:$0x1] =	wrdreg $0xFFFFFFFF  }
0xad: {  	[dreg:$0x0] =	wrdreg $0x60  }
0xae: {  	[dreg:$0x2] =	wrdreg s24  }
0xaf: {  	[dreg:$0x3] =	wrdreg $0xA4000  }
0xb0: {  	[dreg:$0x4] =	wrdreg $0x9  }
0xb1: {  	_ =	task.clear_ibuf [dreg:s6], $0x5FFFF;
	_ =	strace $0x90000049  }
0xb2: {  	s29 =	simm.s32 $0x9;
	_ =	strace $0x8000004B  }
0xb3: {  	_ =	swait.ge [sflag:s29], $0x1  }
0xb4: {  	[sflag:s29] =	ssyncadd.s32 $0xFFFFFFFF  }
0xb5: {  	_ =	strace $0x9000004B  }
0xb6: {  	_ =	sfence  }
0xb7: {  	s30 =	sld [smem:$0x0];
	_ =	sdelay $0x2  }
0xb8: {  	s31 =	sshll.u32 s1, $0xD;
	s1 =	sshrl.u32 s1, $0x2  }
0xb9: {  	s3 =	sand.u32 $0x4000, s31;
	s1 =	sadd.s32 s1, s30  }
0xba: {  	s0 =	sor.u32 s3, s0;
	s1 =	sshll.u32 s1, $0x11  }
0xbb: {  	s0 =	sor.u32 s1, s0  }
0xbc: {  	s0 =	sadd.s32 $0x8F2B, s0  }
0xbd: {  	[sflag:s0] =	ssyncadd.remote.s32 $0x1  }
0xbe: {  	_ =	sfence.sel $0xFFFF  }
0xbf: {  	[dreg:$0x0] =	wrdreg $0xFFFFFFFF;
	(pc) =	sbr.abs _section_cstart, $3  }
0xc0: {  	[dreg:$0x1] =	wrdreg $0xFFFFFFFF  }
0xc1: {  	_ =	task.clear_ibuf [dreg:s6], $0x2FFFF;
	_ =	strace $0x9FFFFFFF  }
0xc2: {  	(tm) =	ssettm $0x7FFFFFFF  }
0xc3: {  	_ =	shalt  }
tec
execute0_lowered:
.L_overlay_start_1:
0x0: {  	(tag) =	ssettag $0x1  }
0x1: {  	s0 =	rddreg [dreg:$0x0]  }
0x2: {  	s2 =	rddreg [dreg:$0x1];
	s3 =	simm.s32 $0x0  }
0x3: {  	s13 =	stileid.u32;
	s5 =	srdreg.scid;
	s28 =	simm.s32 $0x4  }
0x4: {  	s29 =	simm.s32 $0x7C00;
	s30 =	simm.s32 $0x5;
	s31 =	simm.s32 $0x6  }
0x5: {  	[smem:$0x7FF] =	sst s3;
	s1 =	smul.u32 $0x14000, s13;
	s4 =	sadd.s32 $0x16800, s0  }
0x6: {  	s5 =	sand.u32 $0x1, s5;
	s6 =	sadd.s32 $0x2C00, s0;
	s25 =	smul.u32 $0x50000, s13  }
0x7: {  	s9 =	sadd.s32 $0xCA00, s0;
	s10 =	sshll.u32 s13, $0x1;
	s12 =	smul.u32 $0x4E20, s13  }
0x8: {  	_ =	strace $0x8000004A;
	s8 =	smul.u32 $0x140000, s5;
	s10 =	sor.u32 s5, s10  }
0x9: {  	s11 =	ssub.s32 $0x2, s5;
	s5 =	smul.u32 $0x2710, s5;
	s7 =	sshrl.u32 s1, $0x3  }
0xa: {  	s10 =	smul.u32 $0x2710, s10;
	s26 =	sshrl.u32 s11, $0x1;
	s7 =	sadd.s32 s7, s0  }
0xb: {  	s1 =	sadd.s32 s1, s8;
	s8 =	sshrl.u32 s25, $0x2;
	s5 =	sadd.s32 s5, s12  }
0xc: {  	s12 =	simm.s32 $0x0;
	s1 =	sshrl.u32 s1, $0x3;
	s8 =	sadd.s32 s8, s2  }
0xd: {  	s7 =	sadd.s32 $0x3E800, s7;
	s10 =	sshrl.u32 s10, $0x3;
	s14 =	sshrl.u32 s5, $0x3  }
0xe: {  	s16 =	sadd.s32 $0xF0, s5;
	s20 =	sadd.s32 $0xA0, s5;
	s5 =	sadd.s32 $0x50, s5  }
0xf: {  	s0 =	sadd.s32 s1, s0;
	s1 =	ssub.s32 s11, s26;
	[dreg:$0xb] =	wrdreg s8  }
0x10: {  	[dreg:$0xc] =	wrdreg s7;
	s11 =	sshll.u32 s13, $0x6;
	s15 =	sadd.s32 s14, s9  }
0x11: {  	s7 =	sadd.s32 $0x4D8, s10;
	s17 =	sadd.s32 s14, s6;
	[dreg:$0x3] =	wrdreg s15  }
0x12: {  	s18 =	sshrl.u32 s16, $0x3;
	s13 =	sadd.s32 s6, s7;
	[dreg:$0x4] =	wrdreg s17  }
0x13: {  	s22 =	sshrl.u32 s20, $0x3;
	s7 =	sadd.s32 s9, s7;
	[dreg:$0xe] =	wrdreg s13  }
0x14: {  	s5 =	sshrl.u32 s5, $0x3;
	s19 =	sadd.s32 s18, s9;
	[dreg:$0xf] =	wrdreg s7  }
0x15: {  	s10 =	simm.s32 $0xD;
	s21 =	sadd.s32 s18, s6;
	[dreg:$0x5] =	wrdreg s19  }
0x16: {  	s20 =	simm.s32 $0x1;
	s23 =	sadd.s32 s22, s9;
	[dreg:$0x6] =	wrdreg s21  }
0x17: {  	s8 =	simm.s32 $0xB;
	s0 =	sadd.s32 $0x66800, s0;
	[dreg:$0x7] =	wrdreg s23  }
0x18: {  	s11 =	sor.u32 $0x1C0D, s11;
	s24 =	sadd.s32 s22, s6;
	[dreg:$0x10] =	wrdreg s0  }
0x19: {  	s25 =	sadd.s32 s5, s9;
	s1 =	smax.u32 s1, $0x1;
	[dreg:$0x8] =	wrdreg s24  }
0x1a: {  	s26 =	sadd.s32 s5, s6;
	s22 =	simm.s32 $0x400;
	[dreg:$0x11] =	wrdreg s1  }
0x1b: {  	s5 =	simm.s32 $0x9;
	s6 =	simm.s32 $0xA;
	[dreg:$0x9] =	wrdreg s25  }
0x1c: {  	s9 =	simm.s32 $0xC;
	s18 =	simm.s32 $0x100;
	[dreg:$0xa] =	wrdreg s26  }
0x1d: {  	s21 =	simm.s32 $0x50;
	s23 =	simm.s32 $0x2;
	s24 =	simm.s32 $0x2C00  }
0x1e: {  	s25 =	simm.s32 $0x3;
	s26 =	simm.s32 $0x5400;
	s0 =	simm.s32 $0x7  }
0x1f: {  	s1 =	simm.s32 $0x8;
	[dreg:$0xd] =	wrdreg s11;
	s19 =	simm.s32 $0x300  }
.LBB2_1:
0x20: {  	[dreg:$0x12] =	wrdreg s12  }
0x21: {  	s7 =	rddreg [dreg:$0xb]  }
0x22: {  	s17 =	rddreg [dreg:$0xc];
	s16 =	sshrl.u32 s7, $0x3  }
0x23: {  	[dreg:$0x13] =	wrdreg s16  }
0x24: {  	[spmem:s16], [sflag:s11] =	dma.local [hbm:s17], $0x2800  }
0x25: {  	_ =	swait.ge [sflag:s10], $0x2800  }
0x26: {  	[sflag:s10] =	ssyncset.done $0x0  }
0x27: {  	[sflag:s10] =	ssyncadd.s32 $0xFFFFD800  }
0x28: {  	[bflag:$0x0] =	sbarrier.arrive $0xFFFF  }
0x29: {  	s13 =	rddreg [dreg:$0x4]  }
0x2a: {  	s14 =	rddreg [dreg:$0x3];
	s7 =	sadd.s32 $0x0, s13  }
0x2b: {  	[tilespmem:s3], [sflag:$0x1] =	stream.linear.gather [hbm4b:s7+s3], $0x50, $0x38;
	[tilespmem:$0x1E400] =	vst v63  }
0x2c: {  	s10 =	simm.s32 $0x200;
	s15 =	rddreg [dreg:$0xa];
	s16 =	sadd.s32 $0x0, s14  }
0x2d: {  	[tilespmem:s10], [sflag:$0x1] =	stream.linear.gather [hbm4b:s16+s3], $0x50, $0x38;
	[tilespmem:$0x1E400] =	vst v63  }
0x2e: {  	s17 =	rddreg [dreg:$0x9];
	s14 =	sadd.s32 $0x0, s15;
	s13 =	simm.s32 $0x80  }
0x2f: {  	[tilespmem:s13], [sflag:$0x2] =	stream.linear.gather [hbm4b:s14+s3], $0x50, $0x38;
	[tilespmem:$0x1E400] =	vst v63  }
0x30: {  	s15 =	rddreg [dreg:$0x8];
	s16 =	sadd.s32 $0x0, s17;
	s14 =	simm.s32 $0x280  }
0x31: {  	[tilespmem:s14], [sflag:$0x2] =	stream.linear.gather [hbm4b:s16+s3], $0x50, $0x38;
	[tilespmem:$0x1E400] =	vst v63  }
0x32: {  	s17 =	rddreg [dreg:$0x7];
	s16 =	sadd.s32 $0x0, s15;
	s15 =	simm.s32 $0x100  }
0x33: {  	[tilespmem:s15], [sflag:$0x3] =	stream.linear.gather [hbm4b:s16+s3], $0x50, $0x38;
	[tilespmem:$0x1E400] =	vst v63  }
0x34: {  	s12 =	rddreg [dreg:$0x6];
	s17 =	sadd.s32 $0x0, s17;
	s16 =	simm.s32 $0x300  }
0x35: {  	[tilespmem:s16], [sflag:$0x3] =	stream.linear.gather [hbm4b:s17+s3], $0x50, $0x38;
	[tilespmem:$0x1E400] =	vst v63  }
0x36: {  	s11 =	rddreg [dreg:$0x5];
	s17 =	sadd.s32 $0x0, s12;
	s12 =	simm.s32 $0x180  }
0x37: {  	[tilespmem:s12], [sflag:$0x4] =	stream.linear.gather [hbm4b:s17+s3], $0x50, $0x38;
	[tilespmem:$0x1E400] =	vst v63  }
0x38: {  	s11 =	sadd.s32 $0x0, s11;
	s17 =	simm.s32 $0x380  }
0x39: {  	[tilespmem:s17], [sflag:$0x4] =	stream.linear.gather [hbm4b:s11+s3], $0x50, $0x38;
	[tilespmem:$0x1E400] =	vst v63  }
0x3a: {  	_ =	swait.ge [sflag:s20], $0x50  }
0x3b: {  	[sflag:s20] =	ssyncset.done $0x0  }
0x3c: {  	[sflag:s20] =	ssyncadd.s32 $0xFFFFFFB0  }
0x3d: {  	_ =	swait.ge [sflag:s20], $0x50  }
0x3e: {  	[sflag:s20] =	ssyncset.done $0x0  }
0x3f: {  	[sflag:s20] =	ssyncadd.s32 $0xFFFFFFB0  }
0x40: {  	[tilespmem:s22], [sflag:$0x5] =	stream.indirect.gather [hbm4b:s4+s21], $0x80, s3, s21, $0xb8;
	[tilespmem:$0x1E400] =	vst v63  }
0x41: {  	_ =	swait.ge [sflag:s23], $0x50  }
0x42: {  	[sflag:s23] =	ssyncset.done $0x0  }
0x43: {  	[sflag:s23] =	ssyncadd.s32 $0xFFFFFFB0  }
0x44: {  	_ =	swait.ge [sflag:s23], $0x50  }
0x45: {  	[sflag:s23] =	ssyncset.done $0x0  }
0x46: {  	[sflag:s23] =	ssyncadd.s32 $0xFFFFFFB0  }
0x47: {  	[tilespmem:s24], [sflag:$0x6] =	stream.indirect.gather [hbm4b:s4+s21], $0x80, s13, s21, $0xb8;
	[tilespmem:$0x1E400] =	vst v63  }
0x48: {  	_ =	swait.ge [sflag:s25], $0x50  }
0x49: {  	[sflag:s25] =	ssyncset.done $0x0  }
0x4a: {  	[sflag:s25] =	ssyncadd.s32 $0xFFFFFFB0  }
0x4b: {  	_ =	swait.ge [sflag:s25], $0x50  }
0x4c: {  	[sflag:s25] =	ssyncset.done $0x0  }
0x4d: {  	[sflag:s25] =	ssyncadd.s32 $0xFFFFFFB0  }
0x4e: {  	[tilespmem:s26], [sflag:$0x7] =	stream.indirect.gather [hbm4b:s4+s21], $0x80, s15, s21, $0xb8;
	[tilespmem:$0x1E400] =	vst v63  }
0x4f: {  	_ =	swait.ge [sflag:s28], $0x50  }
0x50: {  	[sflag:s28] =	ssyncset.done $0x0  }
0x51: {  	[sflag:s28] =	ssyncadd.s32 $0xFFFFFFB0  }
0x52: {  	_ =	swait.ge [sflag:s28], $0x50  }
0x53: {  	[sflag:s28] =	ssyncset.done $0x0  }
0x54: {  	[sflag:s28] =	ssyncadd.s32 $0xFFFFFFB0  }
0x55: {  	[tilespmem:s29], [sflag:$0x8] =	stream.indirect.gather [hbm4b:s4+s21], $0x80, s12, s21, $0xb8;
	[tilespmem:$0x1E400] =	vst v63  }
0x56: {  	_ =	swait.ge [sflag:s30], $0x2800  }
0x57: {  	[sflag:s30] =	ssyncset.done $0x0  }
0x58: {  	[sflag:s30] =	ssyncadd.s32 $0xFFFFD800  }
0x59: {  	[spmem:s2] =	stream.indirect.scatter.add.f32 [tilespmem:s22], [sflag:$0x9], $0x80, s10, s21, $0xb8;
	[tilespmem:$0x1E400] =	vst v63  }
0x5a: {  	_ =	swait.ge [sflag:s31], $0x2800  }
0x5b: {  	[sflag:s31] =	ssyncset.done $0x0  }
0x5c: {  	[sflag:s31] =	ssyncadd.s32 $0xFFFFD800  }
0x5d: {  	[spmem:s2] =	stream.indirect.scatter.add.f32 [tilespmem:s24], [sflag:$0xA], $0x80, s14, s21, $0xb8;
	[tilespmem:$0x1E400] =	vst v63  }
0x5e: {  	_ =	swait.ge [sflag:s0], $0x2800  }
0x5f: {  	[sflag:s0] =	ssyncset.done $0x0  }
0x60: {  	[sflag:s0] =	ssyncadd.s32 $0xFFFFD800  }
0x61: {  	[spmem:s2] =	stream.indirect.scatter.add.f32 [tilespmem:s26], [sflag:$0xB], $0x80, s16, s21, $0xb8;
	[tilespmem:$0x1E400] =	vst v63  }
0x62: {  	_ =	swait.ge [sflag:s1], $0x2800  }
0x63: {  	[sflag:s1] =	ssyncset.done $0x0  }
0x64: {  	[sflag:s1] =	ssyncadd.s32 $0xFFFFD800  }
0x65: {  	[spmem:s2] =	stream.indirect.scatter.add.f32 [tilespmem:s29], [sflag:$0xC], $0x80, s17, s21, $0xb8;
	[tilespmem:$0x1E400] =	vst v63  }
0x66: {  	_ =	swait.ge [sflag:s5], $0x2800  }
0x67: {  	[sflag:s5] =	ssyncset.done $0x0  }
0x68: {  	[sflag:s5] =	ssyncadd.s32 $0xFFFFD800  }
0x69: {  	_ =	swait.ge [sflag:s6], $0x2800  }
0x6a: {  	[sflag:s6] =	ssyncset.done $0x0  }
0x6b: {  	[sflag:s6] =	ssyncadd.s32 $0xFFFFD800  }
0x6c: {  	_ =	swait.ge [sflag:s8], $0x2800  }
0x6d: {  	[sflag:s8] =	ssyncset.done $0x0  }
0x6e: {  	[sflag:s8] =	ssyncadd.s32 $0xFFFFD800  }
0x6f: {  	s7 =	simm.s32 $0x28;
	_ =	swait.ge [sflag:s9], $0x2800  }
0x70: {  	s12 =	simm.s32 $0x50;
	s11 =	rddreg [dreg:$0x4];
	[sflag:s9] =	ssyncset.done $0x0  }
.LBB2_2:
0x71: {  	[sflag:s9] =	ssyncadd.s32 $0xFFFFD800;
	s13 =	rddreg [dreg:$0x3];
	s11 =	sadd.s32 s7, s11  }
0x72: {  	[tilespmem:s3], [sflag:$0x1] =	stream.linear.gather [hbm4b:s11+s3], $0x50, $0x38;
	[tilespmem:$0x1E400] =	vst v63  }
0x73: {  	s14 =	rddreg [dreg:$0xa];
	s15 =	simm.s32 $0x200;
	s16 =	sadd.s32 s7, s13  }
0x74: {  	[tilespmem:s15], [sflag:$0x1] =	stream.linear.gather [hbm4b:s16+s3], $0x50, $0x38;
	[tilespmem:$0x1E400] =	vst v63  }
0x75: {  	s13 =	rddreg [dreg:$0x9];
	s17 =	sadd.s32 s7, s14;
	s16 =	simm.s32 $0x80  }
0x76: {  	[tilespmem:s16], [sflag:$0x2] =	stream.linear.gather [hbm4b:s17+s3], $0x50, $0x38;
	[tilespmem:$0x1E400] =	vst v63  }
0x77: {  	s14 =	rddreg [dreg:$0x8];
	s11 =	sadd.s32 s7, s13;
	s17 =	simm.s32 $0x280  }
0x78: {  	[tilespmem:s17], [sflag:$0x2] =	stream.linear.gather [hbm4b:s11+s3], $0x50, $0x38;
	[tilespmem:$0x1E400] =	vst v63  }
0x79: {  	s13 =	rddreg [dreg:$0x7];
	s11 =	sadd.s32 s7, s14  }
0x7a: {  	[tilespmem:s18], [sflag:$0x3] =	stream.linear.gather [hbm4b:s11+s3], $0x50, $0x38;
	[tilespmem:$0x1E400] =	vst v63  }
0x7b: {  	s14 =	rddreg [dreg:$0x6];
	s11 =	sadd.s32 s7, s13  }
0x7c: {  	[tilespmem:s19], [sflag:$0x3] =	stream.linear.gather [hbm4b:s11+s3], $0x50, $0x38;
	[tilespmem:$0x1E400] =	vst v63  }
0x7d: {  	s13 =	rddreg [dreg:$0x5];
	s11 =	sadd.s32 s7, s14;
	s14 =	simm.s32 $0x180  }
0x7e: {  	[tilespmem:s14], [sflag:$0x4] =	stream.linear.gather [hbm4b:s11+s3], $0x50, $0x38;
	[tilespmem:$0x1E400] =	vst v63  }
0x7f: {  	s11 =	sadd.s32 s7, s13;
	s13 =	simm.s32 $0x380  }
0x80: {  	[tilespmem:s13], [sflag:$0x4] =	stream.linear.gather [hbm4b:s11+s3], $0x50, $0x38;
	[tilespmem:$0x1E400] =	vst v63  }
0x81: {  	_ =	swait.ge [sflag:s20], $0x50  }
0x82: {  	[sflag:s20] =	ssyncset.done $0x0  }
0x83: {  	[sflag:s20] =	ssyncadd.s32 $0xFFFFFFB0  }
0x84: {  	_ =	swait.ge [sflag:s20], $0x50  }
0x85: {  	[sflag:s20] =	ssyncset.done $0x0  }
0x86: {  	[sflag:s20] =	ssyncadd.s32 $0xFFFFFFB0  }
0x87: {  	[tilespmem:s22], [sflag:$0x5] =	stream.indirect.gather [hbm4b:s4+s21], $0x80, s3, s21, $0xb8;
	[tilespmem:$0x1E400] =	vst v63  }
0x88: {  	_ =	swait.ge [sflag:s23], $0x50  }
0x89: {  	[sflag:s23] =	ssyncset.done $0x0  }
0x8a: {  	[sflag:s23] =	ssyncadd.s32 $0xFFFFFFB0  }
0x8b: {  	_ =	swait.ge [sflag:s23], $0x50  }
0x8c: {  	[sflag:s23] =	ssyncset.done $0x0  }
0x8d: {  	[sflag:s23] =	ssyncadd.s32 $0xFFFFFFB0  }
0x8e: {  	[tilespmem:s24], [sflag:$0x6] =	stream.indirect.gather [hbm4b:s4+s21], $0x80, s16, s21, $0xb8;
	[tilespmem:$0x1E400] =	vst v63  }
0x8f: {  	_ =	swait.ge [sflag:s25], $0x50  }
0x90: {  	[sflag:s25] =	ssyncset.done $0x0  }
0x91: {  	[sflag:s25] =	ssyncadd.s32 $0xFFFFFFB0  }
0x92: {  	_ =	swait.ge [sflag:s25], $0x50  }
0x93: {  	[sflag:s25] =	ssyncset.done $0x0  }
0x94: {  	[sflag:s25] =	ssyncadd.s32 $0xFFFFFFB0  }
0x95: {  	[tilespmem:s26], [sflag:$0x7] =	stream.indirect.gather [hbm4b:s4+s21], $0x80, s18, s21, $0xb8;
	[tilespmem:$0x1E400] =	vst v63  }
0x96: {  	_ =	swait.ge [sflag:s28], $0x50  }
0x97: {  	[sflag:s28] =	ssyncset.done $0x0  }
0x98: {  	[sflag:s28] =	ssyncadd.s32 $0xFFFFFFB0  }
0x99: {  	_ =	swait.ge [sflag:s28], $0x50  }
0x9a: {  	[sflag:s28] =	ssyncset.done $0x0  }
0x9b: {  	[sflag:s28] =	ssyncadd.s32 $0xFFFFFFB0  }
0x9c: {  	[tilespmem:s29], [sflag:$0x8] =	stream.indirect.gather [hbm4b:s4+s21], $0x80, s14, s21, $0xb8;
	[tilespmem:$0x1E400] =	vst v63  }
0x9d: {  	_ =	swait.ge [sflag:s30], $0x2800  }
0x9e: {  	[sflag:s30] =	ssyncset.done $0x0  }
0x9f: {  	[sflag:s30] =	ssyncadd.s32 $0xFFFFD800  }
0xa0: {  	[spmem:s2] =	stream.indirect.scatter.add.f32 [tilespmem:s22], [sflag:$0x9], $0x80, s15, s21, $0xb8;
	[tilespmem:$0x1E400] =	vst v63  }
0xa1: {  	_ =	swait.ge [sflag:s31], $0x2800  }
0xa2: {  	[sflag:s31] =	ssyncset.done $0x0  }
0xa3: {  	[sflag:s31] =	ssyncadd.s32 $0xFFFFD800  }
0xa4: {  	[spmem:s2] =	stream.indirect.scatter.add.f32 [tilespmem:s24], [sflag:$0xA], $0x80, s17, s21, $0xb8;
	[tilespmem:$0x1E400] =	vst v63  }
0xa5: {  	_ =	swait.ge [sflag:s0], $0x2800  }
0xa6: {  	[sflag:s0] =	ssyncset.done $0x0  }
0xa7: {  	[sflag:s0] =	ssyncadd.s32 $0xFFFFD800  }
0xa8: {  	[spmem:s2] =	stream.indirect.scatter.add.f32 [tilespmem:s26], [sflag:$0xB], $0x80, s19, s21, $0xb8;
	[tilespmem:$0x1E400] =	vst v63  }
0xa9: {  	_ =	swait.ge [sflag:s1], $0x2800  }
0xaa: {  	[sflag:s1] =	ssyncset.done $0x0  }
0xab: {  	[sflag:s1] =	ssyncadd.s32 $0xFFFFD800  }
0xac: {  	[spmem:s2] =	stream.indirect.scatter.add.f32 [tilespmem:s29], [sflag:$0xC], $0x80, s13, s21, $0xb8;
	[tilespmem:$0x1E400] =	vst v63  }
0xad: {  	_ =	swait.ge [sflag:s5], $0x2800  }
0xae: {  	[sflag:s5] =	ssyncset.done $0x0  }
0xaf: {  	[sflag:s5] =	ssyncadd.s32 $0xFFFFD800  }
0xb0: {  	_ =	swait.ge [sflag:s6], $0x2800  }
0xb1: {  	[sflag:s6] =	ssyncset.done $0x0  }
0xb2: {  	p0 =	sne.s32 s12, $0x4B0;
	[sflag:s6] =	ssyncadd.s32 $0xFFFFD800  }
.Ltmp0:
0xb3: {  	_ =	swait.ge [sflag:s8], $0x2800;
	(pc) =	sbr.rel @p0 .LBB2_2-.Ltmp0, $4  }
0xb4: {  	[sflag:s8] =	ssyncset.done $0x0  }
0xb5: {  	[sflag:s8] =	ssyncadd.s32 $0xFFFFD800  }
0xb6: {  	s10 =	smov.u32 s12;
	s12 =	sadd.s32 $0x28, s12;
	_ =	swait.ge [sflag:s9], $0x2800  }
0xb7: {  	s7 =	smov.u32 s10;
	s11 =	rddreg [dreg:$0x4];
	[sflag:s9] =	ssyncset.done $0x0  }
0xb8: {  	s10 =	rddreg [dreg:$0x3];
	[sflag:s9] =	ssyncadd.s32 $0xFFFFD800;
	s11 =	sadd.s32 s7, s11  }
0xb9: {  	[tilespmem:s3], [sflag:$0x1] =	stream.linear.gather [hbm4b:s11+s3], $0x50, $0x38;
	[tilespmem:$0x1E400] =	vst v63  }
0xba: {  	s13 =	rddreg [dreg:$0xa];
	s12 =	simm.s32 $0x200;
	s10 =	sadd.s32 s7, s10  }
0xbb: {  	[tilespmem:s12], [sflag:$0x1] =	stream.linear.gather [hbm4b:s10+s3], $0x50, $0x38;
	[tilespmem:$0x1E400] =	vst v63  }
0xbc: {  	s14 =	rddreg [dreg:$0x9];
	s11 =	sadd.s32 s7, s13;
	s13 =	simm.s32 $0x80  }
0xbd: {  	[tilespmem:s13], [sflag:$0x2] =	stream.linear.gather [hbm4b:s11+s3], $0x50, $0x38;
	[tilespmem:$0x1E400] =	vst v63  }
0xbe: {  	s15 =	rddreg [dreg:$0x8];
	s10 =	sadd.s32 s7, s14;
	s14 =	simm.s32 $0x280  }
0xbf: {  	[tilespmem:s14], [sflag:$0x2] =	stream.linear.gather [hbm4b:s10+s3], $0x50, $0x38;
	[tilespmem:$0x1E400] =	vst v63  }
0xc0: {  	s16 =	rddreg [dreg:$0x7];
	s11 =	sadd.s32 s7, s15;
	s15 =	simm.s32 $0x100  }
0xc1: {  	[tilespmem:s15], [sflag:$0x3] =	stream.linear.gather [hbm4b:s11+s3], $0x50, $0x38;
	[tilespmem:$0x1E400] =	vst v63  }
0xc2: {  	s17 =	rddreg [dreg:$0x6];
	s10 =	sadd.s32 s7, s16;
	s16 =	simm.s32 $0x300  }
0xc3: {  	[tilespmem:s16], [sflag:$0x3] =	stream.linear.gather [hbm4b:s10+s3], $0x50, $0x38;
	[tilespmem:$0x1E400] =	vst v63  }
0xc4: {  	s11 =	sadd.s32 s7, s17;
	s17 =	simm.s32 $0x180;
	s10 =	rddreg [dreg:$0x5]  }
0xc5: {  	[tilespmem:s17], [sflag:$0x4] =	stream.linear.gather [hbm4b:s11+s3], $0x50, $0x38;
	[tilespmem:$0x1E400] =	vst v63  }
0xc6: {  	s10 =	sadd.s32 s7, s10;
	s11 =	simm.s32 $0x380  }
0xc7: {  	[tilespmem:s11], [sflag:$0x4] =	stream.linear.gather [hbm4b:s10+s3], $0x50, $0x38;
	[tilespmem:$0x1E400] =	vst v63  }
0xc8: {  	_ =	swait.ge [sflag:s20], $0x50  }
0xc9: {  	[sflag:s20] =	ssyncset.done $0x0  }
0xca: {  	[sflag:s20] =	ssyncadd.s32 $0xFFFFFFB0  }
0xcb: {  	_ =	swait.ge [sflag:s20], $0x50  }
0xcc: {  	[sflag:s20] =	ssyncset.done $0x0  }
0xcd: {  	[sflag:s20] =	ssyncadd.s32 $0xFFFFFFB0  }
0xce: {  	[tilespmem:s22], [sflag:$0x5] =	stream.indirect.gather [hbm4b:s4+s21], $0x80, s3, s21, $0xb8;
	[tilespmem:$0x1E400] =	vst v63  }
0xcf: {  	_ =	swait.ge [sflag:s23], $0x50  }
0xd0: {  	[sflag:s23] =	ssyncset.done $0x0  }
0xd1: {  	[sflag:s23] =	ssyncadd.s32 $0xFFFFFFB0  }
0xd2: {  	_ =	swait.ge [sflag:s23], $0x50  }
0xd3: {  	[sflag:s23] =	ssyncset.done $0x0  }
0xd4: {  	[sflag:s23] =	ssyncadd.s32 $0xFFFFFFB0  }
0xd5: {  	[tilespmem:s24], [sflag:$0x6] =	stream.indirect.gather [hbm4b:s4+s21], $0x80, s13, s21, $0xb8;
	[tilespmem:$0x1E400] =	vst v63  }
0xd6: {  	_ =	swait.ge [sflag:s25], $0x50  }
0xd7: {  	[sflag:s25] =	ssyncset.done $0x0  }
0xd8: {  	[sflag:s25] =	ssyncadd.s32 $0xFFFFFFB0  }
0xd9: {  	_ =	swait.ge [sflag:s25], $0x50  }
0xda: {  	[sflag:s25] =	ssyncset.done $0x0  }
0xdb: {  	[sflag:s25] =	ssyncadd.s32 $0xFFFFFFB0  }
0xdc: {  	[tilespmem:s26], [sflag:$0x7] =	stream.indirect.gather [hbm4b:s4+s21], $0x80, s15, s21, $0xb8;
	[tilespmem:$0x1E400] =	vst v63  }
0xdd: {  	_ =	swait.ge [sflag:s28], $0x50  }
0xde: {  	[sflag:s28] =	ssyncset.done $0x0  }
0xdf: {  	[sflag:s28] =	ssyncadd.s32 $0xFFFFFFB0  }
0xe0: {  	_ =	swait.ge [sflag:s28], $0x50  }
0xe1: {  	[sflag:s28] =	ssyncset.done $0x0  }
0xe2: {  	[sflag:s28] =	ssyncadd.s32 $0xFFFFFFB0  }
0xe3: {  	[tilespmem:s29], [sflag:$0x8] =	stream.indirect.gather [hbm4b:s4+s21], $0x80, s17, s21, $0xb8;
	[tilespmem:$0x1E400] =	vst v63  }
0xe4: {  	_ =	swait.ge [sflag:s30], $0x2800  }
0xe5: {  	[sflag:s30] =	ssyncset.done $0x0  }
0xe6: {  	[sflag:s30] =	ssyncadd.s32 $0xFFFFD800  }
0xe7: {  	[spmem:s2] =	stream.indirect.scatter.add.f32 [tilespmem:s22], [sflag:$0x9], $0x80, s12, s21, $0xb8;
	[tilespmem:$0x1E400] =	vst v63  }
0xe8: {  	_ =	swait.ge [sflag:s31], $0x2800  }
0xe9: {  	[sflag:s31] =	ssyncset.done $0x0  }
0xea: {  	[sflag:s31] =	ssyncadd.s32 $0xFFFFD800  }
0xeb: {  	[spmem:s2] =	stream.indirect.scatter.add.f32 [tilespmem:s24], [sflag:$0xA], $0x80, s14, s21, $0xb8;
	[tilespmem:$0x1E400] =	vst v63  }
0xec: {  	_ =	swait.ge [sflag:s0], $0x2800  }
0xed: {  	[sflag:s0] =	ssyncset.done $0x0  }
0xee: {  	[sflag:s0] =	ssyncadd.s32 $0xFFFFD800  }
0xef: {  	[spmem:s2] =	stream.indirect.scatter.add.f32 [tilespmem:s26], [sflag:$0xB], $0x80, s16, s21, $0xb8;
	[tilespmem:$0x1E400] =	vst v63  }
0xf0: {  	_ =	swait.ge [sflag:s1], $0x2800  }
0xf1: {  	[sflag:s1] =	ssyncset.done $0x0  }
0xf2: {  	[sflag:s1] =	ssyncadd.s32 $0xFFFFD800  }
0xf3: {  	[spmem:s2] =	stream.indirect.scatter.add.f32 [tilespmem:s29], [sflag:$0xC], $0x80, s11, s21, $0xb8;
	[tilespmem:$0x1E400] =	vst v63  }
0xf4: {  	_ =	swait.ge [sflag:s5], $0x2800  }
0xf5: {  	[sflag:s5] =	ssyncset.done $0x0  }
0xf6: {  	[sflag:s5] =	ssyncadd.s32 $0xFFFFD800  }
0xf7: {  	_ =	swait.ge [sflag:s6], $0x2800  }
0xf8: {  	[sflag:s6] =	ssyncset.done $0x0  }
0xf9: {  	[sflag:s6] =	ssyncadd.s32 $0xFFFFD800  }
0xfa: {  	_ =	swait.ge [sflag:s8], $0x2800  }
0xfb: {  	[sflag:s8] =	ssyncset.done $0x0  }
0xfc: {  	[sflag:s8] =	ssyncadd.s32 $0xFFFFD800  }
0xfd: {  	_ =	swait.ge [sflag:s9], $0x2800  }
0xfe: {  	[sflag:s9] =	ssyncset.done $0x0  }
0xff: {  	s11 =	rddreg [dreg:$0xe];
	[sflag:s9] =	ssyncadd.s32 $0xFFFFD800  }
0x100: {  	[tilespmem:s3], [sflag:$0x1] =	stream.linear.gather [hbm4b:s11+s3], $0x50, $0x38;
	[tilespmem:$0x1E400] =	vst v63  }
0x101: {  	s13 =	rddreg [dreg:$0xf]  }
0x102: {  	[tilespmem:s12], [sflag:$0x1] =	stream.linear.gather [hbm4b:s13+s3], $0x50, $0x38;
	[tilespmem:$0x1E400] =	vst v63  }
0x103: {  	_ =	swait.ge [sflag:s20], $0x50  }
0x104: {  	[sflag:s20] =	ssyncset.done $0x0  }
0x105: {  	[sflag:s20] =	ssyncadd.s32 $0xFFFFFFB0  }
0x106: {  	_ =	swait.ge [sflag:s20], $0x50  }
0x107: {  	[sflag:s20] =	ssyncset.done $0x0  }
0x108: {  	[sflag:s20] =	ssyncadd.s32 $0xFFFFFFB0  }
0x109: {  	[tilespmem:s22], [sflag:$0x5] =	stream.indirect.gather [hbm4b:s4+s21], $0x80, s3, s21, $0xb8;
	[tilespmem:$0x1E400] =	vst v63  }
0x10a: {  	_ =	swait.ge [sflag:s30], $0x2800  }
0x10b: {  	[sflag:s30] =	ssyncset.done $0x0  }
0x10c: {  	[sflag:s30] =	ssyncadd.s32 $0xFFFFD800  }
0x10d: {  	[spmem:s2] =	stream.indirect.scatter.add.f32 [tilespmem:s22], [sflag:$0x9], $0x80, s12, s21, $0xb8;
	[tilespmem:$0x1E400] =	vst v63  }
0x10e: {  	_ =	swait.ge [sflag:s5], $0x2800  }
0x10f: {  	[sflag:s5] =	ssyncset.done $0x0  }
0x110: {  	[sflag:s5] =	ssyncadd.s32 $0xFFFFD800  }
0x111: {  	[bflag:$0x0] =	sbarrier.arrive $0xFFFF  }
0x112: {  	s11 =	rddreg [dreg:$0xd]  }
0x113: {  	s14 =	rddreg [dreg:$0x10]  }
0x114: {  	s10 =	simm.s32 $0xD;
	s15 =	rddreg [dreg:$0x13]  }
0x115: {  	[hbm:s14], [sflag:s11] =	dma.local [spmem:s15], $0x2800  }
0x116: {  	_ =	swait.ge [sflag:s10], $0x2800  }
0x117: {  	s16 =	rddreg [dreg:$0x12]  }
0x118: {  	s17 =	rddreg [dreg:$0x11];
	s12 =	sadd.s32 $0x1, s16  }
0x119: {  	p0 =	sne.s32 s12, s17  }
.Ltmp1:
0x11a: {  	_ = 	snop;
	(pc) =	sbr.rel @p0 .LBB2_1-.Ltmp1, $3  }
0x11b: {  	_ =	sdelay $0x1  }
0x11c: {  	[sflag:s10] =	ssyncset.done $0x0  }
0x11d: {  	[sflag:s10] =	ssyncadd.s32 $0xFFFFD800  }
0x11e: {  	_ =	sfence.sel $0x180000  }
0x11f: {  	[bflag:$0x0] =	sbarrier.arrive $0xFFFF  }
0x120: {  	_ =	strace $0x9000004A  }
0x121: {  	s0 =	stileid.u32;
	[bflag:$0x2] =	sbarrier.arrive $0xFFFF  }
0x122: {  	p0 =	sne.s32 s0, $0x0;
	s0 =	rddreg [dreg:$0x2]  }
0x123: {  	s0 =	sadd.s32 @!p0 $0x100000, s0  }
0x124: {  	[sflag:s0] =	ssyncadd.tile.s32 @!p0 $0x1;
	_ =	shalt  }
.Lfunc_end2:
_tile_overlayer_lowered:
.L_overlay_start_2:
0x125: {  	(tag) =	ssettag $0x2  }
0x126: {  	s0 =	rddreg [dreg:$0x0];
	s2 =	stileid.u32  }
0x127: {  	s1 =	rddreg [dreg:$0x1];
	p0 =	sne.s32 s2, $0x0  }
0x128: {  	s3 =	rddreg [dreg:$0x2];
	[bflag:$0x3] =	sbarrier.arrive $0xFFFF;
	s2 =	simm.s32 @!p0 $0x1C0D  }
0x129: {  	[timem:s3], [sflag:s2] =	dma.local @!p0 [hbm:s0], s1  }
0x12a: {  	s0 =	simm.s32 @!p0 $0xD  }
0x12b: {  	_ =	swait.ge @!p0 [sflag:s0], s1  }
0x12c: {  	s1 =	ssub.s32 @!p0 $0x0, s1;
	[sflag:s0] =	ssyncset.done @!p0 $0x0  }
0x12d: {  	[sflag:s0] =	ssyncadd.s32 @!p0 s1  }
0x12e: {  	[bflag:$0x3] =	sbarrier.arrive $0xFFFF  }
0x12f: {  	_ =	shalt  }

// kernel: kernel.16.cloned.1.call-start
scs
__scs_entry_jumppad:
0x0: {  	(pc) =	sbr.rel $0x88, $3  }
0x1: {  	(tag) =	ssettag $0x0;
	lr =	simm.s32 $0x1  }
0x2: {  	[smem:$0x3F99] =	sst lr;
	_ =	strace $0xD0000000  }
0x3: {  	_ = 	snop  }
0x4: {  	_ = 	snop  }
0x5: {  	_ = 	snop  }
0x6: {  	_ = 	snop  }
0x7: {  	_ = 	snop  }
__scs_overlays_trampoline_lowered:
0x8: {  	[smem:$0x3FA8] =	sst s0  }
0x9: {  	[smem:$0x3FA9] =	sst s1  }
0xa: {  	[smem:$0x3FAA] =	sst s2  }
0xb: {  	[smem:$0x3FAB] =	sst s3  }
0xc: {  	[smem:$0x3FAC] =	sst s4  }
0xd: {  	[smem:$0x3FAD] =	sst s5  }
0xe: {  	[smem:$0x3FAE] =	sst s6  }
0xf: {  	[smem:$0x3FAF] =	sst s7  }
0x10: {  	[smem:$0x3FB0] =	sst s8  }
0x11: {  	[smem:$0x3FB1] =	sst s9;
	s0 =	simm.s32 @!p0 $0x0  }
0x12: {  	s1 =	sld [smem:$0x3F97];
	s0 =	simm.s32 @p0 $0x1  }
0x13: {  	[smem:$0x3FB2] =	sst s0;
	s0 =	simm.s32 @!p1 $0x0  }
0x14: {  	s2 =	sld [smem:$0x3F96];
	s0 =	simm.s32 @p1 $0x1  }
0x15: {  	[smem:$0x3FB3] =	sst s0;
	s0 =	simm.s32 @!p2 $0x0  }
0x16: {  	s3 =	sld [smem:$0x3FDB];
	s0 =	simm.s32 @p2 $0x1  }
0x17: {  	s4 =	simm.s32 $0x1BF5;
	[smem:$0x3FB5] =	sst s0  }
0x18: {  	s0 =	sld [smem:$0x3F98];
	_ =	swait.ge [sflag:s4], $0x0  }
0x19: {  	s7 =	sld [smem:$0x3F99]  }
0x1a: {  	s8 =	sadd.s32 $0xFFFFE003, lr  }
0x1b: {  	s9 =	sadd.s32 $0xFFFFFEF7, lr;
	s5 =	simm.s32 $0xFFFFFFFF;
	p2 =	slt.u32 s8, $0xFFFFF086  }
0x1c: {  	p1 =	slt.u32 s9, $0xF7A;
	s5 =	simm.s32 @!p2 $0x0  }
0x1d: {  	s5 =	simm.s32 @p1 $0x1;
	p0 =	seq.s32 s7, s2  }
0x1e: {  	s7 =	smul.u32 @!p0 $0xF7A, s2;
	p2 =	seq.s32 @!p0 s5, $0x0  }
0x1f: {  	s9 =	smul.u32 $0xF7A, s1;
	s8 =	simm.s32 @!p0 $0x1BF5;
	p2 =	por !p2, p0  }
0x20: {  	[sflag:s8] =	ssyncset.s32 @!p0 $0xFFFFF086;
	s6 =	sadd.s32 @!p0 s3, s7;
	s7 =	simm.s32 @!p0 $0x108  }
0x21: {  	s3 =	sadd.s32 s3, s9;
	s6 =	sadd.s32 @!p0 $0x88, s6;
	s7 =	simm.s32 @p2 $0x1082  }
0x22: {  	[simem:s7], [sflag:s8] =	dma.local @!p0 [hbm:s6], $0xF7A  }
0x23: {  	s9 =	sor.u32 $0xD0000000, s2;
	s6 =	simm.s32 $0x108;
	_ =	swait.ge @!p0 [sflag:s8], $0x0  }
0x24: {  	s3 =	sadd.s32 $0x88, s3;
	s6 =	simm.s32 @!p1 $0x1082;
	[sflag:s4] =	ssyncset.s32 $0xFFFFF086  }
0x25: {  	[simem:s6], [sflag:s4] =	dma.local [hbm:s3], $0xF7A  }
0x26: {  	[smem:$0x3F99] =	sst s1;
	(tag) =	ssettag s2;
	_ =	strace s9  }
0x27: {  	s1 =	sld [smem:$0x3FA9]  }
0x28: {  	s2 =	sld [smem:$0x3FAA]  }
0x29: {  	s4 =	sld [smem:$0x3FAC]  }
0x2a: {  	p0 =	seq.s32 s5, $0x0;
	s5 =	sld [smem:$0x3FAD]  }
0x2b: {  	s6 =	sld [smem:$0x3FAE]  }
0x2c: {  	s7 =	sld [smem:$0x3FAF]  }
0x2d: {  	s3 =	simm.s32 $0x108;
	s8 =	sld [smem:$0x3FB0]  }
0x2e: {  	s3 =	simm.s32 @!p0 $0x1082;
	s9 =	sld [smem:$0x3FB1]  }
0x2f: {  	lr =	sadd.s32 s0, s3;
	s0 =	sld [smem:$0x3FA8]  }
0x30: {  	s3 =	sld [smem:$0x3FAB]  }
0x31: {  	[smem:$0x3FB4] =	sst s10  }
0x32: {  	s10 =	sld [smem:$0x3FB2];
	_ =	sdelay $0x3  }
0x33: {  	p0 =	seq.s32 s10, $0x1;
	s10 =	sld [smem:$0x3FB4];
	_ =	sdelay $0x3  }
0x34: {  	[smem:$0x3FB4] =	sst s10  }
0x35: {  	s10 =	sld [smem:$0x3FB3];
	_ =	sdelay $0x3  }
0x36: {  	p1 =	seq.s32 s10, $0x1;
	s10 =	sld [smem:$0x3FB4];
	_ =	sdelay $0x3  }
0x37: {  	[smem:$0x3FB4] =	sst s10  }
0x38: {  	s10 =	sld [smem:$0x3FB5]  }
0x39: {  	_ = 	snop;
	(pc) =	sbr.ind lr, $3  }
0x3a: {  	_ = 	snop  }
0x3b: {  	_ = 	snop  }
0x3c: {  	p2 =	seq.s32 s10, $0x1;
	s10 =	sld [smem:$0x3FB4]  }
0x3d: {  	_ =	shalt  }
0x3e: {  	_ =	shalt  }
0x3f: {  	_ =	shalt  }
0x40: {  	_ =	shalt  }
0x41: {  	_ =	shalt  }
0x42: {  	_ =	shalt  }
0x43: {  	_ =	shalt  }
0x44: {  	_ =	shalt  }
0x45: {  	_ =	shalt  }
0x46: {  	_ =	shalt  }
0x47: {  	_ =	shalt  }
0x48: {  	_ =	shalt  }
0x49: {  	_ =	shalt  }
0x4a: {  	_ =	shalt  }
0x4b: {  	_ =	shalt  }
0x4c: {  	_ =	shalt  }
0x4d: {  	_ =	shalt  }
0x4e: {  	_ =	shalt  }
0x4f: {  	_ =	shalt  }
0x50: {  	_ =	shalt  }
0x51: {  	_ =	shalt  }
0x52: {  	_ =	shalt  }
0x53: {  	_ =	shalt  }
0x54: {  	_ =	shalt  }
0x55: {  	_ =	shalt  }
0x56: {  	_ =	shalt  }
0x57: {  	_ =	shalt  }
0x58: {  	_ =	shalt  }
0x59: {  	_ =	shalt  }
0x5a: {  	_ =	shalt  }
0x5b: {  	_ =	shalt  }
0x5c: {  	_ =	shalt  }
0x5d: {  	_ =	shalt  }
0x5e: {  	_ =	shalt  }
0x5f: {  	_ =	shalt  }
0x60: {  	_ =	shalt  }
0x61: {  	_ =	shalt  }
0x62: {  	_ =	shalt  }
0x63: {  	_ =	shalt  }
0x64: {  	_ =	shalt  }
0x65: {  	_ =	shalt  }
0x66: {  	_ =	shalt  }
0x67: {  	_ =	shalt  }
0x68: {  	_ =	shalt  }
0x69: {  	_ =	shalt  }
0x6a: {  	_ =	shalt  }
0x6b: {  	_ =	shalt  }
0x6c: {  	_ =	shalt  }
0x6d: {  	_ =	shalt  }
0x6e: {  	_ =	shalt  }
0x6f: {  	_ =	shalt  }
0x70: {  	_ =	shalt  }
0x71: {  	_ =	shalt  }
0x72: {  	_ =	shalt  }
0x73: {  	_ =	shalt  }
0x74: {  	_ =	shalt  }
0x75: {  	_ =	shalt  }
0x76: {  	_ =	shalt  }
0x77: {  	_ =	shalt  }
0x78: {  	_ =	shalt  }
0x79: {  	_ =	shalt  }
0x7a: {  	_ =	shalt  }
0x7b: {  	_ =	shalt  }
0x7c: {  	_ =	shalt  }
0x7d: {  	_ =	shalt  }
0x7e: {  	_ =	shalt  }
0x7f: {  	_ =	shalt  }
0x80: {  	_ =	shalt  }
0x81: {  	_ =	shalt  }
0x82: {  	_ =	shalt  }
0x83: {  	_ =	shalt  }
0x84: {  	_ =	shalt  }
0x85: {  	_ =	shalt  }
0x86: {  	_ =	shalt  }
0x87: {  	_ =	shalt  }
.Lfunc_end0:
.L_simem_size_0:
called_computation.2_lowered:
.L_overlay_start_0:
0x88: {  	s2 =	sld [smem:$0x3FD9]  }
0x89: {  	s3 =	sld [smem:$0x3FFE];
	_ =	sdelay $0x1  }
0x8a: {  	s1 =	srdreg.scid  }
0x8b: {  	s0 =	sand.u32 $0x1, s1  }
0x8c: {  	s16 =	sshll.u32 s0, $0xA;
	s2 =	sadd.s32 s3, s2  }
0x8d: {  	s2 =	sadd.s32 s2, s16  }
0x8e: {  	[smem:$0x3FC0] =	sst s2  }
0x8f: {  	_ = 	snop  }
0x90: {  	(tm) =	ssettm $0x1  }
0x91: {  	s17 =	sld [smem:$0x3FFB];
	_ =	sdelay $0x3  }
0x92: {  	_ =	strace s17  }
0x93: {  	s2 =	sld [smem:$0x3FFC];
	_ =	sdelay $0x3  }
0x94: {  	_ =	strace s2  }
0x95: {  	s2 =	sld [smem:$0x3FFD];
	_ =	sdelay $0x3  }
0x96: {  	_ =	strace s2  }
0x97: {  	_ =	strace $0x8FFFFFFF  }
0x98: {  	s18 =	sld [smem:$0x3FDB];
	_ =	sdelay $0x1  }
0x99: {  	s19 =	simm.s32 $_scs_section_size  }
0x9a: {  	s4 =	simm.s32 $_size__tile_overlayer_lowered;
	s5 =	simm.s32 $_tile_overlayer_lowered  }
0x9b: {  	s22 =	simm.s32 $0x1BFF;
	s21 =	sshll.u32 s5, $0x1;
	s2 =	sadd.s32 s19, s18  }
0x9c: {  	s6 =	simm.s32 $0x0;
	s20 =	sshll.u32 s4, $0x1;
	s4 =	sadd.s32 s21, s2  }
0x9d: {  	[timem:s6], [sflag:s22] =	dma.local [hbm:s4], s20  }
0x9e: {  	_ =	swait.ge [sflag:s22], s20  }
0x9f: {  	s3 =	ssub.s32 $0x0, s20;
	[sflag:s22] =	ssyncset.done $0x0  }
0xa0: {  	[sflag:s22] =	ssyncadd.s32 s3;
	_ =	sdelay $0x1  }
0xa1: {  	s23 =	simm.s32 $0x1B8B  }
0xa2: {  	_ =	swait.ge [sflag:s23], $0x1  }
0xa3: {  	[sflag:s23] =	ssyncset.done $0x0  }
0xa4: {  	s25 =	simm.s32 $0x1B8E;
	s24 =	sld [smem:$0x3FFE];
	[sflag:s23] =	ssyncadd.s32 $0xFFFFFFFF  }
0xa5: {  	s26 =	simm.s32 $execute0_lowered;
	[smem:$0x3FD2] =	sst s25  }
0xa6: {  	s4 =	sshll.u32 s26, $0x1;
	_ =	strace $0x8000004C;
	[dreg:$0x1] =	wrdreg $0xFFFFFFFF  }
0xa7: {  	s28 =	simm.s32 $_size_execute0_lowered;
	s2 =	sadd.s32 s2, s4;
	[dreg:$0x0] =	wrdreg $0x0  }
0xa8: {  	s4 =	sshll.u32 s28, $0x1;
	[dreg:$0x2] =	wrdreg s2  }
0xa9: {  	[dreg:$0x3] =	wrdreg s4  }
0xaa: {  	[dreg:$0x4] =	wrdreg $0xC0  }
0xab: {  	_ =	task [dreg:s6], $0x5FFFF  }
0xac: {  	[dreg:$0x1] =	wrdreg $0xFFFFFFFF  }
0xad: {  	[dreg:$0x0] =	wrdreg $0x60  }
0xae: {  	[dreg:$0x2] =	wrdreg s24  }
0xaf: {  	[dreg:$0x3] =	wrdreg $0xA4000  }
0xb0: {  	[dreg:$0x4] =	wrdreg $0x9  }
0xb1: {  	_ =	task.clear_ibuf [dreg:s6], $0x5FFFF;
	_ =	strace $0x9000004C  }
0xb2: {  	s29 =	simm.s32 $0x9;
	_ =	strace $0x8000004E  }
0xb3: {  	_ =	swait.ge [sflag:s29], $0x1  }
0xb4: {  	[sflag:s29] =	ssyncadd.s32 $0xFFFFFFFF  }
0xb5: {  	_ =	strace $0x9000004E  }
0xb6: {  	_ =	sfence  }
0xb7: {  	s30 =	sld [smem:$0x0];
	_ =	sdelay $0x2  }
0xb8: {  	s31 =	sshll.u32 s1, $0xD;
	s1 =	sshrl.u32 s1, $0x2  }
0xb9: {  	s3 =	sand.u32 $0x4000, s31;
	s1 =	sadd.s32 s1, s30  }
0xba: {  	s0 =	sor.u32 s3, s0;
	s1 =	sshll.u32 s1, $0x11  }
0xbb: {  	s0 =	sor.u32 s1, s0  }
0xbc: {  	s0 =	sadd.s32 $0x8F2B, s0  }
0xbd: {  	[sflag:s0] =	ssyncadd.remote.s32 $0x1  }
0xbe: {  	_ =	sfence.sel $0xFFFF  }
0xbf: {  	[dreg:$0x0] =	wrdreg $0xFFFFFFFF;
	(pc) =	sbr.abs _section_cstart, $3  }
0xc0: {  	[dreg:$0x1] =	wrdreg $0xFFFFFFFF  }
0xc1: {  	_ =	task.clear_ibuf [dreg:s6], $0x2FFFF;
	_ =	strace $0x9FFFFFFF  }
0xc2: {  	(tm) =	ssettm $0x7FFFFFFF  }
0xc3: {  	_ =	shalt  }
tec
execute0_lowered:
.L_overlay_start_1:
0x0: {  	(tag) =	ssettag $0x1  }
0x1: {  	s0 =	rddreg [dreg:$0x0]  }
0x2: {  	s2 =	rddreg [dreg:$0x1];
	s3 =	simm.s32 $0x0  }
0x3: {  	s13 =	stileid.u32;
	s5 =	srdreg.scid;
	s28 =	simm.s32 $0x4  }
0x4: {  	s29 =	simm.s32 $0x7C00;
	s30 =	simm.s32 $0x5;
	s31 =	simm.s32 $0x6  }
0x5: {  	[smem:$0x7FF] =	sst s3;
	s1 =	smul.u32 $0x14000, s13;
	s4 =	sadd.s32 $0x16800, s0  }
0x6: {  	s5 =	sand.u32 $0x1, s5;
	s6 =	sadd.s32 $0x2C00, s0;
	s25 =	smul.u32 $0x50000, s13  }
0x7: {  	s9 =	sadd.s32 $0xCA00, s0;
	s10 =	sshll.u32 s13, $0x1;
	s12 =	smul.u32 $0x4E20, s13  }
0x8: {  	_ =	strace $0x8000004D;
	s8 =	smul.u32 $0x140000, s5;
	s10 =	sor.u32 s5, s10  }
0x9: {  	s11 =	ssub.s32 $0x2, s5;
	s5 =	smul.u32 $0x2710, s5;
	s7 =	sshrl.u32 s1, $0x3  }
0xa: {  	s10 =	smul.u32 $0x2710, s10;
	s26 =	sshrl.u32 s11, $0x1;
	s7 =	sadd.s32 s7, s0  }
0xb: {  	s1 =	sadd.s32 s1, s8;
	s8 =	sshrl.u32 s25, $0x2;
	s5 =	sadd.s32 s5, s12  }
0xc: {  	s12 =	simm.s32 $0x0;
	s1 =	sshrl.u32 s1, $0x3;
	s8 =	sadd.s32 s8, s2  }
0xd: {  	s7 =	sadd.s32 $0x3E800, s7;
	s10 =	sshrl.u32 s10, $0x3;
	s14 =	sshrl.u32 s5, $0x3  }
0xe: {  	s16 =	sadd.s32 $0xF0, s5;
	s20 =	sadd.s32 $0xA0, s5;
	s5 =	sadd.s32 $0x50, s5  }
0xf: {  	s0 =	sadd.s32 s1, s0;
	s1 =	ssub.s32 s11, s26;
	[dreg:$0xb] =	wrdreg s8  }
0x10: {  	[dreg:$0xc] =	wrdreg s7;
	s11 =	sshll.u32 s13, $0x6;
	s15 =	sadd.s32 s14, s9  }
0x11: {  	s7 =	sadd.s32 $0x4D8, s10;
	s17 =	sadd.s32 s14, s6;
	[dreg:$0x3] =	wrdreg s15  }
0x12: {  	s18 =	sshrl.u32 s16, $0x3;
	s13 =	sadd.s32 s6, s7;
	[dreg:$0x4] =	wrdreg s17  }
0x13: {  	s22 =	sshrl.u32 s20, $0x3;
	s7 =	sadd.s32 s9, s7;
	[dreg:$0xe] =	wrdreg s13  }
0x14: {  	s5 =	sshrl.u32 s5, $0x3;
	s19 =	sadd.s32 s18, s9;
	[dreg:$0xf] =	wrdreg s7  }
0x15: {  	s10 =	simm.s32 $0xD;
	s21 =	sadd.s32 s18, s6;
	[dreg:$0x5] =	wrdreg s19  }
0x16: {  	s20 =	simm.s32 $0x1;
	s23 =	sadd.s32 s22, s9;
	[dreg:$0x6] =	wrdreg s21  }
0x17: {  	s8 =	simm.s32 $0xB;
	s0 =	sadd.s32 $0x66800, s0;
	[dreg:$0x7] =	wrdreg s23  }
0x18: {  	s11 =	sor.u32 $0x1C0D, s11;
	s24 =	sadd.s32 s22, s6;
	[dreg:$0x10] =	wrdreg s0  }
0x19: {  	s25 =	sadd.s32 s5, s9;
	s1 =	smax.u32 s1, $0x1;
	[dreg:$0x8] =	wrdreg s24  }
0x1a: {  	s26 =	sadd.s32 s5, s6;
	s22 =	simm.s32 $0x400;
	[dreg:$0x11] =	wrdreg s1  }
0x1b: {  	s5 =	simm.s32 $0x9;
	s6 =	simm.s32 $0xA;
	[dreg:$0x9] =	wrdreg s25  }
0x1c: {  	s9 =	simm.s32 $0xC;
	s18 =	simm.s32 $0x100;
	[dreg:$0xa] =	wrdreg s26  }
0x1d: {  	s21 =	simm.s32 $0x50;
	s23 =	simm.s32 $0x2;
	s24 =	simm.s32 $0x2C00  }
0x1e: {  	s25 =	simm.s32 $0x3;
	s26 =	simm.s32 $0x5400;
	s0 =	simm.s32 $0x7  }
0x1f: {  	s1 =	simm.s32 $0x8;
	[dreg:$0xd] =	wrdreg s11;
	s19 =	simm.s32 $0x300  }
.LBB2_1:
0x20: {  	[dreg:$0x12] =	wrdreg s12  }
0x21: {  	s7 =	rddreg [dreg:$0xb]  }
0x22: {  	s17 =	rddreg [dreg:$0xc];
	s16 =	sshrl.u32 s7, $0x3  }
0x23: {  	[dreg:$0x13] =	wrdreg s16  }
0x24: {  	[spmem:s16], [sflag:s11] =	dma.local [hbm:s17], $0x2800  }
0x25: {  	_ =	swait.ge [sflag:s10], $0x2800  }
0x26: {  	[sflag:s10] =	ssyncset.done $0x0  }
0x27: {  	[sflag:s10] =	ssyncadd.s32 $0xFFFFD800  }
0x28: {  	[bflag:$0x0] =	sbarrier.arrive $0xFFFF  }
0x29: {  	s13 =	rddreg [dreg:$0x4]  }
0x2a: {  	s14 =	rddreg [dreg:$0x3];
	s7 =	sadd.s32 $0x0, s13  }
0x2b: {  	[tilespmem:s3], [sflag:$0x1] =	stream.linear.gather [hbm4b:s7+s3], $0x50, $0x38;
	[tilespmem:$0x1E400] =	vst v63  }
0x2c: {  	s10 =	simm.s32 $0x200;
	s15 =	rddreg [dreg:$0xa];
	s16 =	sadd.s32 $0x0, s14  }
0x2d: {  	[tilespmem:s10], [sflag:$0x1] =	stream.linear.gather [hbm4b:s16+s3], $0x50, $0x38;
	[tilespmem:$0x1E400] =	vst v63  }
0x2e: {  	s17 =	rddreg [dreg:$0x9];
	s14 =	sadd.s32 $0x0, s15;
	s13 =	simm.s32 $0x80  }
0x2f: {  	[tilespmem:s13], [sflag:$0x2] =	stream.linear.gather [hbm4b:s14+s3], $0x50, $0x38;
	[tilespmem:$0x1E400] =	vst v63  }
0x30: {  	s15 =	rddreg [dreg:$0x8];
	s16 =	sadd.s32 $0x0, s17;
	s14 =	simm.s32 $0x280  }
0x31: {  	[tilespmem:s14], [sflag:$0x2] =	stream.linear.gather [hbm4b:s16+s3], $0x50, $0x38;
	[tilespmem:$0x1E400] =	vst v63  }
0x32: {  	s17 =	rddreg [dreg:$0x7];
	s16 =	sadd.s32 $0x0, s15;
	s15 =	simm.s32 $0x100  }
0x33: {  	[tilespmem:s15], [sflag:$0x3] =	stream.linear.gather [hbm4b:s16+s3], $0x50, $0x38;
	[tilespmem:$0x1E400] =	vst v63  }
0x34: {  	s12 =	rddreg [dreg:$0x6];
	s17 =	sadd.s32 $0x0, s17;
	s16 =	simm.s32 $0x300  }
0x35: {  	[tilespmem:s16], [sflag:$0x3] =	stream.linear.gather [hbm4b:s17+s3], $0x50, $0x38;
	[tilespmem:$0x1E400] =	vst v63  }
0x36: {  	s11 =	rddreg [dreg:$0x5];
	s17 =	sadd.s32 $0x0, s12;
	s12 =	simm.s32 $0x180  }
0x37: {  	[tilespmem:s12], [sflag:$0x4] =	stream.linear.gather [hbm4b:s17+s3], $0x50, $0x38;
	[tilespmem:$0x1E400] =	vst v63  }
0x38: {  	s11 =	sadd.s32 $0x0, s11;
	s17 =	simm.s32 $0x380  }
0x39: {  	[tilespmem:s17], [sflag:$0x4] =	stream.linear.gather [hbm4b:s11+s3], $0x50, $0x38;
	[tilespmem:$0x1E400] =	vst v63  }
0x3a: {  	_ =	swait.ge [sflag:s20], $0x50  }
0x3b: {  	[sflag:s20] =	ssyncset.done $0x0  }
0x3c: {  	[sflag:s20] =	ssyncadd.s32 $0xFFFFFFB0  }
0x3d: {  	_ =	swait.ge [sflag:s20], $0x50  }
0x3e: {  	[sflag:s20] =	ssyncset.done $0x0  }
0x3f: {  	[sflag:s20] =	ssyncadd.s32 $0xFFFFFFB0  }
0x40: {  	[tilespmem:s22], [sflag:$0x5] =	stream.indirect.gather [hbm4b:s4+s21], $0x80, s3, s21, $0xb8;
	[tilespmem:$0x1E400] =	vst v63  }
0x41: {  	_ =	swait.ge [sflag:s23], $0x50  }
0x42: {  	[sflag:s23] =	ssyncset.done $0x0  }
0x43: {  	[sflag:s23] =	ssyncadd.s32 $0xFFFFFFB0  }
0x44: {  	_ =	swait.ge [sflag:s23], $0x50  }
0x45: {  	[sflag:s23] =	ssyncset.done $0x0  }
0x46: {  	[sflag:s23] =	ssyncadd.s32 $0xFFFFFFB0  }
0x47: {  	[tilespmem:s24], [sflag:$0x6] =	stream.indirect.gather [hbm4b:s4+s21], $0x80, s13, s21, $0xb8;
	[tilespmem:$0x1E400] =	vst v63  }
0x48: {  	_ =	swait.ge [sflag:s25], $0x50  }
0x49: {  	[sflag:s25] =	ssyncset.done $0x0  }
0x4a: {  	[sflag:s25] =	ssyncadd.s32 $0xFFFFFFB0  }
0x4b: {  	_ =	swait.ge [sflag:s25], $0x50  }
0x4c: {  	[sflag:s25] =	ssyncset.done $0x0  }
0x4d: {  	[sflag:s25] =	ssyncadd.s32 $0xFFFFFFB0  }
0x4e: {  	[tilespmem:s26], [sflag:$0x7] =	stream.indirect.gather [hbm4b:s4+s21], $0x80, s15, s21, $0xb8;
	[tilespmem:$0x1E400] =	vst v63  }
0x4f: {  	_ =	swait.ge [sflag:s28], $0x50  }
0x50: {  	[sflag:s28] =	ssyncset.done $0x0  }
0x51: {  	[sflag:s28] =	ssyncadd.s32 $0xFFFFFFB0  }
0x52: {  	_ =	swait.ge [sflag:s28], $0x50  }
0x53: {  	[sflag:s28] =	ssyncset.done $0x0  }
0x54: {  	[sflag:s28] =	ssyncadd.s32 $0xFFFFFFB0  }
0x55: {  	[tilespmem:s29], [sflag:$0x8] =	stream.indirect.gather [hbm4b:s4+s21], $0x80, s12, s21, $0xb8;
	[tilespmem:$0x1E400] =	vst v63  }
0x56: {  	_ =	swait.ge [sflag:s30], $0x2800  }
0x57: {  	[sflag:s30] =	ssyncset.done $0x0  }
0x58: {  	[sflag:s30] =	ssyncadd.s32 $0xFFFFD800  }
0x59: {  	[spmem:s2] =	stream.indirect.scatter.add.f32 [tilespmem:s22], [sflag:$0x9], $0x80, s10, s21, $0xb8;
	[tilespmem:$0x1E400] =	vst v63  }
0x5a: {  	_ =	swait.ge [sflag:s31], $0x2800  }
0x5b: {  	[sflag:s31] =	ssyncset.done $0x0  }
0x5c: {  	[sflag:s31] =	ssyncadd.s32 $0xFFFFD800  }
0x5d: {  	[spmem:s2] =	stream.indirect.scatter.add.f32 [tilespmem:s24], [sflag:$0xA], $0x80, s14, s21, $0xb8;
	[tilespmem:$0x1E400] =	vst v63  }
0x5e: {  	_ =	swait.ge [sflag:s0], $0x2800  }
0x5f: {  	[sflag:s0] =	ssyncset.done $0x0  }
0x60: {  	[sflag:s0] =	ssyncadd.s32 $0xFFFFD800  }
0x61: {  	[spmem:s2] =	stream.indirect.scatter.add.f32 [tilespmem:s26], [sflag:$0xB], $0x80, s16, s21, $0xb8;
	[tilespmem:$0x1E400] =	vst v63  }
0x62: {  	_ =	swait.ge [sflag:s1], $0x2800  }
0x63: {  	[sflag:s1] =	ssyncset.done $0x0  }
0x64: {  	[sflag:s1] =	ssyncadd.s32 $0xFFFFD800  }
0x65: {  	[spmem:s2] =	stream.indirect.scatter.add.f32 [tilespmem:s29], [sflag:$0xC], $0x80, s17, s21, $0xb8;
	[tilespmem:$0x1E400] =	vst v63  }
0x66: {  	_ =	swait.ge [sflag:s5], $0x2800  }
0x67: {  	[sflag:s5] =	ssyncset.done $0x0  }
0x68: {  	[sflag:s5] =	ssyncadd.s32 $0xFFFFD800  }
0x69: {  	_ =	swait.ge [sflag:s6], $0x2800  }
0x6a: {  	[sflag:s6] =	ssyncset.done $0x0  }
0x6b: {  	[sflag:s6] =	ssyncadd.s32 $0xFFFFD800  }
0x6c: {  	_ =	swait.ge [sflag:s8], $0x2800  }
0x6d: {  	[sflag:s8] =	ssyncset.done $0x0  }
0x6e: {  	[sflag:s8] =	ssyncadd.s32 $0xFFFFD800  }
0x6f: {  	s7 =	simm.s32 $0x28;
	_ =	swait.ge [sflag:s9], $0x2800  }
0x70: {  	s12 =	simm.s32 $0x50;
	s11 =	rddreg [dreg:$0x4];
	[sflag:s9] =	ssyncset.done $0x0  }
.LBB2_2:
0x71: {  	[sflag:s9] =	ssyncadd.s32 $0xFFFFD800;
	s13 =	rddreg [dreg:$0x3];
	s11 =	sadd.s32 s7, s11  }
0x72: {  	[tilespmem:s3], [sflag:$0x1] =	stream.linear.gather [hbm4b:s11+s3], $0x50, $0x38;
	[tilespmem:$0x1E400] =	vst v63  }
0x73: {  	s14 =	rddreg [dreg:$0xa];
	s15 =	simm.s32 $0x200;
	s16 =	sadd.s32 s7, s13  }
0x74: {  	[tilespmem:s15], [sflag:$0x1] =	stream.linear.gather [hbm4b:s16+s3], $0x50, $0x38;
	[tilespmem:$0x1E400] =	vst v63  }
0x75: {  	s13 =	rddreg [dreg:$0x9];
	s17 =	sadd.s32 s7, s14;
	s16 =	simm.s32 $0x80  }
0x76: {  	[tilespmem:s16], [sflag:$0x2] =	stream.linear.gather [hbm4b:s17+s3], $0x50, $0x38;
	[tilespmem:$0x1E400] =	vst v63  }
0x77: {  	s14 =	rddreg [dreg:$0x8];
	s11 =	sadd.s32 s7, s13;
	s17 =	simm.s32 $0x280  }
0x78: {  	[tilespmem:s17], [sflag:$0x2] =	stream.linear.gather [hbm4b:s11+s3], $0x50, $0x38;
	[tilespmem:$0x1E400] =	vst v63  }
0x79: {  	s13 =	rddreg [dreg:$0x7];
	s11 =	sadd.s32 s7, s14  }
0x7a: {  	[tilespmem:s18], [sflag:$0x3] =	stream.linear.gather [hbm4b:s11+s3], $0x50, $0x38;
	[tilespmem:$0x1E400] =	vst v63  }
0x7b: {  	s14 =	rddreg [dreg:$0x6];
	s11 =	sadd.s32 s7, s13  }
0x7c: {  	[tilespmem:s19], [sflag:$0x3] =	stream.linear.gather [hbm4b:s11+s3], $0x50, $0x38;
	[tilespmem:$0x1E400] =	vst v63  }
0x7d: {  	s13 =	rddreg [dreg:$0x5];
	s11 =	sadd.s32 s7, s14;
	s14 =	simm.s32 $0x180  }
0x7e: {  	[tilespmem:s14], [sflag:$0x4] =	stream.linear.gather [hbm4b:s11+s3], $0x50, $0x38;
	[tilespmem:$0x1E400] =	vst v63  }
0x7f: {  	s11 =	sadd.s32 s7, s13;
	s13 =	simm.s32 $0x380  }
0x80: {  	[tilespmem:s13], [sflag:$0x4] =	stream.linear.gather [hbm4b:s11+s3], $0x50, $0x38;
	[tilespmem:$0x1E400] =	vst v63  }
0x81: {  	_ =	swait.ge [sflag:s20], $0x50  }
0x82: {  	[sflag:s20] =	ssyncset.done $0x0  }
0x83: {  	[sflag:s20] =	ssyncadd.s32 $0xFFFFFFB0  }
0x84: {  	_ =	swait.ge [sflag:s20], $0x50  }
0x85: {  	[sflag:s20] =	ssyncset.done $0x0  }
0x86: {  	[sflag:s20] =	ssyncadd.s32 $0xFFFFFFB0  }
0x87: {  	[tilespmem:s22], [sflag:$0x5] =	stream.indirect.gather [hbm4b:s4+s21], $0x80, s3, s21, $0xb8;
	[tilespmem:$0x1E400] =	vst v63  }
0x88: {  	_ =	swait.ge [sflag:s23], $0x50  }
0x89: {  	[sflag:s23] =	ssyncset.done $0x0  }
0x8a: {  	[sflag:s23] =	ssyncadd.s32 $0xFFFFFFB0  }
0x8b: {  	_ =	swait.ge [sflag:s23], $0x50  }
0x8c: {  	[sflag:s23] =	ssyncset.done $0x0  }
0x8d: {  	[sflag:s23] =	ssyncadd.s32 $0xFFFFFFB0  }
0x8e: {  	[tilespmem:s24], [sflag:$0x6] =	stream.indirect.gather [hbm4b:s4+s21], $0x80, s16, s21, $0xb8;
	[tilespmem:$0x1E400] =	vst v63  }
0x8f: {  	_ =	swait.ge [sflag:s25], $0x50  }
0x90: {  	[sflag:s25] =	ssyncset.done $0x0  }
0x91: {  	[sflag:s25] =	ssyncadd.s32 $0xFFFFFFB0  }
0x92: {  	_ =	swait.ge [sflag:s25], $0x50  }
0x93: {  	[sflag:s25] =	ssyncset.done $0x0  }
0x94: {  	[sflag:s25] =	ssyncadd.s32 $0xFFFFFFB0  }
0x95: {  	[tilespmem:s26], [sflag:$0x7] =	stream.indirect.gather [hbm4b:s4+s21], $0x80, s18, s21, $0xb8;
	[tilespmem:$0x1E400] =	vst v63  }
0x96: {  	_ =	swait.ge [sflag:s28], $0x50  }
0x97: {  	[sflag:s28] =	ssyncset.done $0x0  }
0x98: {  	[sflag:s28] =	ssyncadd.s32 $0xFFFFFFB0  }
0x99: {  	_ =	swait.ge [sflag:s28], $0x50  }
0x9a: {  	[sflag:s28] =	ssyncset.done $0x0  }
0x9b: {  	[sflag:s28] =	ssyncadd.s32 $0xFFFFFFB0  }
0x9c: {  	[tilespmem:s29], [sflag:$0x8] =	stream.indirect.gather [hbm4b:s4+s21], $0x80, s14, s21, $0xb8;
	[tilespmem:$0x1E400] =	vst v63  }
0x9d: {  	_ =	swait.ge [sflag:s30], $0x2800  }
0x9e: {  	[sflag:s30] =	ssyncset.done $0x0  }
0x9f: {  	[sflag:s30] =	ssyncadd.s32 $0xFFFFD800  }
0xa0: {  	[spmem:s2] =	stream.indirect.scatter.add.f32 [tilespmem:s22], [sflag:$0x9], $0x80, s15, s21, $0xb8;
	[tilespmem:$0x1E400] =	vst v63  }
0xa1: {  	_ =	swait.ge [sflag:s31], $0x2800  }
0xa2: {  	[sflag:s31] =	ssyncset.done $0x0  }
0xa3: {  	[sflag:s31] =	ssyncadd.s32 $0xFFFFD800  }
0xa4: {  	[spmem:s2] =	stream.indirect.scatter.add.f32 [tilespmem:s24], [sflag:$0xA], $0x80, s17, s21, $0xb8;
	[tilespmem:$0x1E400] =	vst v63  }
0xa5: {  	_ =	swait.ge [sflag:s0], $0x2800  }
0xa6: {  	[sflag:s0] =	ssyncset.done $0x0  }
0xa7: {  	[sflag:s0] =	ssyncadd.s32 $0xFFFFD800  }
0xa8: {  	[spmem:s2] =	stream.indirect.scatter.add.f32 [tilespmem:s26], [sflag:$0xB], $0x80, s19, s21, $0xb8;
	[tilespmem:$0x1E400] =	vst v63  }
0xa9: {  	_ =	swait.ge [sflag:s1], $0x2800  }
0xaa: {  	[sflag:s1] =	ssyncset.done $0x0  }
0xab: {  	[sflag:s1] =	ssyncadd.s32 $0xFFFFD800  }
0xac: {  	[spmem:s2] =	stream.indirect.scatter.add.f32 [tilespmem:s29], [sflag:$0xC], $0x80, s13, s21, $0xb8;
	[tilespmem:$0x1E400] =	vst v63  }
0xad: {  	_ =	swait.ge [sflag:s5], $0x2800  }
0xae: {  	[sflag:s5] =	ssyncset.done $0x0  }
0xaf: {  	[sflag:s5] =	ssyncadd.s32 $0xFFFFD800  }
0xb0: {  	_ =	swait.ge [sflag:s6], $0x2800  }
0xb1: {  	[sflag:s6] =	ssyncset.done $0x0  }
0xb2: {  	p0 =	sne.s32 s12, $0x4B0;
	[sflag:s6] =	ssyncadd.s32 $0xFFFFD800  }
.Ltmp0:
0xb3: {  	_ =	swait.ge [sflag:s8], $0x2800;
	(pc) =	sbr.rel @p0 .LBB2_2-.Ltmp0, $4  }
0xb4: {  	[sflag:s8] =	ssyncset.done $0x0  }
0xb5: {  	[sflag:s8] =	ssyncadd.s32 $0xFFFFD800  }
0xb6: {  	s10 =	smov.u32 s12;
	s12 =	sadd.s32 $0x28, s12;
	_ =	swait.ge [sflag:s9], $0x2800  }
0xb7: {  	s7 =	smov.u32 s10;
	s11 =	rddreg [dreg:$0x4];
	[sflag:s9] =	ssyncset.done $0x0  }
0xb8: {  	s10 =	rddreg [dreg:$0x3];
	[sflag:s9] =	ssyncadd.s32 $0xFFFFD800;
	s11 =	sadd.s32 s7, s11  }
0xb9: {  	[tilespmem:s3], [sflag:$0x1] =	stream.linear.gather [hbm4b:s11+s3], $0x50, $0x38;
	[tilespmem:$0x1E400] =	vst v63  }
0xba: {  	s13 =	rddreg [dreg:$0xa];
	s12 =	simm.s32 $0x200;
	s10 =	sadd.s32 s7, s10  }
0xbb: {  	[tilespmem:s12], [sflag:$0x1] =	stream.linear.gather [hbm4b:s10+s3], $0x50, $0x38;
	[tilespmem:$0x1E400] =	vst v63  }
0xbc: {  	s14 =	rddreg [dreg:$0x9];
	s11 =	sadd.s32 s7, s13;
	s13 =	simm.s32 $0x80  }
0xbd: {  	[tilespmem:s13], [sflag:$0x2] =	stream.linear.gather [hbm4b:s11+s3], $0x50, $0x38;
	[tilespmem:$0x1E400] =	vst v63  }
0xbe: {  	s15 =	rddreg [dreg:$0x8];
	s10 =	sadd.s32 s7, s14;
	s14 =	simm.s32 $0x280  }
0xbf: {  	[tilespmem:s14], [sflag:$0x2] =	stream.linear.gather [hbm4b:s10+s3], $0x50, $0x38;
	[tilespmem:$0x1E400] =	vst v63  }
0xc0: {  	s16 =	rddreg [dreg:$0x7];
	s11 =	sadd.s32 s7, s15;
	s15 =	simm.s32 $0x100  }
0xc1: {  	[tilespmem:s15], [sflag:$0x3] =	stream.linear.gather [hbm4b:s11+s3], $0x50, $0x38;
	[tilespmem:$0x1E400] =	vst v63  }
0xc2: {  	s17 =	rddreg [dreg:$0x6];
	s10 =	sadd.s32 s7, s16;
	s16 =	simm.s32 $0x300  }
0xc3: {  	[tilespmem:s16], [sflag:$0x3] =	stream.linear.gather [hbm4b:s10+s3], $0x50, $0x38;
	[tilespmem:$0x1E400] =	vst v63  }
0xc4: {  	s11 =	sadd.s32 s7, s17;
	s17 =	simm.s32 $0x180;
	s10 =	rddreg [dreg:$0x5]  }
0xc5: {  	[tilespmem:s17], [sflag:$0x4] =	stream.linear.gather [hbm4b:s11+s3], $0x50, $0x38;
	[tilespmem:$0x1E400] =	vst v63  }
0xc6: {  	s10 =	sadd.s32 s7, s10;
	s11 =	simm.s32 $0x380  }
0xc7: {  	[tilespmem:s11], [sflag:$0x4] =	stream.linear.gather [hbm4b:s10+s3], $0x50, $0x38;
	[tilespmem:$0x1E400] =	vst v63  }
0xc8: {  	_ =	swait.ge [sflag:s20], $0x50  }
0xc9: {  	[sflag:s20] =	ssyncset.done $0x0  }
0xca: {  	[sflag:s20] =	ssyncadd.s32 $0xFFFFFFB0  }
0xcb: {  	_ =	swait.ge [sflag:s20], $0x50  }
0xcc: {  	[sflag:s20] =	ssyncset.done $0x0  }
0xcd: {  	[sflag:s20] =	ssyncadd.s32 $0xFFFFFFB0  }
0xce: {  	[tilespmem:s22], [sflag:$0x5] =	stream.indirect.gather [hbm4b:s4+s21], $0x80, s3, s21, $0xb8;
	[tilespmem:$0x1E400] =	vst v63  }
0xcf: {  	_ =	swait.ge [sflag:s23], $0x50  }
0xd0: {  	[sflag:s23] =	ssyncset.done $0x0  }
0xd1: {  	[sflag:s23] =	ssyncadd.s32 $0xFFFFFFB0  }
0xd2: {  	_ =	swait.ge [sflag:s23], $0x50  }
0xd3: {  	[sflag:s23] =	ssyncset.done $0x0  }
0xd4: {  	[sflag:s23] =	ssyncadd.s32 $0xFFFFFFB0  }
0xd5: {  	[tilespmem:s24], [sflag:$0x6] =	stream.indirect.gather [hbm4b:s4+s21], $0x80, s13, s21, $0xb8;
	[tilespmem:$0x1E400] =	vst v63  }
0xd6: {  	_ =	swait.ge [sflag:s25], $0x50  }
0xd7: {  	[sflag:s25] =	ssyncset.done $0x0  }
0xd8: {  	[sflag:s25] =	ssyncadd.s32 $0xFFFFFFB0  }
0xd9: {  	_ =	swait.ge [sflag:s25], $0x50  }
0xda: {  	[sflag:s25] =	ssyncset.done $0x0  }
0xdb: {  	[sflag:s25] =	ssyncadd.s32 $0xFFFFFFB0  }
0xdc: {  	[tilespmem:s26], [sflag:$0x7] =	stream.indirect.gather [hbm4b:s4+s21], $0x80, s15, s21, $0xb8;
	[tilespmem:$0x1E400] =	vst v63  }
0xdd: {  	_ =	swait.ge [sflag:s28], $0x50  }
0xde: {  	[sflag:s28] =	ssyncset.done $0x0  }
0xdf: {  	[sflag:s28] =	ssyncadd.s32 $0xFFFFFFB0  }
0xe0: {  	_ =	swait.ge [sflag:s28], $0x50  }
0xe1: {  	[sflag:s28] =	ssyncset.done $0x0  }
0xe2: {  	[sflag:s28] =	ssyncadd.s32 $0xFFFFFFB0  }
0xe3: {  	[tilespmem:s29], [sflag:$0x8] =	stream.indirect.gather [hbm4b:s4+s21], $0x80, s17, s21, $0xb8;
	[tilespmem:$0x1E400] =	vst v63  }
0xe4: {  	_ =	swait.ge [sflag:s30], $0x2800  }
0xe5: {  	[sflag:s30] =	ssyncset.done $0x0  }
0xe6: {  	[sflag:s30] =	ssyncadd.s32 $0xFFFFD800  }
0xe7: {  	[spmem:s2] =	stream.indirect.scatter.add.f32 [tilespmem:s22], [sflag:$0x9], $0x80, s12, s21, $0xb8;
	[tilespmem:$0x1E400] =	vst v63  }
0xe8: {  	_ =	swait.ge [sflag:s31], $0x2800  }
0xe9: {  	[sflag:s31] =	ssyncset.done $0x0  }
0xea: {  	[sflag:s31] =	ssyncadd.s32 $0xFFFFD800  }
0xeb: {  	[spmem:s2] =	stream.indirect.scatter.add.f32 [tilespmem:s24], [sflag:$0xA], $0x80, s14, s21, $0xb8;
	[tilespmem:$0x1E400] =	vst v63  }
0xec: {  	_ =	swait.ge [sflag:s0], $0x2800  }
0xed: {  	[sflag:s0] =	ssyncset.done $0x0  }
0xee: {  	[sflag:s0] =	ssyncadd.s32 $0xFFFFD800  }
0xef: {  	[spmem:s2] =	stream.indirect.scatter.add.f32 [tilespmem:s26], [sflag:$0xB], $0x80, s16, s21, $0xb8;
	[tilespmem:$0x1E400] =	vst v63  }
0xf0: {  	_ =	swait.ge [sflag:s1], $0x2800  }
0xf1: {  	[sflag:s1] =	ssyncset.done $0x0  }
0xf2: {  	[sflag:s1] =	ssyncadd.s32 $0xFFFFD800  }
0xf3: {  	[spmem:s2] =	stream.indirect.scatter.add.f32 [tilespmem:s29], [sflag:$0xC], $0x80, s11, s21, $0xb8;
	[tilespmem:$0x1E400] =	vst v63  }
0xf4: {  	_ =	swait.ge [sflag:s5], $0x2800  }
0xf5: {  	[sflag:s5] =	ssyncset.done $0x0  }
0xf6: {  	[sflag:s5] =	ssyncadd.s32 $0xFFFFD800  }
0xf7: {  	_ =	swait.ge [sflag:s6], $0x2800  }
0xf8: {  	[sflag:s6] =	ssyncset.done $0x0  }
0xf9: {  	[sflag:s6] =	ssyncadd.s32 $0xFFFFD800  }
0xfa: {  	_ =	swait.ge [sflag:s8], $0x2800  }
0xfb: {  	[sflag:s8] =	ssyncset.done $0x0  }
0xfc: {  	[sflag:s8] =	ssyncadd.s32 $0xFFFFD800  }
0xfd: {  	_ =	swait.ge [sflag:s9], $0x2800  }
0xfe: {  	[sflag:s9] =	ssyncset.done $0x0  }
0xff: {  	s11 =	rddreg [dreg:$0xe];
	[sflag:s9] =	ssyncadd.s32 $0xFFFFD800  }
0x100: {  	[tilespmem:s3], [sflag:$0x1] =	stream.linear.gather [hbm4b:s11+s3], $0x50, $0x38;
	[tilespmem:$0x1E400] =	vst v63  }
0x101: {  	s13 =	rddreg [dreg:$0xf]  }
0x102: {  	[tilespmem:s12], [sflag:$0x1] =	stream.linear.gather [hbm4b:s13+s3], $0x50, $0x38;
	[tilespmem:$0x1E400] =	vst v63  }
0x103: {  	_ =	swait.ge [sflag:s20], $0x50  }
0x104: {  	[sflag:s20] =	ssyncset.done $0x0  }
0x105: {  	[sflag:s20] =	ssyncadd.s32 $0xFFFFFFB0  }
0x106: {  	_ =	swait.ge [sflag:s20], $0x50  }
0x107: {  	[sflag:s20] =	ssyncset.done $0x0  }
0x108: {  	[sflag:s20] =	ssyncadd.s32 $0xFFFFFFB0  }
0x109: {  	[tilespmem:s22], [sflag:$0x5] =	stream.indirect.gather [hbm4b:s4+s21], $0x80, s3, s21, $0xb8;
	[tilespmem:$0x1E400] =	vst v63  }
0x10a: {  	_ =	swait.ge [sflag:s30], $0x2800  }
0x10b: {  	[sflag:s30] =	ssyncset.done $0x0  }
0x10c: {  	[sflag:s30] =	ssyncadd.s32 $0xFFFFD800  }
0x10d: {  	[spmem:s2] =	stream.indirect.scatter.add.f32 [tilespmem:s22], [sflag:$0x9], $0x80, s12, s21, $0xb8;
	[tilespmem:$0x1E400] =	vst v63  }
0x10e: {  	_ =	swait.ge [sflag:s5], $0x2800  }
0x10f: {  	[sflag:s5] =	ssyncset.done $0x0  }
0x110: {  	[sflag:s5] =	ssyncadd.s32 $0xFFFFD800  }
0x111: {  	[bflag:$0x0] =	sbarrier.arrive $0xFFFF  }
0x112: {  	s11 =	rddreg [dreg:$0xd]  }
0x113: {  	s14 =	rddreg [dreg:$0x10]  }
0x114: {  	s10 =	simm.s32 $0xD;
	s15 =	rddreg [dreg:$0x13]  }
0x115: {  	[hbm:s14], [sflag:s11] =	dma.local [spmem:s15], $0x2800  }
0x116: {  	_ =	swait.ge [sflag:s10], $0x2800  }
0x117: {  	s16 =	rddreg [dreg:$0x12]  }
0x118: {  	s17 =	rddreg [dreg:$0x11];
	s12 =	sadd.s32 $0x1, s16  }
0x119: {  	p0 =	sne.s32 s12, s17  }
.Ltmp1:
0x11a: {  	_ = 	snop;
	(pc) =	sbr.rel @p0 .LBB2_1-.Ltmp1, $3  }
0x11b: {  	_ =	sdelay $0x1  }
0x11c: {  	[sflag:s10] =	ssyncset.done $0x0  }
0x11d: {  	[sflag:s10] =	ssyncadd.s32 $0xFFFFD800  }
0x11e: {  	_ =	sfence.sel $0x180000  }
0x11f: {  	[bflag:$0x0] =	sbarrier.arrive $0xFFFF  }
0x120: {  	_ =	strace $0x9000004D  }
0x121: {  	s0 =	stileid.u32;
	[bflag:$0x2] =	sbarrier.arrive $0xFFFF  }
0x122: {  	p0 =	sne.s32 s0, $0x0;
	s0 =	rddreg [dreg:$0x2]  }
0x123: {  	s0 =	sadd.s32 @!p0 $0x100000, s0  }
0x124: {  	[sflag:s0] =	ssyncadd.tile.s32 @!p0 $0x1;
	_ =	shalt  }
.Lfunc_end2:
_tile_overlayer_lowered:
.L_overlay_start_2:
0x125: {  	(tag) =	ssettag $0x2  }
0x126: {  	s0 =	rddreg [dreg:$0x0];
	s2 =	stileid.u32  }
0x127: {  	s1 =	rddreg [dreg:$0x1];
	p0 =	sne.s32 s2, $0x0  }
0x128: {  	s3 =	rddreg [dreg:$0x2];
	[bflag:$0x3] =	sbarrier.arrive $0xFFFF;
	s2 =	simm.s32 @!p0 $0x1C0D  }
0x129: {  	[timem:s3], [sflag:s2] =	dma.local @!p0 [hbm:s0], s1  }
0x12a: {  	s0 =	simm.s32 @!p0 $0xD  }
0x12b: {  	_ =	swait.ge @!p0 [sflag:s0], s1  }
0x12c: {  	s1 =	ssub.s32 @!p0 $0x0, s1;
	[sflag:s0] =	ssyncset.done @!p0 $0x0  }
0x12d: {  	[sflag:s0] =	ssyncadd.s32 @!p0 s1  }
0x12e: {  	[bflag:$0x3] =	sbarrier.arrive $0xFFFF  }
0x12f: {  	_ =	shalt  }

// kernel: kernel.19.cloned.1.call-start
scs
__scs_entry_jumppad:
0x0: {  	(pc) =	sbr.rel $0x88, $3  }
0x1: {  	(tag) =	ssettag $0x0;
	lr =	simm.s32 $0x1  }
0x2: {  	[smem:$0x3F99] =	sst lr;
	_ =	strace $0xD0000000  }
0x3: {  	_ = 	snop  }
0x4: {  	_ = 	snop  }
0x5: {  	_ = 	snop  }
0x6: {  	_ = 	snop  }
0x7: {  	_ = 	snop  }
__scs_overlays_trampoline_lowered:
0x8: {  	[smem:$0x3FA8] =	sst s0  }
0x9: {  	[smem:$0x3FA9] =	sst s1  }
0xa: {  	[smem:$0x3FAA] =	sst s2  }
0xb: {  	[smem:$0x3FAB] =	sst s3  }
0xc: {  	[smem:$0x3FAC] =	sst s4  }
0xd: {  	[smem:$0x3FAD] =	sst s5  }
0xe: {  	[smem:$0x3FAE] =	sst s6  }
0xf: {  	[smem:$0x3FAF] =	sst s7  }
0x10: {  	[smem:$0x3FB0] =	sst s8  }
0x11: {  	[smem:$0x3FB1] =	sst s9;
	s0 =	simm.s32 @!p0 $0x0  }
0x12: {  	s1 =	sld [smem:$0x3F97];
	s0 =	simm.s32 @p0 $0x1  }
0x13: {  	[smem:$0x3FB2] =	sst s0;
	s0 =	simm.s32 @!p1 $0x0  }
0x14: {  	s2 =	sld [smem:$0x3F96];
	s0 =	simm.s32 @p1 $0x1  }
0x15: {  	[smem:$0x3FB3] =	sst s0;
	s0 =	simm.s32 @!p2 $0x0  }
0x16: {  	s3 =	sld [smem:$0x3FDB];
	s0 =	simm.s32 @p2 $0x1  }
0x17: {  	s4 =	simm.s32 $0x1BF5;
	[smem:$0x3FB5] =	sst s0  }
0x18: {  	s0 =	sld [smem:$0x3F98];
	_ =	swait.ge [sflag:s4], $0x0  }
0x19: {  	s7 =	sld [smem:$0x3F99]  }
0x1a: {  	s8 =	sadd.s32 $0xFFFFE003, lr  }
0x1b: {  	s9 =	sadd.s32 $0xFFFFFEF7, lr;
	s5 =	simm.s32 $0xFFFFFFFF;
	p2 =	slt.u32 s8, $0xFFFFF086  }
0x1c: {  	p1 =	slt.u32 s9, $0xF7A;
	s5 =	simm.s32 @!p2 $0x0  }
0x1d: {  	s5 =	simm.s32 @p1 $0x1;
	p0 =	seq.s32 s7, s2  }
0x1e: {  	s7 =	smul.u32 @!p0 $0xF7A, s2;
	p2 =	seq.s32 @!p0 s5, $0x0  }
0x1f: {  	s9 =	smul.u32 $0xF7A, s1;
	s8 =	simm.s32 @!p0 $0x1BF5;
	p2 =	por !p2, p0  }
0x20: {  	[sflag:s8] =	ssyncset.s32 @!p0 $0xFFFFF086;
	s6 =	sadd.s32 @!p0 s3, s7;
	s7 =	simm.s32 @!p0 $0x108  }
0x21: {  	s3 =	sadd.s32 s3, s9;
	s6 =	sadd.s32 @!p0 $0x88, s6;
	s7 =	simm.s32 @p2 $0x1082  }
0x22: {  	[simem:s7], [sflag:s8] =	dma.local @!p0 [hbm:s6], $0xF7A  }
0x23: {  	s9 =	sor.u32 $0xD0000000, s2;
	s6 =	simm.s32 $0x108;
	_ =	swait.ge @!p0 [sflag:s8], $0x0  }
0x24: {  	s3 =	sadd.s32 $0x88, s3;
	s6 =	simm.s32 @!p1 $0x1082;
	[sflag:s4] =	ssyncset.s32 $0xFFFFF086  }
0x25: {  	[simem:s6], [sflag:s4] =	dma.local [hbm:s3], $0xF7A  }
0x26: {  	[smem:$0x3F99] =	sst s1;
	(tag) =	ssettag s2;
	_ =	strace s9  }
0x27: {  	s1 =	sld [smem:$0x3FA9]  }
0x28: {  	s2 =	sld [smem:$0x3FAA]  }
0x29: {  	s4 =	sld [smem:$0x3FAC]  }
0x2a: {  	p0 =	seq.s32 s5, $0x0;
	s5 =	sld [smem:$0x3FAD]  }
0x2b: {  	s6 =	sld [smem:$0x3FAE]  }
0x2c: {  	s7 =	sld [smem:$0x3FAF]  }
0x2d: {  	s3 =	simm.s32 $0x108;
	s8 =	sld [smem:$0x3FB0]  }
0x2e: {  	s3 =	simm.s32 @!p0 $0x1082;
	s9 =	sld [smem:$0x3FB1]  }
0x2f: {  	lr =	sadd.s32 s0, s3;
	s0 =	sld [smem:$0x3FA8]  }
0x30: {  	s3 =	sld [smem:$0x3FAB]  }
0x31: {  	[smem:$0x3FB4] =	sst s10  }
0x32: {  	s10 =	sld [smem:$0x3FB2];
	_ =	sdelay $0x3  }
0x33: {  	p0 =	seq.s32 s10, $0x1;
	s10 =	sld [smem:$0x3FB4];
	_ =	sdelay $0x3  }
0x34: {  	[smem:$0x3FB4] =	sst s10  }
0x35: {  	s10 =	sld [smem:$0x3FB3];
	_ =	sdelay $0x3  }
0x36: {  	p1 =	seq.s32 s10, $0x1;
	s10 =	sld [smem:$0x3FB4];
	_ =	sdelay $0x3  }
0x37: {  	[smem:$0x3FB4] =	sst s10  }
0x38: {  	s10 =	sld [smem:$0x3FB5]  }
0x39: {  	_ = 	snop;
	(pc) =	sbr.ind lr, $3  }
0x3a: {  	_ = 	snop  }
0x3b: {  	_ = 	snop  }
0x3c: {  	p2 =	seq.s32 s10, $0x1;
	s10 =	sld [smem:$0x3FB4]  }
0x3d: {  	_ =	shalt  }
0x3e: {  	_ =	shalt  }
0x3f: {  	_ =	shalt  }
0x40: {  	_ =	shalt  }
0x41: {  	_ =	shalt  }
0x42: {  	_ =	shalt  }
0x43: {  	_ =	shalt  }
0x44: {  	_ =	shalt  }
0x45: {  	_ =	shalt  }
0x46: {  	_ =	shalt  }
0x47: {  	_ =	shalt  }
0x48: {  	_ =	shalt  }
0x49: {  	_ =	shalt  }
0x4a: {  	_ =	shalt  }
0x4b: {  	_ =	shalt  }
0x4c: {  	_ =	shalt  }
0x4d: {  	_ =	shalt  }
0x4e: {  	_ =	shalt  }
0x4f: {  	_ =	shalt  }
0x50: {  	_ =	shalt  }
0x51: {  	_ =	shalt  }
0x52: {  	_ =	shalt  }
0x53: {  	_ =	shalt  }
0x54: {  	_ =	shalt  }
0x55: {  	_ =	shalt  }
0x56: {  	_ =	shalt  }
0x57: {  	_ =	shalt  }
0x58: {  	_ =	shalt  }
0x59: {  	_ =	shalt  }
0x5a: {  	_ =	shalt  }
0x5b: {  	_ =	shalt  }
0x5c: {  	_ =	shalt  }
0x5d: {  	_ =	shalt  }
0x5e: {  	_ =	shalt  }
0x5f: {  	_ =	shalt  }
0x60: {  	_ =	shalt  }
0x61: {  	_ =	shalt  }
0x62: {  	_ =	shalt  }
0x63: {  	_ =	shalt  }
0x64: {  	_ =	shalt  }
0x65: {  	_ =	shalt  }
0x66: {  	_ =	shalt  }
0x67: {  	_ =	shalt  }
0x68: {  	_ =	shalt  }
0x69: {  	_ =	shalt  }
0x6a: {  	_ =	shalt  }
0x6b: {  	_ =	shalt  }
0x6c: {  	_ =	shalt  }
0x6d: {  	_ =	shalt  }
0x6e: {  	_ =	shalt  }
0x6f: {  	_ =	shalt  }
0x70: {  	_ =	shalt  }
0x71: {  	_ =	shalt  }
0x72: {  	_ =	shalt  }
0x73: {  	_ =	shalt  }
0x74: {  	_ =	shalt  }
0x75: {  	_ =	shalt  }
0x76: {  	_ =	shalt  }
0x77: {  	_ =	shalt  }
0x78: {  	_ =	shalt  }
0x79: {  	_ =	shalt  }
0x7a: {  	_ =	shalt  }
0x7b: {  	_ =	shalt  }
0x7c: {  	_ =	shalt  }
0x7d: {  	_ =	shalt  }
0x7e: {  	_ =	shalt  }
0x7f: {  	_ =	shalt  }
0x80: {  	_ =	shalt  }
0x81: {  	_ =	shalt  }
0x82: {  	_ =	shalt  }
0x83: {  	_ =	shalt  }
0x84: {  	_ =	shalt  }
0x85: {  	_ =	shalt  }
0x86: {  	_ =	shalt  }
0x87: {  	_ =	shalt  }
.Lfunc_end0:
.L_simem_size_0:
called_computation.3_lowered:
.L_overlay_start_0:
0x88: {  	s2 =	sld [smem:$0x3FD9]  }
0x89: {  	s3 =	sld [smem:$0x3FFE];
	_ =	sdelay $0x1  }
0x8a: {  	s1 =	srdreg.scid  }
0x8b: {  	s0 =	sand.u32 $0x1, s1  }
0x8c: {  	s16 =	sshll.u32 s0, $0xA;
	s2 =	sadd.s32 s3, s2  }
0x8d: {  	s2 =	sadd.s32 s2, s16  }
0x8e: {  	[smem:$0x3FC0] =	sst s2  }
0x8f: {  	_ = 	snop  }
0x90: {  	(tm) =	ssettm $0x1  }
0x91: {  	s17 =	sld [smem:$0x3FFB];
	_ =	sdelay $0x3  }
0x92: {  	_ =	strace s17  }
0x93: {  	s2 =	sld [smem:$0x3FFC];
	_ =	sdelay $0x3  }
0x94: {  	_ =	strace s2  }
0x95: {  	s2 =	sld [smem:$0x3FFD];
	_ =	sdelay $0x3  }
0x96: {  	_ =	strace s2  }
0x97: {  	_ =	strace $0x8FFFFFFF  }
0x98: {  	s18 =	sld [smem:$0x3FDB];
	_ =	sdelay $0x1  }
0x99: {  	s19 =	simm.s32 $_scs_section_size  }
0x9a: {  	s4 =	simm.s32 $_size__tile_overlayer_lowered;
	s5 =	simm.s32 $_tile_overlayer_lowered  }
0x9b: {  	s22 =	simm.s32 $0x1BFF;
	s21 =	sshll.u32 s5, $0x1;
	s2 =	sadd.s32 s19, s18  }
0x9c: {  	s6 =	simm.s32 $0x0;
	s20 =	sshll.u32 s4, $0x1;
	s4 =	sadd.s32 s21, s2  }
0x9d: {  	[timem:s6], [sflag:s22] =	dma.local [hbm:s4], s20  }
0x9e: {  	_ =	swait.ge [sflag:s22], s20  }
0x9f: {  	s3 =	ssub.s32 $0x0, s20;
	[sflag:s22] =	ssyncset.done $0x0  }
0xa0: {  	[sflag:s22] =	ssyncadd.s32 s3;
	_ =	sdelay $0x1  }
0xa1: {  	s23 =	simm.s32 $0x1B8B  }
0xa2: {  	_ =	swait.ge [sflag:s23], $0x1  }
0xa3: {  	[sflag:s23] =	ssyncset.done $0x0  }
0xa4: {  	s25 =	simm.s32 $0x1B8E;
	s24 =	sld [smem:$0x3FFE];
	[sflag:s23] =	ssyncadd.s32 $0xFFFFFFFF  }
0xa5: {  	s26 =	simm.s32 $execute0_lowered;
	[smem:$0x3FD2] =	sst s25  }
0xa6: {  	s4 =	sshll.u32 s26, $0x1;
	_ =	strace $0x8000004F;
	[dreg:$0x1] =	wrdreg $0xFFFFFFFF  }
0xa7: {  	s28 =	simm.s32 $_size_execute0_lowered;
	s2 =	sadd.s32 s2, s4;
	[dreg:$0x0] =	wrdreg $0x0  }
0xa8: {  	s4 =	sshll.u32 s28, $0x1;
	[dreg:$0x2] =	wrdreg s2  }
0xa9: {  	[dreg:$0x3] =	wrdreg s4  }
0xaa: {  	[dreg:$0x4] =	wrdreg $0xC0  }
0xab: {  	_ =	task [dreg:s6], $0x5FFFF  }
0xac: {  	[dreg:$0x1] =	wrdreg $0xFFFFFFFF  }
0xad: {  	[dreg:$0x0] =	wrdreg $0x60  }
0xae: {  	[dreg:$0x2] =	wrdreg s24  }
0xaf: {  	[dreg:$0x3] =	wrdreg $0xA4000  }
0xb0: {  	[dreg:$0x4] =	wrdreg $0x9  }
0xb1: {  	_ =	task.clear_ibuf [dreg:s6], $0x5FFFF;
	_ =	strace $0x9000004F  }
0xb2: {  	s29 =	simm.s32 $0x9;
	_ =	strace $0x80000051  }
0xb3: {  	_ =	swait.ge [sflag:s29], $0x1  }
0xb4: {  	[sflag:s29] =	ssyncadd.s32 $0xFFFFFFFF  }
0xb5: {  	_ =	strace $0x90000051  }
0xb6: {  	_ =	sfence  }
0xb7: {  	s30 =	sld [smem:$0x0];
	_ =	sdelay $0x2  }
0xb8: {  	s31 =	sshll.u32 s1, $0xD;
	s1 =	sshrl.u32 s1, $0x2  }
0xb9: {  	s3 =	sand.u32 $0x4000, s31;
	s1 =	sadd.s32 s1, s30  }
0xba: {  	s0 =	sor.u32 s3, s0;
	s1 =	sshll.u32 s1, $0x11  }
0xbb: {  	s0 =	sor.u32 s1, s0  }
0xbc: {  	s0 =	sadd.s32 $0x8F2B, s0  }
0xbd: {  	[sflag:s0] =	ssyncadd.remote.s32 $0x1  }
0xbe: {  	_ =	sfence.sel $0xFFFF  }
0xbf: {  	[dreg:$0x0] =	wrdreg $0xFFFFFFFF;
	(pc) =	sbr.abs _section_cstart, $3  }
0xc0: {  	[dreg:$0x1] =	wrdreg $0xFFFFFFFF  }
0xc1: {  	_ =	task.clear_ibuf [dreg:s6], $0x2FFFF;
	_ =	strace $0x9FFFFFFF  }
0xc2: {  	(tm) =	ssettm $0x7FFFFFFF  }
0xc3: {  	_ =	shalt  }
tec
execute0_lowered:
.L_overlay_start_1:
0x0: {  	(tag) =	ssettag $0x1  }
0x1: {  	s0 =	rddreg [dreg:$0x0]  }
0x2: {  	s2 =	rddreg [dreg:$0x1];
	s3 =	simm.s32 $0x0  }
0x3: {  	s13 =	stileid.u32;
	s5 =	srdreg.scid;
	s28 =	simm.s32 $0x4  }
0x4: {  	s29 =	simm.s32 $0x7C00;
	s30 =	simm.s32 $0x5;
	s31 =	simm.s32 $0x6  }
0x5: {  	[smem:$0x7FF] =	sst s3;
	s1 =	smul.u32 $0x14000, s13;
	s4 =	sadd.s32 $0x16800, s0  }
0x6: {  	s5 =	sand.u32 $0x1, s5;
	s6 =	sadd.s32 $0x2C00, s0;
	s25 =	smul.u32 $0x50000, s13  }
0x7: {  	s9 =	sadd.s32 $0xCA00, s0;
	s10 =	sshll.u32 s13, $0x1;
	s12 =	smul.u32 $0x4E20, s13  }
0x8: {  	_ =	strace $0x80000050;
	s8 =	smul.u32 $0x140000, s5;
	s10 =	sor.u32 s5, s10  }
0x9: {  	s11 =	ssub.s32 $0x2, s5;
	s5 =	smul.u32 $0x2710, s5;
	s7 =	sshrl.u32 s1, $0x3  }
0xa: {  	s10 =	smul.u32 $0x2710, s10;
	s26 =	sshrl.u32 s11, $0x1;
	s7 =	sadd.s32 s7, s0  }
0xb: {  	s1 =	sadd.s32 s1, s8;
	s8 =	sshrl.u32 s25, $0x2;
	s5 =	sadd.s32 s5, s12  }
0xc: {  	s12 =	simm.s32 $0x0;
	s1 =	sshrl.u32 s1, $0x3;
	s8 =	sadd.s32 s8, s2  }
0xd: {  	s7 =	sadd.s32 $0x3E800, s7;
	s10 =	sshrl.u32 s10, $0x3;
	s14 =	sshrl.u32 s5, $0x3  }
0xe: {  	s16 =	sadd.s32 $0xF0, s5;
	s20 =	sadd.s32 $0xA0, s5;
	s5 =	sadd.s32 $0x50, s5  }
0xf: {  	s0 =	sadd.s32 s1, s0;
	s1 =	ssub.s32 s11, s26;
	[dreg:$0xb] =	wrdreg s8  }
0x10: {  	[dreg:$0xc] =	wrdreg s7;
	s11 =	sshll.u32 s13, $0x6;
	s15 =	sadd.s32 s14, s9  }
0x11: {  	s7 =	sadd.s32 $0x4D8, s10;
	s17 =	sadd.s32 s14, s6;
	[dreg:$0x3] =	wrdreg s15  }
0x12: {  	s18 =	sshrl.u32 s16, $0x3;
	s13 =	sadd.s32 s6, s7;
	[dreg:$0x4] =	wrdreg s17  }
0x13: {  	s22 =	sshrl.u32 s20, $0x3;
	s7 =	sadd.s32 s9, s7;
	[dreg:$0xe] =	wrdreg s13  }
0x14: {  	s5 =	sshrl.u32 s5, $0x3;
	s19 =	sadd.s32 s18, s9;
	[dreg:$0xf] =	wrdreg s7  }
0x15: {  	s10 =	simm.s32 $0xD;
	s21 =	sadd.s32 s18, s6;
	[dreg:$0x5] =	wrdreg s19  }
0x16: {  	s20 =	simm.s32 $0x1;
	s23 =	sadd.s32 s22, s9;
	[dreg:$0x6] =	wrdreg s21  }
0x17: {  	s8 =	simm.s32 $0xB;
	s0 =	sadd.s32 $0x66800, s0;
	[dreg:$0x7] =	wrdreg s23  }
0x18: {  	s11 =	sor.u32 $0x1C0D, s11;
	s24 =	sadd.s32 s22, s6;
	[dreg:$0x10] =	wrdreg s0  }
0x19: {  	s25 =	sadd.s32 s5, s9;
	s1 =	smax.u32 s1, $0x1;
	[dreg:$0x8] =	wrdreg s24  }
0x1a: {  	s26 =	sadd.s32 s5, s6;
	s22 =	simm.s32 $0x400;
	[dreg:$0x11] =	wrdreg s1  }
0x1b: {  	s5 =	simm.s32 $0x9;
	s6 =	simm.s32 $0xA;
	[dreg:$0x9] =	wrdreg s25  }
0x1c: {  	s9 =	simm.s32 $0xC;
	s18 =	simm.s32 $0x100;
	[dreg:$0xa] =	wrdreg s26  }
0x1d: {  	s21 =	simm.s32 $0x50;
	s23 =	simm.s32 $0x2;
	s24 =	simm.s32 $0x2C00  }
0x1e: {  	s25 =	simm.s32 $0x3;
	s26 =	simm.s32 $0x5400;
	s0 =	simm.s32 $0x7  }
0x1f: {  	s1 =	simm.s32 $0x8;
	[dreg:$0xd] =	wrdreg s11;
	s19 =	simm.s32 $0x300  }
.LBB2_1:
0x20: {  	[dreg:$0x12] =	wrdreg s12  }
0x21: {  	s7 =	rddreg [dreg:$0xb]  }
0x22: {  	s17 =	rddreg [dreg:$0xc];
	s16 =	sshrl.u32 s7, $0x3  }
0x23: {  	[dreg:$0x13] =	wrdreg s16  }
0x24: {  	[spmem:s16], [sflag:s11] =	dma.local [hbm:s17], $0x2800  }
0x25: {  	_ =	swait.ge [sflag:s10], $0x2800  }
0x26: {  	[sflag:s10] =	ssyncset.done $0x0  }
0x27: {  	[sflag:s10] =	ssyncadd.s32 $0xFFFFD800  }
0x28: {  	[bflag:$0x0] =	sbarrier.arrive $0xFFFF  }
0x29: {  	s13 =	rddreg [dreg:$0x4]  }
0x2a: {  	s14 =	rddreg [dreg:$0x3];
	s7 =	sadd.s32 $0x0, s13  }
0x2b: {  	[tilespmem:s3], [sflag:$0x1] =	stream.linear.gather [hbm4b:s7+s3], $0x50, $0x38;
	[tilespmem:$0x1E400] =	vst v63  }
0x2c: {  	s10 =	simm.s32 $0x200;
	s15 =	rddreg [dreg:$0xa];
	s16 =	sadd.s32 $0x0, s14  }
0x2d: {  	[tilespmem:s10], [sflag:$0x1] =	stream.linear.gather [hbm4b:s16+s3], $0x50, $0x38;
	[tilespmem:$0x1E400] =	vst v63  }
0x2e: {  	s17 =	rddreg [dreg:$0x9];
	s14 =	sadd.s32 $0x0, s15;
	s13 =	simm.s32 $0x80  }
0x2f: {  	[tilespmem:s13], [sflag:$0x2] =	stream.linear.gather [hbm4b:s14+s3], $0x50, $0x38;
	[tilespmem:$0x1E400] =	vst v63  }
0x30: {  	s15 =	rddreg [dreg:$0x8];
	s16 =	sadd.s32 $0x0, s17;
	s14 =	simm.s32 $0x280  }
0x31: {  	[tilespmem:s14], [sflag:$0x2] =	stream.linear.gather [hbm4b:s16+s3], $0x50, $0x38;
	[tilespmem:$0x1E400] =	vst v63  }
0x32: {  	s17 =	rddreg [dreg:$0x7];
	s16 =	sadd.s32 $0x0, s15;
	s15 =	simm.s32 $0x100  }
0x33: {  	[tilespmem:s15], [sflag:$0x3] =	stream.linear.gather [hbm4b:s16+s3], $0x50, $0x38;
	[tilespmem:$0x1E400] =	vst v63  }
0x34: {  	s12 =	rddreg [dreg:$0x6];
	s17 =	sadd.s32 $0x0, s17;
	s16 =	simm.s32 $0x300  }
0x35: {  	[tilespmem:s16], [sflag:$0x3] =	stream.linear.gather [hbm4b:s17+s3], $0x50, $0x38;
	[tilespmem:$0x1E400] =	vst v63  }
0x36: {  	s11 =	rddreg [dreg:$0x5];
	s17 =	sadd.s32 $0x0, s12;
	s12 =	simm.s32 $0x180  }
0x37: {  	[tilespmem:s12], [sflag:$0x4] =	stream.linear.gather [hbm4b:s17+s3], $0x50, $0x38;
	[tilespmem:$0x1E400] =	vst v63  }
0x38: {  	s11 =	sadd.s32 $0x0, s11;
	s17 =	simm.s32 $0x380  }
0x39: {  	[tilespmem:s17], [sflag:$0x4] =	stream.linear.gather [hbm4b:s11+s3], $0x50, $0x38;
	[tilespmem:$0x1E400] =	vst v63  }
0x3a: {  	_ =	swait.ge [sflag:s20], $0x50  }
0x3b: {  	[sflag:s20] =	ssyncset.done $0x0  }
0x3c: {  	[sflag:s20] =	ssyncadd.s32 $0xFFFFFFB0  }
0x3d: {  	_ =	swait.ge [sflag:s20], $0x50  }
0x3e: {  	[sflag:s20] =	ssyncset.done $0x0  }
0x3f: {  	[sflag:s20] =	ssyncadd.s32 $0xFFFFFFB0  }
0x40: {  	[tilespmem:s22], [sflag:$0x5] =	stream.indirect.gather [hbm4b:s4+s21], $0x80, s3, s21, $0xb8;
	[tilespmem:$0x1E400] =	vst v63  }
0x41: {  	_ =	swait.ge [sflag:s23], $0x50  }
0x42: {  	[sflag:s23] =	ssyncset.done $0x0  }
0x43: {  	[sflag:s23] =	ssyncadd.s32 $0xFFFFFFB0  }
0x44: {  	_ =	swait.ge [sflag:s23], $0x50  }
0x45: {  	[sflag:s23] =	ssyncset.done $0x0  }
0x46: {  	[sflag:s23] =	ssyncadd.s32 $0xFFFFFFB0  }
0x47: {  	[tilespmem:s24], [sflag:$0x6] =	stream.indirect.gather [hbm4b:s4+s21], $0x80, s13, s21, $0xb8;
	[tilespmem:$0x1E400] =	vst v63  }
0x48: {  	_ =	swait.ge [sflag:s25], $0x50  }
0x49: {  	[sflag:s25] =	ssyncset.done $0x0  }
0x4a: {  	[sflag:s25] =	ssyncadd.s32 $0xFFFFFFB0  }
0x4b: {  	_ =	swait.ge [sflag:s25], $0x50  }
0x4c: {  	[sflag:s25] =	ssyncset.done $0x0  }
0x4d: {  	[sflag:s25] =	ssyncadd.s32 $0xFFFFFFB0  }
0x4e: {  	[tilespmem:s26], [sflag:$0x7] =	stream.indirect.gather [hbm4b:s4+s21], $0x80, s15, s21, $0xb8;
	[tilespmem:$0x1E400] =	vst v63  }
0x4f: {  	_ =	swait.ge [sflag:s28], $0x50  }
0x50: {  	[sflag:s28] =	ssyncset.done $0x0  }
0x51: {  	[sflag:s28] =	ssyncadd.s32 $0xFFFFFFB0  }
0x52: {  	_ =	swait.ge [sflag:s28], $0x50  }
0x53: {  	[sflag:s28] =	ssyncset.done $0x0  }
0x54: {  	[sflag:s28] =	ssyncadd.s32 $0xFFFFFFB0  }
0x55: {  	[tilespmem:s29], [sflag:$0x8] =	stream.indirect.gather [hbm4b:s4+s21], $0x80, s12, s21, $0xb8;
	[tilespmem:$0x1E400] =	vst v63  }
0x56: {  	_ =	swait.ge [sflag:s30], $0x2800  }
0x57: {  	[sflag:s30] =	ssyncset.done $0x0  }
0x58: {  	[sflag:s30] =	ssyncadd.s32 $0xFFFFD800  }
0x59: {  	[spmem:s2] =	stream.indirect.scatter.add.f32 [tilespmem:s22], [sflag:$0x9], $0x80, s10, s21, $0xb8;
	[tilespmem:$0x1E400] =	vst v63  }
0x5a: {  	_ =	swait.ge [sflag:s31], $0x2800  }
0x5b: {  	[sflag:s31] =	ssyncset.done $0x0  }
0x5c: {  	[sflag:s31] =	ssyncadd.s32 $0xFFFFD800  }
0x5d: {  	[spmem:s2] =	stream.indirect.scatter.add.f32 [tilespmem:s24], [sflag:$0xA], $0x80, s14, s21, $0xb8;
	[tilespmem:$0x1E400] =	vst v63  }
0x5e: {  	_ =	swait.ge [sflag:s0], $0x2800  }
0x5f: {  	[sflag:s0] =	ssyncset.done $0x0  }
0x60: {  	[sflag:s0] =	ssyncadd.s32 $0xFFFFD800  }
0x61: {  	[spmem:s2] =	stream.indirect.scatter.add.f32 [tilespmem:s26], [sflag:$0xB], $0x80, s16, s21, $0xb8;
	[tilespmem:$0x1E400] =	vst v63  }
0x62: {  	_ =	swait.ge [sflag:s1], $0x2800  }
0x63: {  	[sflag:s1] =	ssyncset.done $0x0  }
0x64: {  	[sflag:s1] =	ssyncadd.s32 $0xFFFFD800  }
0x65: {  	[spmem:s2] =	stream.indirect.scatter.add.f32 [tilespmem:s29], [sflag:$0xC], $0x80, s17, s21, $0xb8;
	[tilespmem:$0x1E400] =	vst v63  }
0x66: {  	_ =	swait.ge [sflag:s5], $0x2800  }
0x67: {  	[sflag:s5] =	ssyncset.done $0x0  }
0x68: {  	[sflag:s5] =	ssyncadd.s32 $0xFFFFD800  }
0x69: {  	_ =	swait.ge [sflag:s6], $0x2800  }
0x6a: {  	[sflag:s6] =	ssyncset.done $0x0  }
0x6b: {  	[sflag:s6] =	ssyncadd.s32 $0xFFFFD800  }
0x6c: {  	_ =	swait.ge [sflag:s8], $0x2800  }
0x6d: {  	[sflag:s8] =	ssyncset.done $0x0  }
0x6e: {  	[sflag:s8] =	ssyncadd.s32 $0xFFFFD800  }
0x6f: {  	s7 =	simm.s32 $0x28;
	_ =	swait.ge [sflag:s9], $0x2800  }
0x70: {  	s12 =	simm.s32 $0x50;
	s11 =	rddreg [dreg:$0x4];
	[sflag:s9] =	ssyncset.done $0x0  }
.LBB2_2:
0x71: {  	[sflag:s9] =	ssyncadd.s32 $0xFFFFD800;
	s13 =	rddreg [dreg:$0x3];
	s11 =	sadd.s32 s7, s11  }
0x72: {  	[tilespmem:s3], [sflag:$0x1] =	stream.linear.gather [hbm4b:s11+s3], $0x50, $0x38;
	[tilespmem:$0x1E400] =	vst v63  }
0x73: {  	s14 =	rddreg [dreg:$0xa];
	s15 =	simm.s32 $0x200;
	s16 =	sadd.s32 s7, s13  }
0x74: {  	[tilespmem:s15], [sflag:$0x1] =	stream.linear.gather [hbm4b:s16+s3], $0x50, $0x38;
	[tilespmem:$0x1E400] =	vst v63  }
0x75: {  	s13 =	rddreg [dreg:$0x9];
	s17 =	sadd.s32 s7, s14;
	s16 =	simm.s32 $0x80  }
0x76: {  	[tilespmem:s16], [sflag:$0x2] =	stream.linear.gather [hbm4b:s17+s3], $0x50, $0x38;
	[tilespmem:$0x1E400] =	vst v63  }
0x77: {  	s14 =	rddreg [dreg:$0x8];
	s11 =	sadd.s32 s7, s13;
	s17 =	simm.s32 $0x280  }
0x78: {  	[tilespmem:s17], [sflag:$0x2] =	stream.linear.gather [hbm4b:s11+s3], $0x50, $0x38;
	[tilespmem:$0x1E400] =	vst v63  }
0x79: {  	s13 =	rddreg [dreg:$0x7];
	s11 =	sadd.s32 s7, s14  }
0x7a: {  	[tilespmem:s18], [sflag:$0x3] =	stream.linear.gather [hbm4b:s11+s3], $0x50, $0x38;
	[tilespmem:$0x1E400] =	vst v63  }
0x7b: {  	s14 =	rddreg [dreg:$0x6];
	s11 =	sadd.s32 s7, s13  }
0x7c: {  	[tilespmem:s19], [sflag:$0x3] =	stream.linear.gather [hbm4b:s11+s3], $0x50, $0x38;
	[tilespmem:$0x1E400] =	vst v63  }
0x7d: {  	s13 =	rddreg [dreg:$0x5];
	s11 =	sadd.s32 s7, s14;
	s14 =	simm.s32 $0x180  }
0x7e: {  	[tilespmem:s14], [sflag:$0x4] =	stream.linear.gather [hbm4b:s11+s3], $0x50, $0x38;
	[tilespmem:$0x1E400] =	vst v63  }
0x7f: {  	s11 =	sadd.s32 s7, s13;
	s13 =	simm.s32 $0x380  }
0x80: {  	[tilespmem:s13], [sflag:$0x4] =	stream.linear.gather [hbm4b:s11+s3], $0x50, $0x38;
	[tilespmem:$0x1E400] =	vst v63  }
0x81: {  	_ =	swait.ge [sflag:s20], $0x50  }
0x82: {  	[sflag:s20] =	ssyncset.done $0x0  }
0x83: {  	[sflag:s20] =	ssyncadd.s32 $0xFFFFFFB0  }
0x84: {  	_ =	swait.ge [sflag:s20], $0x50  }
0x85: {  	[sflag:s20] =	ssyncset.done $0x0  }
0x86: {  	[sflag:s20] =	ssyncadd.s32 $0xFFFFFFB0  }
0x87: {  	[tilespmem:s22], [sflag:$0x5] =	stream.indirect.gather [hbm4b:s4+s21], $0x80, s3, s21, $0xb8;
	[tilespmem:$0x1E400] =	vst v63  }
0x88: {  	_ =	swait.ge [sflag:s23], $0x50  }
0x89: {  	[sflag:s23] =	ssyncset.done $0x0  }
0x8a: {  	[sflag:s23] =	ssyncadd.s32 $0xFFFFFFB0  }
0x8b: {  	_ =	swait.ge [sflag:s23], $0x50  }
0x8c: {  	[sflag:s23] =	ssyncset.done $0x0  }
0x8d: {  	[sflag:s23] =	ssyncadd.s32 $0xFFFFFFB0  }
0x8e: {  	[tilespmem:s24], [sflag:$0x6] =	stream.indirect.gather [hbm4b:s4+s21], $0x80, s16, s21, $0xb8;
	[tilespmem:$0x1E400] =	vst v63  }
0x8f: {  	_ =	swait.ge [sflag:s25], $0x50  }
0x90: {  	[sflag:s25] =	ssyncset.done $0x0  }
0x91: {  	[sflag:s25] =	ssyncadd.s32 $0xFFFFFFB0  }
0x92: {  	_ =	swait.ge [sflag:s25], $0x50  }
0x93: {  	[sflag:s25] =	ssyncset.done $0x0  }
0x94: {  	[sflag:s25] =	ssyncadd.s32 $0xFFFFFFB0  }
0x95: {  	[tilespmem:s26], [sflag:$0x7] =	stream.indirect.gather [hbm4b:s4+s21], $0x80, s18, s21, $0xb8;
	[tilespmem:$0x1E400] =	vst v63  }
0x96: {  	_ =	swait.ge [sflag:s28], $0x50  }
0x97: {  	[sflag:s28] =	ssyncset.done $0x0  }
0x98: {  	[sflag:s28] =	ssyncadd.s32 $0xFFFFFFB0  }
0x99: {  	_ =	swait.ge [sflag:s28], $0x50  }
0x9a: {  	[sflag:s28] =	ssyncset.done $0x0  }
0x9b: {  	[sflag:s28] =	ssyncadd.s32 $0xFFFFFFB0  }
0x9c: {  	[tilespmem:s29], [sflag:$0x8] =	stream.indirect.gather [hbm4b:s4+s21], $0x80, s14, s21, $0xb8;
	[tilespmem:$0x1E400] =	vst v63  }
0x9d: {  	_ =	swait.ge [sflag:s30], $0x2800  }
0x9e: {  	[sflag:s30] =	ssyncset.done $0x0  }
0x9f: {  	[sflag:s30] =	ssyncadd.s32 $0xFFFFD800  }
0xa0: {  	[spmem:s2] =	stream.indirect.scatter.add.f32 [tilespmem:s22], [sflag:$0x9], $0x80, s15, s21, $0xb8;
	[tilespmem:$0x1E400] =	vst v63  }
0xa1: {  	_ =	swait.ge [sflag:s31], $0x2800  }
0xa2: {  	[sflag:s31] =	ssyncset.done $0x0  }
0xa3: {  	[sflag:s31] =	ssyncadd.s32 $0xFFFFD800  }
0xa4: {  	[spmem:s2] =	stream.indirect.scatter.add.f32 [tilespmem:s24], [sflag:$0xA], $0x80, s17, s21, $0xb8;
	[tilespmem:$0x1E400] =	vst v63  }
0xa5: {  	_ =	swait.ge [sflag:s0], $0x2800  }
0xa6: {  	[sflag:s0] =	ssyncset.done $0x0  }
0xa7: {  	[sflag:s0] =	ssyncadd.s32 $0xFFFFD800  }
0xa8: {  	[spmem:s2] =	stream.indirect.scatter.add.f32 [tilespmem:s26], [sflag:$0xB], $0x80, s19, s21, $0xb8;
	[tilespmem:$0x1E400] =	vst v63  }
0xa9: {  	_ =	swait.ge [sflag:s1], $0x2800  }
0xaa: {  	[sflag:s1] =	ssyncset.done $0x0  }
0xab: {  	[sflag:s1] =	ssyncadd.s32 $0xFFFFD800  }
0xac: {  	[spmem:s2] =	stream.indirect.scatter.add.f32 [tilespmem:s29], [sflag:$0xC], $0x80, s13, s21, $0xb8;
	[tilespmem:$0x1E400] =	vst v63  }
0xad: {  	_ =	swait.ge [sflag:s5], $0x2800  }
0xae: {  	[sflag:s5] =	ssyncset.done $0x0  }
0xaf: {  	[sflag:s5] =	ssyncadd.s32 $0xFFFFD800  }
0xb0: {  	_ =	swait.ge [sflag:s6], $0x2800  }
0xb1: {  	[sflag:s6] =	ssyncset.done $0x0  }
0xb2: {  	p0 =	sne.s32 s12, $0x4B0;
	[sflag:s6] =	ssyncadd.s32 $0xFFFFD800  }
.Ltmp0:
0xb3: {  	_ =	swait.ge [sflag:s8], $0x2800;
	(pc) =	sbr.rel @p0 .LBB2_2-.Ltmp0, $4  }
0xb4: {  	[sflag:s8] =	ssyncset.done $0x0  }
0xb5: {  	[sflag:s8] =	ssyncadd.s32 $0xFFFFD800  }
0xb6: {  	s10 =	smov.u32 s12;
	s12 =	sadd.s32 $0x28, s12;
	_ =	swait.ge [sflag:s9], $0x2800  }
0xb7: {  	s7 =	smov.u32 s10;
	s11 =	rddreg [dreg:$0x4];
	[sflag:s9] =	ssyncset.done $0x0  }
0xb8: {  	s10 =	rddreg [dreg:$0x3];
	[sflag:s9] =	ssyncadd.s32 $0xFFFFD800;
	s11 =	sadd.s32 s7, s11  }
0xb9: {  	[tilespmem:s3], [sflag:$0x1] =	stream.linear.gather [hbm4b:s11+s3], $0x50, $0x38;
	[tilespmem:$0x1E400] =	vst v63  }
0xba: {  	s13 =	rddreg [dreg:$0xa];
	s12 =	simm.s32 $0x200;
	s10 =	sadd.s32 s7, s10  }
0xbb: {  	[tilespmem:s12], [sflag:$0x1] =	stream.linear.gather [hbm4b:s10+s3], $0x50, $0x38;
	[tilespmem:$0x1E400] =	vst v63  }
0xbc: {  	s14 =	rddreg [dreg:$0x9];
	s11 =	sadd.s32 s7, s13;
	s13 =	simm.s32 $0x80  }
0xbd: {  	[tilespmem:s13], [sflag:$0x2] =	stream.linear.gather [hbm4b:s11+s3], $0x50, $0x38;
	[tilespmem:$0x1E400] =	vst v63  }
0xbe: {  	s15 =	rddreg [dreg:$0x8];
	s10 =	sadd.s32 s7, s14;
	s14 =	simm.s32 $0x280  }
0xbf: {  	[tilespmem:s14], [sflag:$0x2] =	stream.linear.gather [hbm4b:s10+s3], $0x50, $0x38;
	[tilespmem:$0x1E400] =	vst v63  }
0xc0: {  	s16 =	rddreg [dreg:$0x7];
	s11 =	sadd.s32 s7, s15;
	s15 =	simm.s32 $0x100  }
0xc1: {  	[tilespmem:s15], [sflag:$0x3] =	stream.linear.gather [hbm4b:s11+s3], $0x50, $0x38;
	[tilespmem:$0x1E400] =	vst v63  }
0xc2: {  	s17 =	rddreg [dreg:$0x6];
	s10 =	sadd.s32 s7, s16;
	s16 =	simm.s32 $0x300  }
0xc3: {  	[tilespmem:s16], [sflag:$0x3] =	stream.linear.gather [hbm4b:s10+s3], $0x50, $0x38;
	[tilespmem:$0x1E400] =	vst v63  }
0xc4: {  	s11 =	sadd.s32 s7, s17;
	s17 =	simm.s32 $0x180;
	s10 =	rddreg [dreg:$0x5]  }
0xc5: {  	[tilespmem:s17], [sflag:$0x4] =	stream.linear.gather [hbm4b:s11+s3], $0x50, $0x38;
	[tilespmem:$0x1E400] =	vst v63  }
0xc6: {  	s10 =	sadd.s32 s7, s10;
	s11 =	simm.s32 $0x380  }
0xc7: {  	[tilespmem:s11], [sflag:$0x4] =	stream.linear.gather [hbm4b:s10+s3], $0x50, $0x38;
	[tilespmem:$0x1E400] =	vst v63  }
0xc8: {  	_ =	swait.ge [sflag:s20], $0x50  }
0xc9: {  	[sflag:s20] =	ssyncset.done $0x0  }
0xca: {  	[sflag:s20] =	ssyncadd.s32 $0xFFFFFFB0  }
0xcb: {  	_ =	swait.ge [sflag:s20], $0x50  }
0xcc: {  	[sflag:s20] =	ssyncset.done $0x0  }
0xcd: {  	[sflag:s20] =	ssyncadd.s32 $0xFFFFFFB0  }
0xce: {  	[tilespmem:s22], [sflag:$0x5] =	stream.indirect.gather [hbm4b:s4+s21], $0x80, s3, s21, $0xb8;
	[tilespmem:$0x1E400] =	vst v63  }
0xcf: {  	_ =	swait.ge [sflag:s23], $0x50  }
0xd0: {  	[sflag:s23] =	ssyncset.done $0x0  }
0xd1: {  	[sflag:s23] =	ssyncadd.s32 $0xFFFFFFB0  }
0xd2: {  	_ =	swait.ge [sflag:s23], $0x50  }
0xd3: {  	[sflag:s23] =	ssyncset.done $0x0  }
0xd4: {  	[sflag:s23] =	ssyncadd.s32 $0xFFFFFFB0  }
0xd5: {  	[tilespmem:s24], [sflag:$0x6] =	stream.indirect.gather [hbm4b:s4+s21], $0x80, s13, s21, $0xb8;
	[tilespmem:$0x1E400] =	vst v63  }
0xd6: {  	_ =	swait.ge [sflag:s25], $0x50  }
0xd7: {  	[sflag:s25] =	ssyncset.done $0x0  }
0xd8: {  	[sflag:s25] =	ssyncadd.s32 $0xFFFFFFB0  }
0xd9: {  	_ =	swait.ge [sflag:s25], $0x50  }
0xda: {  	[sflag:s25] =	ssyncset.done $0x0  }
0xdb: {  	[sflag:s25] =	ssyncadd.s32 $0xFFFFFFB0  }
0xdc: {  	[tilespmem:s26], [sflag:$0x7] =	stream.indirect.gather [hbm4b:s4+s21], $0x80, s15, s21, $0xb8;
	[tilespmem:$0x1E400] =	vst v63  }
0xdd: {  	_ =	swait.ge [sflag:s28], $0x50  }
0xde: {  	[sflag:s28] =	ssyncset.done $0x0  }
0xdf: {  	[sflag:s28] =	ssyncadd.s32 $0xFFFFFFB0  }
0xe0: {  	_ =	swait.ge [sflag:s28], $0x50  }
0xe1: {  	[sflag:s28] =	ssyncset.done $0x0  }
0xe2: {  	[sflag:s28] =	ssyncadd.s32 $0xFFFFFFB0  }
0xe3: {  	[tilespmem:s29], [sflag:$0x8] =	stream.indirect.gather [hbm4b:s4+s21], $0x80, s17, s21, $0xb8;
	[tilespmem:$0x1E400] =	vst v63  }
0xe4: {  	_ =	swait.ge [sflag:s30], $0x2800  }
0xe5: {  	[sflag:s30] =	ssyncset.done $0x0  }
0xe6: {  	[sflag:s30] =	ssyncadd.s32 $0xFFFFD800  }
0xe7: {  	[spmem:s2] =	stream.indirect.scatter.add.f32 [tilespmem:s22], [sflag:$0x9], $0x80, s12, s21, $0xb8;
	[tilespmem:$0x1E400] =	vst v63  }
0xe8: {  	_ =	swait.ge [sflag:s31], $0x2800  }
0xe9: {  	[sflag:s31] =	ssyncset.done $0x0  }
0xea: {  	[sflag:s31] =	ssyncadd.s32 $0xFFFFD800  }
0xeb: {  	[spmem:s2] =	stream.indirect.scatter.add.f32 [tilespmem:s24], [sflag:$0xA], $0x80, s14, s21, $0xb8;
	[tilespmem:$0x1E400] =	vst v63  }
0xec: {  	_ =	swait.ge [sflag:s0], $0x2800  }
0xed: {  	[sflag:s0] =	ssyncset.done $0x0  }
0xee: {  	[sflag:s0] =	ssyncadd.s32 $0xFFFFD800  }
0xef: {  	[spmem:s2] =	stream.indirect.scatter.add.f32 [tilespmem:s26], [sflag:$0xB], $0x80, s16, s21, $0xb8;
	[tilespmem:$0x1E400] =	vst v63  }
0xf0: {  	_ =	swait.ge [sflag:s1], $0x2800  }
0xf1: {  	[sflag:s1] =	ssyncset.done $0x0  }
0xf2: {  	[sflag:s1] =	ssyncadd.s32 $0xFFFFD800  }
0xf3: {  	[spmem:s2] =	stream.indirect.scatter.add.f32 [tilespmem:s29], [sflag:$0xC], $0x80, s11, s21, $0xb8;
	[tilespmem:$0x1E400] =	vst v63  }
0xf4: {  	_ =	swait.ge [sflag:s5], $0x2800  }
0xf5: {  	[sflag:s5] =	ssyncset.done $0x0  }
0xf6: {  	[sflag:s5] =	ssyncadd.s32 $0xFFFFD800  }
0xf7: {  	_ =	swait.ge [sflag:s6], $0x2800  }
0xf8: {  	[sflag:s6] =	ssyncset.done $0x0  }
0xf9: {  	[sflag:s6] =	ssyncadd.s32 $0xFFFFD800  }
0xfa: {  	_ =	swait.ge [sflag:s8], $0x2800  }
0xfb: {  	[sflag:s8] =	ssyncset.done $0x0  }
0xfc: {  	[sflag:s8] =	ssyncadd.s32 $0xFFFFD800  }
0xfd: {  	_ =	swait.ge [sflag:s9], $0x2800  }
0xfe: {  	[sflag:s9] =	ssyncset.done $0x0  }
0xff: {  	s11 =	rddreg [dreg:$0xe];
	[sflag:s9] =	ssyncadd.s32 $0xFFFFD800  }
0x100: {  	[tilespmem:s3], [sflag:$0x1] =	stream.linear.gather [hbm4b:s11+s3], $0x50, $0x38;
	[tilespmem:$0x1E400] =	vst v63  }
0x101: {  	s13 =	rddreg [dreg:$0xf]  }
0x102: {  	[tilespmem:s12], [sflag:$0x1] =	stream.linear.gather [hbm4b:s13+s3], $0x50, $0x38;
	[tilespmem:$0x1E400] =	vst v63  }
0x103: {  	_ =	swait.ge [sflag:s20], $0x50  }
0x104: {  	[sflag:s20] =	ssyncset.done $0x0  }
0x105: {  	[sflag:s20] =	ssyncadd.s32 $0xFFFFFFB0  }
0x106: {  	_ =	swait.ge [sflag:s20], $0x50  }
0x107: {  	[sflag:s20] =	ssyncset.done $0x0  }
0x108: {  	[sflag:s20] =	ssyncadd.s32 $0xFFFFFFB0  }
0x109: {  	[tilespmem:s22], [sflag:$0x5] =	stream.indirect.gather [hbm4b:s4+s21], $0x80, s3, s21, $0xb8;
	[tilespmem:$0x1E400] =	vst v63  }
0x10a: {  	_ =	swait.ge [sflag:s30], $0x2800  }
0x10b: {  	[sflag:s30] =	ssyncset.done $0x0  }
0x10c: {  	[sflag:s30] =	ssyncadd.s32 $0xFFFFD800  }
0x10d: {  	[spmem:s2] =	stream.indirect.scatter.add.f32 [tilespmem:s22], [sflag:$0x9], $0x80, s12, s21, $0xb8;
	[tilespmem:$0x1E400] =	vst v63  }
0x10e: {  	_ =	swait.ge [sflag:s5], $0x2800  }
0x10f: {  	[sflag:s5] =	ssyncset.done $0x0  }
0x110: {  	[sflag:s5] =	ssyncadd.s32 $0xFFFFD800  }
0x111: {  	[bflag:$0x0] =	sbarrier.arrive $0xFFFF  }
0x112: {  	s11 =	rddreg [dreg:$0xd]  }
0x113: {  	s14 =	rddreg [dreg:$0x10]  }
0x114: {  	s10 =	simm.s32 $0xD;
	s15 =	rddreg [dreg:$0x13]  }
0x115: {  	[hbm:s14], [sflag:s11] =	dma.local [spmem:s15], $0x2800  }
0x116: {  	_ =	swait.ge [sflag:s10], $0x2800  }
0x117: {  	s16 =	rddreg [dreg:$0x12]  }
0x118: {  	s17 =	rddreg [dreg:$0x11];
	s12 =	sadd.s32 $0x1, s16  }
0x119: {  	p0 =	sne.s32 s12, s17  }
.Ltmp1:
0x11a: {  	_ = 	snop;
	(pc) =	sbr.rel @p0 .LBB2_1-.Ltmp1, $3  }
0x11b: {  	_ =	sdelay $0x1  }
0x11c: {  	[sflag:s10] =	ssyncset.done $0x0  }
0x11d: {  	[sflag:s10] =	ssyncadd.s32 $0xFFFFD800  }
0x11e: {  	_ =	sfence.sel $0x180000  }
0x11f: {  	[bflag:$0x0] =	sbarrier.arrive $0xFFFF  }
0x120: {  	_ =	strace $0x90000050  }
0x121: {  	s0 =	stileid.u32;
	[bflag:$0x2] =	sbarrier.arrive $0xFFFF  }
0x122: {  	p0 =	sne.s32 s0, $0x0;
	s0 =	rddreg [dreg:$0x2]  }
0x123: {  	s0 =	sadd.s32 @!p0 $0x100000, s0  }
0x124: {  	[sflag:s0] =	ssyncadd.tile.s32 @!p0 $0x1;
	_ =	shalt  }
.Lfunc_end2:
_tile_overlayer_lowered:
.L_overlay_start_2:
0x125: {  	(tag) =	ssettag $0x2  }
0x126: {  	s0 =	rddreg [dreg:$0x0];
	s2 =	stileid.u32  }
0x127: {  	s1 =	rddreg [dreg:$0x1];
	p0 =	sne.s32 s2, $0x0  }
0x128: {  	s3 =	rddreg [dreg:$0x2];
	[bflag:$0x3] =	sbarrier.arrive $0xFFFF;
	s2 =	simm.s32 @!p0 $0x1C0D  }
0x129: {  	[timem:s3], [sflag:s2] =	dma.local @!p0 [hbm:s0], s1  }
0x12a: {  	s0 =	simm.s32 @!p0 $0xD  }
0x12b: {  	_ =	swait.ge @!p0 [sflag:s0], s1  }
0x12c: {  	s1 =	ssub.s32 @!p0 $0x0, s1;
	[sflag:s0] =	ssyncset.done @!p0 $0x0  }
0x12d: {  	[sflag:s0] =	ssyncadd.s32 @!p0 s1  }
0x12e: {  	[bflag:$0x3] =	sbarrier.arrive $0xFFFF  }
0x12f: {  	_ =	shalt  }

</sc_bundles>
